<compile_context>
chip_gen: v7x
topology: tpu7x:2x2x1
jax: 0.10.2.dev20260603
libtpu: 0.0.44.dev20260713+nightly
codegen_flags: <defaults>
</compile_context>

<pallas_src>
import functools

import jax
import jax.numpy as jnp
from jax import lax
from jax.experimental import pallas as pl
from jax.experimental.pallas import tpu as pltpu
from jax.experimental.pallas import tpu_sc as plsc

N = 10000
E = 320000
D = 128
G = 128
NC, NS = 2, 16
T = NC * NS
CHUNK = 128
NBUF = 2
NPH = 2
CPT = 80
HPT = CPT // NPH
EPT = CPT * CHUNK
NPAD = 10240
RPT = NPAD // NS

@functools.cache
def _mesh():
    return plsc.VectorSubcoreMesh(core_axis_name="c", subcore_axis_name="s")


def _fill(buf, value):
    @pl.loop(0, buf.shape[0])
    def _(i):
        @pl.loop(0, D // 16)
        def _(k):
            buf[i, pl.ds(k * 16, 16)] = jnp.full((16,), value, jnp.float32)


def _zero_shared(zbuf, shared, s):
    @pl.loop(0, RPT // CHUNK)
    def _(r):
        pltpu.sync_copy(zbuf, shared.at[pl.ds(s * RPT + r * CHUNK, CHUNK)])


@functools.cache
def _sc_hist_kernel():
    return pl.kernel(
        _sc_hist_body,
        mesh=_mesh(),
        out_type=jax.ShapeDtypeStruct((NC, NPAD, D), jnp.float32),
        scratch_types=[
            pltpu.VMEM((CPT, CHUNK), jnp.int32),
            pltpu.VMEM((CHUNK, D), jnp.float32),
            pltpu.VMEM_SHARED((NPAD, D), jnp.float32),
        ],
    )


def _sc_hist_body(dst_hbm, deg_hbm, dst_v, ones_v, hist_sh):
    c = lax.axis_index("c")
    s = lax.axis_index("s")
    wid = s * NC + c
    pltpu.sync_copy(dst_hbm.at[wid], dst_v)
    _fill(ones_v, 0.0)
    _zero_shared(ones_v, hist_sh, s)
    _fill(ones_v, 1.0)
    plsc.subcore_barrier()

    @pl.loop(0, CPT)
    def _(j):
        pltpu.sync_copy(ones_v, hist_sh.at[dst_v.at[j]], add=True)

    plsc.subcore_barrier()
    pltpu.sync_copy(hist_sh.at[pl.ds(s * RPT, RPT)],
                    deg_hbm.at[c].at[pl.ds(s * RPT, RPT)])


@functools.cache
def _sc_scatter_kernel():
    return pl.kernel(
        _sc_scatter_body,
        mesh=_mesh(),
        out_type=jax.ShapeDtypeStruct((NC, NPAD, D), jnp.float32),
        scratch_types=(
            [pltpu.VMEM((HPT, CHUNK), jnp.int32),
             pltpu.VMEM((HPT, CHUNK), jnp.int32)]
            + [pltpu.VMEM((CHUNK, D), jnp.float32)] * NBUF
            + [pltpu.VMEM_SHARED((NPAD, D), jnp.float32)]
            + [pltpu.SemaphoreType.DMA] * NBUF
        ),
    )


def _sc_scatter_body(y_hbm, src_hbm, dst_hbm, znd_hbm, acc_hbm,
                     src_v, dst_v, *rest):
    bufs = rest[:NBUF]
    acc_sh = rest[NBUF]
    sems = rest[NBUF + 1:]
    c = lax.axis_index("c")
    s = lax.axis_index("s")
    wid = s * NC + c
    pltpu.sync_copy(znd_hbm.at[pl.ds(s * RPT, RPT)],
                    acc_sh.at[pl.ds(s * RPT, RPT)])
    plsc.subcore_barrier()

    def gather(j, b):
        pltpu.make_async_copy(y_hbm.at[src_v.at[j]], bufs[b], sems[b]).start()

    def wait_scatter(j, b):
        pltpu.make_async_copy(y_hbm.at[src_v.at[j]], bufs[b], sems[b]).wait()
        pltpu.sync_copy(bufs[b], acc_sh.at[dst_v.at[j]], add=True)

    for ph in range(NPH):
        pltpu.sync_copy(src_hbm.at[wid].at[pl.ds(ph * HPT, HPT)], src_v)
        pltpu.sync_copy(dst_hbm.at[wid].at[pl.ds(ph * HPT, HPT)], dst_v)
        for b in range(NBUF):
            gather(b, b)

        @pl.loop(0, HPT // NBUF - 1)
        def _(p):
            base = p * NBUF
            for b in range(NBUF):
                wait_scatter(base + b, b)
                gather(base + NBUF + b, b)

        for b in range(NBUF):
            wait_scatter(HPT - NBUF + b, b)

    plsc.subcore_barrier()
    pltpu.sync_copy(acc_sh.at[pl.ds(s * RPT, RPT)],
                    acc_hbm.at[c].at[pl.ds(s * RPT, RPT)])


_RB = 1000


def _mm_body(x_ref, w_ref, o_ref):
    o_ref[...] = jnp.dot(x_ref[...], w_ref[...],
                         preferred_element_type=jnp.float32)


def _tc_matmul(x, w):
    return pl.pallas_call(
        _mm_body,
        grid=(N // _RB,),
        in_specs=[pl.BlockSpec((_RB, D), lambda i: (i, 0)),
                  pl.BlockSpec((D, D), lambda i: (0, 0))],
        out_specs=pl.BlockSpec((_RB, D), lambda i: (i, 0)),
        out_shape=jax.ShapeDtypeStruct((N, D), jnp.float32),
    )(x, w)


def _dis_y_body(degh_ref, xw_ref, dis_ref, y_ref):
    deg = degh_ref[0] + degh_ref[1] + 1.0
    dis = lax.rsqrt(deg)
    dis_ref[...] = dis[:, 0:16]
    y_ref[...] = xw_ref[...] * dis[:, 0:1]


def _tc_dis_y(degh, xw):
    return pl.pallas_call(
        _dis_y_body,
        grid=(N // _RB,),
        in_specs=[pl.BlockSpec((NC, _RB, D), lambda i: (0, i, 0)),
                  pl.BlockSpec((_RB, D), lambda i: (i, 0))],
        out_specs=[pl.BlockSpec((_RB, 16), lambda i: (i, 0)),
                   pl.BlockSpec((_RB, D), lambda i: (i, 0))],
        out_shape=[jax.ShapeDtypeStruct((N, 16), jnp.float32),
                   jax.ShapeDtypeStruct((N, D), jnp.float32)],
    )(degh, xw)


def _combine_mm_body(acc_ref, y_ref, dis_ref, b_ref, w_ref, y2_ref):
    dis = dis_ref[:, 0:1]
    h = dis * (acc_ref[0] + acc_ref[1] + y_ref[...]) + b_ref[...]
    h = jnp.maximum(h, 0.0)
    y2_ref[...] = jnp.dot(h, w_ref[...],
                          preferred_element_type=jnp.float32) * dis


def _tc_combine_mm(acc, y, dis, b, w):
    return pl.pallas_call(
        _combine_mm_body,
        grid=(N // _RB,),
        in_specs=[pl.BlockSpec((NC, _RB, D), lambda i: (0, i, 0)),
                  pl.BlockSpec((_RB, D), lambda i: (i, 0)),
                  pl.BlockSpec((_RB, 16), lambda i: (i, 0)),
                  pl.BlockSpec((1, D), lambda i: (0, 0)),
                  pl.BlockSpec((D, D), lambda i: (0, 0))],
        out_specs=pl.BlockSpec((_RB, D), lambda i: (i, 0)),
        out_shape=jax.ShapeDtypeStruct((N, D), jnp.float32),
    )(acc, y, dis, b, w)


def _pool_body(acc_ref, y2_ref, dis_ref, b_ref, batch_ref, wp_ref, bp_ref,
               out_ref, sums_sc, cnts_sc):
    i = pl.program_id(0)

    @pl.when(i == 0)
    def _():
        sums_sc[...] = jnp.zeros_like(sums_sc)
        cnts_sc[...] = jnp.zeros_like(cnts_sc)

    dis = dis_ref[:, 0:1]
    h2 = dis * (acc_ref[0] + acc_ref[1] + y2_ref[...]) + b_ref[...]
    gids = lax.broadcasted_iota(jnp.int32, (G, _RB), 0)
    oh = (batch_ref[0] == gids).astype(jnp.float32)
    sums_sc[...] += jnp.dot(oh, h2, preferred_element_type=jnp.float32)
    cnts_sc[...] += jnp.sum(oh, axis=1, keepdims=True)

    @pl.when(i == N // _RB - 1)
    def _():
        pooled = sums_sc[...] / jnp.maximum(cnts_sc[:, 0:1], 1.0)
        out_ref[...] = jnp.dot(pooled, wp_ref[...],
                               preferred_element_type=jnp.float32) + bp_ref[...]


def _tc_pool(acc, y2, dis, b, batch3d, wp_pad, bp_pad):
    return pl.pallas_call(
        _pool_body,
        grid=(N // _RB,),
        in_specs=[pl.BlockSpec((NC, _RB, D), lambda i: (0, i, 0)),
                  pl.BlockSpec((_RB, D), lambda i: (i, 0)),
                  pl.BlockSpec((_RB, 16), lambda i: (i, 0)),
                  pl.BlockSpec((1, D), lambda i: (0, 0)),
                  pl.BlockSpec((1, 1, _RB), lambda i: (i, 0, 0)),
                  pl.BlockSpec((D, D), lambda i: (0, 0)),
                  pl.BlockSpec((1, D), lambda i: (0, 0))],
        out_specs=pl.BlockSpec((G, D), lambda i: (0, 0)),
        out_shape=jax.ShapeDtypeStruct((G, D), jnp.float32),
        scratch_shapes=[pltpu.VMEM((G, D), jnp.float32),
                        pltpu.VMEM((G, 1), jnp.float32)],
    )(acc, y2, dis, b, batch3d, wp_pad, bp_pad)


def kernel(x, edge_index, batch, W1, b1, W2, b2, Wp, bp):
    src = edge_index[0].astype(jnp.int32)
    dst = edge_index[1].astype(jnp.int32)
    pad = T * EPT - E
    pad_dst = N + (jnp.arange(pad, dtype=jnp.int32) % (NPAD - N))
    pad_src = jnp.arange(pad, dtype=jnp.int32) % N
    src_t = jnp.concatenate([src, pad_src]).reshape(T, CPT, CHUNK)
    dst_t = jnp.concatenate([dst, pad_dst]).reshape(T, CPT, CHUNK)

    znd = jnp.zeros((NPAD, D), jnp.float32)
    degh = _sc_hist_kernel()(dst_t)
    xw1 = _tc_matmul(x, W1)
    dis, y1 = _tc_dis_y(degh, xw1)

    acc1 = _sc_scatter_kernel()(y1, src_t, dst_t, znd)
    y2 = _tc_combine_mm(acc1, y1, dis, b1.reshape(1, D), W2)

    acc2 = _sc_scatter_kernel()(y2, src_t, dst_t, znd)
    batch3d = batch.astype(jnp.int32).reshape(N // _RB, 1, _RB)
    wp_pad = jnp.pad(Wp, ((0, 0), (0, D - Wp.shape[1])))
    bp_pad = jnp.pad(bp, (0, D - bp.shape[0])).reshape(1, D)
    out_pad = _tc_pool(acc2, y2, dis, b2.reshape(1, D),
                       batch3d, wp_pad, bp_pad)
    return out_pad[:, :Wp.shape[1]]

# --- scband reference (transcript-rebuilt; emitter-appended) ---
"""Pipeline reference for scband-gnnclassifier-73985106641261 (READ-ONLY COPY).

The authoritative reference and input builder live on the scoring server;
editing this copy changes nothing except your own understanding.
"""

import jax, jax.numpy as jnp
import numpy as np

N_NODES = 10000
N_EDGES = 320000
D_IN = 128
D_HID = 128
D_OUT = 10
N_GRAPHS = 128


def setup_inputs(seed: int = 0) -> dict:
    key = jax.random.key(seed)
    ks = jax.random.split(key, 10)
    x = jax.random.normal(ks[0], (N_NODES, D_IN), dtype=jnp.float32)
    edge_index = jax.random.randint(ks[1], (2, N_EDGES), 0, N_NODES, dtype=jnp.int64)
    batch = jnp.sort(jax.random.randint(ks[2], (N_NODES,), 0, N_GRAPHS, dtype=jnp.int64))
    s1 = 1.0 / np.sqrt(D_IN)
    s2 = 1.0 / np.sqrt(D_HID)
    W1 = jax.random.uniform(ks[3], (D_IN, D_HID), jnp.float32, -s1, s1)
    b1 = jnp.zeros((D_HID,), jnp.float32)
    W2 = jax.random.uniform(ks[4], (D_HID, D_HID), jnp.float32, -s2, s2)
    b2 = jnp.zeros((D_HID,), jnp.float32)
    Wp = jax.random.uniform(ks[5], (D_HID, D_OUT), jnp.float32, -s2, s2)
    bp = jnp.zeros((D_OUT,), jnp.float32)
    return {"x": x, "edge_index": edge_index, "batch": batch,
            "W1": W1, "b1": b1, "W2": W2, "b2": b2, "Wp": Wp, "bp": bp}


def _gcn_conv(x, src, dst, W, b, num_nodes):
    # PyG GCNConv: add self-loops, symmetric normalization, linear transform, scatter-add, bias
    loop = jnp.arange(num_nodes, dtype=src.dtype)
    src_f = jnp.concatenate([src, loop])
    dst_f = jnp.concatenate([dst, loop])
    deg = jnp.zeros((num_nodes,), jnp.float32).at[dst_f].add(1.0)
    deg_inv_sqrt = jnp.where(deg > 0, deg ** -0.5, 0.0)
    norm = deg_inv_sqrt[src_f] * deg_inv_sqrt[dst_f]
    xw = x @ W
    msgs = jnp.take(xw, src_f, axis=0) * norm[:, None]
    out = jnp.zeros((num_nodes, W.shape[1]), jnp.float32).at[dst_f].add(msgs)
    return out + b


def reference(x, edge_index, batch, W1, b1, W2, b2, Wp, bp):
    src = edge_index[0]
    dst = edge_index[1]
    h = _gcn_conv(x, src, dst, W1, b1, N_NODES)
    h = jax.nn.relu(h)
    h = _gcn_conv(h, src, dst, W2, b2, N_NODES)
    # global_mean_pool
    sums = jax.ops.segment_sum(h, batch, num_segments=N_GRAPHS)
    counts = jax.ops.segment_sum(jnp.ones((N_NODES,), jnp.float32), batch, num_segments=N_GRAPHS)
    pooled = sums / jnp.clip(counts, 1.0)[:, None]
    return pooled @ Wp + bp

if __name__ == "__main__":
    import jax
    _d = setup_inputs()
    print(jax.jit(kernel)(*tuple(_d.values())))

</pallas_src>

<mosaic_0001>
#map = affine_map<(d0, d1) -> (0, 0)>
#map1 = affine_map<(d0, d1) -> (0, 0, 0)>
module attributes {stable_mosaic.version = 14 : i64} {
  func.func @_sc_scatter_body(%arg0: i32, %arg1: i32, %arg2: memref<10000x128xf32, #tpu.memory_space<hbm>>, %arg3: memref<32x80x128xi32, #tpu.memory_space<hbm>>, %arg4: memref<32x80x128xi32, #tpu.memory_space<hbm>>, %arg5: memref<10240x128xf32, #tpu.memory_space<hbm>>, %arg6: memref<2x10240x128xf32, #tpu.memory_space<hbm>>, %arg7: memref<40x128xi32, #tpu.memory_space<vmem>>, %arg8: memref<40x128xi32, #tpu.memory_space<vmem>>, %arg9: memref<128x128xf32, #tpu.memory_space<vmem>>, %arg10: memref<128x128xf32, #tpu.memory_space<vmem>>, %arg11: memref<10240x128xf32, #tpu.memory_space<vmem_shared>>, %arg12: memref<!tpu.dma_semaphore, #tpu.memory_space<semaphore_mem>>, %arg13: memref<!tpu.dma_semaphore, #tpu.memory_space<semaphore_mem>>) attributes {dimension_semantics = [#tpu.dimension_semantics<core_parallel>, #tpu.dimension_semantics<subcore_parallel>], iteration_bounds = array<i64: 2, 16>, scalar_prefetch = 0 : i64, scratch_operands = 7 : i64, tpu.core_type = #tpu.core_type<sc_vector_subcore>, window_params = [{transform_indices = #map}, {transform_indices = #map1}, {transform_indices = #map1}, {transform_indices = #map}, {transform_indices = #map1}]} {
    %mul3A = arith.constant 2 : i32
    %mul3A_0 = arith.muli %arg1, %mul3A : i32
    %add3A = arith.addi %mul3A_0, %arg0 : i32
    %mul3A_1 = arith.constant 640 : i32
    %mul3A_2 = arith.muli %arg1, %mul3A_1 : i32
    %mul3A_3 = arith.constant 640 : i32
    %mul3A_4 = arith.muli %arg1, %mul3A_3 : i32
    "tpu.region"() ({
      %run_scoped3A_76 = tpu.sem_alloc : memref<!tpu.dma_semaphore, #tpu.memory_space<semaphore_mem>>
      %dma_start3A_77 = arith.constant 0 : i32
      %dma_start3A_78 = tpu.memref_slice %arg11[%mul3A_4, %dma_start3A_77] : memref<10240x128xf32, #tpu.memory_space<vmem_shared>> -> memref<640x128xf32, #tpu.memory_space<vmem_shared>>
      %dma_start3A_79 = arith.constant 0 : i32
      %dma_start3A_80 = tpu.memref_slice %arg5[%mul3A_2, %dma_start3A_79] : memref<10240x128xf32, #tpu.memory_space<hbm>> -> memref<640x128xf32, #tpu.memory_space<hbm>>
      tpu.enqueue_dma source(%dma_start3A_80 : memref<640x128xf32, #tpu.memory_space<hbm>>) target(%dma_start3A_78 : memref<640x128xf32, #tpu.memory_space<vmem_shared>>) target_semaphore(%run_scoped3A_76 : memref<!tpu.dma_semaphore, #tpu.memory_space<semaphore_mem>>)
      %dma_wait3A_81 = arith.constant 0 : i32
      %dma_wait3A_82 = tpu.memref_slice %arg11[%mul3A_4, %dma_wait3A_81] : memref<10240x128xf32, #tpu.memory_space<vmem_shared>> -> memref<640x128xf32, #tpu.memory_space<vmem_shared>>
      %dma_wait3A_83 = arith.constant 0 : i32
      %dma_wait3A_84 = tpu.memref_slice %arg5[%mul3A_2, %dma_wait3A_83] : memref<10240x128xf32, #tpu.memory_space<hbm>> -> memref<640x128xf32, #tpu.memory_space<hbm>>
      tpu.wait_dma2 semaphore(%run_scoped3A_76 : memref<!tpu.dma_semaphore, #tpu.memory_space<semaphore_mem>>) src(%dma_wait3A_84 : memref<640x128xf32, #tpu.memory_space<hbm>>) dst(%dma_wait3A_82 : memref<640x128xf32, #tpu.memory_space<vmem_shared>>)
      tpu.yield
    }) : () -> ()
    %barrier3A = arith.constant 0 : index
    tpu.barrier barrier_id(%barrier3A)
    "tpu.region"() ({
      %run_scoped3A_76 = tpu.sem_alloc : memref<!tpu.dma_semaphore, #tpu.memory_space<semaphore_mem>>
      %dma_start3A_77 = arith.constant 0 : i32
      %dma_start3A_78 = arith.constant 0 : i32
      %dma_start3A_79 = tpu.memref_slice %arg3[%add3A, %dma_start3A_77, %dma_start3A_78] : memref<32x80x128xi32, #tpu.memory_space<hbm>> -> memref<1x80x128xi32, #tpu.memory_space<hbm>>
      %dma_start3A_80 = tpu.memref_squeeze %dma_start3A_79 : memref<1x80x128xi32, #tpu.memory_space<hbm>> -> memref<80x128xi32, #tpu.memory_space<hbm>>
      %dma_start3A_81 = arith.constant 0 : i32
      %dma_start3A_82 = arith.constant 0 : i32
      %dma_start3A_83 = tpu.memref_slice %dma_start3A_80[%dma_start3A_81, %dma_start3A_82] : memref<80x128xi32, #tpu.memory_space<hbm>> -> memref<40x128xi32, #tpu.memory_space<hbm>>
      %dma_start3A_84 = arith.constant 0 : i32
      %dma_start3A_85 = arith.constant 0 : i32
      %dma_start3A_86 = tpu.memref_slice %arg3[%add3A, %dma_start3A_84, %dma_start3A_85] : memref<32x80x128xi32, #tpu.memory_space<hbm>> -> memref<1x80x128xi32, #tpu.memory_space<hbm>>
      %dma_start3A_87 = tpu.memref_squeeze %dma_start3A_86 : memref<1x80x128xi32, #tpu.memory_space<hbm>> -> memref<80x128xi32, #tpu.memory_space<hbm>>
      %dma_start3A_88 = arith.constant 0 : i32
      %dma_start3A_89 = arith.constant 0 : i32
      %dma_start3A_90 = tpu.memref_slice %dma_start3A_87[%dma_start3A_88, %dma_start3A_89] : memref<80x128xi32, #tpu.memory_space<hbm>> -> memref<40x128xi32, #tpu.memory_space<hbm>>
      tpu.enqueue_dma source(%dma_start3A_90 : memref<40x128xi32, #tpu.memory_space<hbm>>) target(%arg7 : memref<40x128xi32, #tpu.memory_space<vmem>>) target_semaphore(%run_scoped3A_76 : memref<!tpu.dma_semaphore, #tpu.memory_space<semaphore_mem>>)
      %dma_wait3A_91 = arith.constant 0 : i32
      %dma_wait3A_92 = arith.constant 0 : i32
      %dma_wait3A_93 = tpu.memref_slice %arg3[%add3A, %dma_wait3A_91, %dma_wait3A_92] : memref<32x80x128xi32, #tpu.memory_space<hbm>> -> memref<1x80x128xi32, #tpu.memory_space<hbm>>
      %dma_wait3A_94 = tpu.memref_squeeze %dma_wait3A_93 : memref<1x80x128xi32, #tpu.memory_space<hbm>> -> memref<80x128xi32, #tpu.memory_space<hbm>>
      %dma_wait3A_95 = arith.constant 0 : i32
      %dma_wait3A_96 = arith.constant 0 : i32
      %dma_wait3A_97 = tpu.memref_slice %dma_wait3A_94[%dma_wait3A_95, %dma_wait3A_96] : memref<80x128xi32, #tpu.memory_space<hbm>> -> memref<40x128xi32, #tpu.memory_space<hbm>>
      %dma_wait3A_98 = arith.constant 0 : i32
      %dma_wait3A_99 = arith.constant 0 : i32
      %dma_wait3A_100 = tpu.memref_slice %arg3[%add3A, %dma_wait3A_98, %dma_wait3A_99] : memref<32x80x128xi32, #tpu.memory_space<hbm>> -> memref<1x80x128xi32, #tpu.memory_space<hbm>>
      %dma_wait3A_101 = tpu.memref_squeeze %dma_wait3A_100 : memref<1x80x128xi32, #tpu.memory_space<hbm>> -> memref<80x128xi32, #tpu.memory_space<hbm>>
      %dma_wait3A_102 = arith.constant 0 : i32
      %dma_wait3A_103 = arith.constant 0 : i32
      %dma_wait3A_104 = tpu.memref_slice %dma_wait3A_101[%dma_wait3A_102, %dma_wait3A_103] : memref<80x128xi32, #tpu.memory_space<hbm>> -> memref<40x128xi32, #tpu.memory_space<hbm>>
      tpu.wait_dma2 semaphore(%run_scoped3A_76 : memref<!tpu.dma_semaphore, #tpu.memory_space<semaphore_mem>>) src(%dma_wait3A_104 : memref<40x128xi32, #tpu.memory_space<hbm>>) dst(%arg7 : memref<40x128xi32, #tpu.memory_space<vmem>>)
      tpu.yield
    }) : () -> ()
    "tpu.region"() ({
      %run_scoped3A_76 = tpu.sem_alloc : memref<!tpu.dma_semaphore, #tpu.memory_space<semaphore_mem>>
      %dma_start3A_77 = arith.constant 0 : i32
      %dma_start3A_78 = arith.constant 0 : i32
      %dma_start3A_79 = tpu.memref_slice %arg4[%add3A, %dma_start3A_77, %dma_start3A_78] : memref<32x80x128xi32, #tpu.memory_space<hbm>> -> memref<1x80x128xi32, #tpu.memory_space<hbm>>
      %dma_start3A_80 = tpu.memref_squeeze %dma_start3A_79 : memref<1x80x128xi32, #tpu.memory_space<hbm>> -> memref<80x128xi32, #tpu.memory_space<hbm>>
      %dma_start3A_81 = arith.constant 0 : i32
      %dma_start3A_82 = arith.constant 0 : i32
      %dma_start3A_83 = tpu.memref_slice %dma_start3A_80[%dma_start3A_81, %dma_start3A_82] : memref<80x128xi32, #tpu.memory_space<hbm>> -> memref<40x128xi32, #tpu.memory_space<hbm>>
      %dma_start3A_84 = arith.constant 0 : i32
      %dma_start3A_85 = arith.constant 0 : i32
      %dma_start3A_86 = tpu.memref_slice %arg4[%add3A, %dma_start3A_84, %dma_start3A_85] : memref<32x80x128xi32, #tpu.memory_space<hbm>> -> memref<1x80x128xi32, #tpu.memory_space<hbm>>
      %dma_start3A_87 = tpu.memref_squeeze %dma_start3A_86 : memref<1x80x128xi32, #tpu.memory_space<hbm>> -> memref<80x128xi32, #tpu.memory_space<hbm>>
      %dma_start3A_88 = arith.constant 0 : i32
      %dma_start3A_89 = arith.constant 0 : i32
      %dma_start3A_90 = tpu.memref_slice %dma_start3A_87[%dma_start3A_88, %dma_start3A_89] : memref<80x128xi32, #tpu.memory_space<hbm>> -> memref<40x128xi32, #tpu.memory_space<hbm>>
      tpu.enqueue_dma source(%dma_start3A_90 : memref<40x128xi32, #tpu.memory_space<hbm>>) target(%arg8 : memref<40x128xi32, #tpu.memory_space<vmem>>) target_semaphore(%run_scoped3A_76 : memref<!tpu.dma_semaphore, #tpu.memory_space<semaphore_mem>>)
      %dma_wait3A_91 = arith.constant 0 : i32
      %dma_wait3A_92 = arith.constant 0 : i32
      %dma_wait3A_93 = tpu.memref_slice %arg4[%add3A, %dma_wait3A_91, %dma_wait3A_92] : memref<32x80x128xi32, #tpu.memory_space<hbm>> -> memref<1x80x128xi32, #tpu.memory_space<hbm>>
      %dma_wait3A_94 = tpu.memref_squeeze %dma_wait3A_93 : memref<1x80x128xi32, #tpu.memory_space<hbm>> -> memref<80x128xi32, #tpu.memory_space<hbm>>
      %dma_wait3A_95 = arith.constant 0 : i32
      %dma_wait3A_96 = arith.constant 0 : i32
      %dma_wait3A_97 = tpu.memref_slice %dma_wait3A_94[%dma_wait3A_95, %dma_wait3A_96] : memref<80x128xi32, #tpu.memory_space<hbm>> -> memref<40x128xi32, #tpu.memory_space<hbm>>
      %dma_wait3A_98 = arith.constant 0 : i32
      %dma_wait3A_99 = arith.constant 0 : i32
      %dma_wait3A_100 = tpu.memref_slice %arg4[%add3A, %dma_wait3A_98, %dma_wait3A_99] : memref<32x80x128xi32, #tpu.memory_space<hbm>> -> memref<1x80x128xi32, #tpu.memory_space<hbm>>
      %dma_wait3A_101 = tpu.memref_squeeze %dma_wait3A_100 : memref<1x80x128xi32, #tpu.memory_space<hbm>> -> memref<80x128xi32, #tpu.memory_space<hbm>>
      %dma_wait3A_102 = arith.constant 0 : i32
      %dma_wait3A_103 = arith.constant 0 : i32
      %dma_wait3A_104 = tpu.memref_slice %dma_wait3A_101[%dma_wait3A_102, %dma_wait3A_103] : memref<80x128xi32, #tpu.memory_space<hbm>> -> memref<40x128xi32, #tpu.memory_space<hbm>>
      tpu.wait_dma2 semaphore(%run_scoped3A_76 : memref<!tpu.dma_semaphore, #tpu.memory_space<semaphore_mem>>) src(%dma_wait3A_104 : memref<40x128xi32, #tpu.memory_space<hbm>>) dst(%arg8 : memref<40x128xi32, #tpu.memory_space<vmem>>)
      tpu.yield
    }) : () -> ()
    %dma_start3A = arith.constant 0 : i32
    %dma_start3A_5 = arith.constant 0 : i32
    %dma_start3A_6 = tpu.memref_slice %arg7[%dma_start3A, %dma_start3A_5] : memref<40x128xi32, #tpu.memory_space<vmem>> -> memref<1x128xi32, #tpu.memory_space<vmem>>
    %dma_start3A_7 = tpu.memref_squeeze %dma_start3A_6 : memref<1x128xi32, #tpu.memory_space<vmem>> -> memref<128xi32, #tpu.memory_space<vmem>>
    %dma_start3A_8 = arith.constant 0 : i32
    %dma_start3A_9 = arith.constant 0 : i32
    %dma_start3A_10 = tpu.memref_slice %arg2[%dma_start3A_8, %dma_start3A_9] : memref<10000x128xf32, #tpu.memory_space<hbm>> -> memref<10000x128xf32, #tpu.memory_space<hbm>>
    tpu.enqueue_indirect_dma source(%dma_start3A_10 : memref<10000x128xf32, #tpu.memory_space<hbm>>) target(%arg9 : memref<128x128xf32, #tpu.memory_space<vmem>>) offsets(%dma_start3A_7 : memref<128xi32, #tpu.memory_space<vmem>>) semaphore(%arg12 : memref<!tpu.dma_semaphore, #tpu.memory_space<semaphore_mem>>)
    %dma_start3A_11 = arith.constant 1 : i32
    %dma_start3A_12 = arith.constant 0 : i32
    %dma_start3A_13 = tpu.memref_slice %arg7[%dma_start3A_11, %dma_start3A_12] : memref<40x128xi32, #tpu.memory_space<vmem>> -> memref<1x128xi32, #tpu.memory_space<vmem>>
    %dma_start3A_14 = tpu.memref_squeeze %dma_start3A_13 : memref<1x128xi32, #tpu.memory_space<vmem>> -> memref<128xi32, #tpu.memory_space<vmem>>
    %dma_start3A_15 = arith.constant 0 : i32
    %dma_start3A_16 = arith.constant 0 : i32
    %dma_start3A_17 = tpu.memref_slice %arg2[%dma_start3A_15, %dma_start3A_16] : memref<10000x128xf32, #tpu.memory_space<hbm>> -> memref<10000x128xf32, #tpu.memory_space<hbm>>
    tpu.enqueue_indirect_dma source(%dma_start3A_17 : memref<10000x128xf32, #tpu.memory_space<hbm>>) target(%arg10 : memref<128x128xf32, #tpu.memory_space<vmem>>) offsets(%dma_start3A_14 : memref<128xi32, #tpu.memory_space<vmem>>) semaphore(%arg13 : memref<!tpu.dma_semaphore, #tpu.memory_space<semaphore_mem>>)
    %scan3A = arith.constant 0 : i32
    %scan3A_18 = arith.constant 19 : i32
    %scan3A_19 = arith.addi %scan3A, %scan3A_18 : i32
    %scan3A_20 = arith.constant 1 : i32
    scf.for %scan3A_76 = %scan3A to %scan3A_19 step %scan3A_20  : i32 {
      %mul3A_77 = arith.constant 1 : i32
      %mul3A_78 = arith.muli %scan3A_76, %mul3A_77 : i32
      %add3A_79 = arith.constant 0 : i32
      %add3A_80 = arith.addi %add3A_79, %mul3A_78 : i32
      %mul3A_81 = arith.constant 2 : i32
      %mul3A_82 = arith.muli %add3A_80, %mul3A_81 : i32
      %add3A_83 = arith.constant 0 : i32
      %add3A_84 = arith.addi %mul3A_82, %add3A_83 : i32
      %dma_wait3A_85 = arith.constant 0 : i32
      %dma_wait3A_86 = tpu.memref_slice %arg7[%add3A_84, %dma_wait3A_85] : memref<40x128xi32, #tpu.memory_space<vmem>> -> memref<1x128xi32, #tpu.memory_space<vmem>>
      %dma_wait3A_87 = tpu.memref_squeeze %dma_wait3A_86 : memref<1x128xi32, #tpu.memory_space<vmem>> -> memref<128xi32, #tpu.memory_space<vmem>>
      %dma_wait3A_88 = arith.constant 0 : i32
      %dma_wait3A_89 = arith.constant 0 : i32
      %dma_wait3A_90 = tpu.memref_slice %arg2[%dma_wait3A_88, %dma_wait3A_89] : memref<10000x128xf32, #tpu.memory_space<hbm>> -> memref<10000x128xf32, #tpu.memory_space<hbm>>
      tpu.wait_indirect_dma semaphore(%arg12 : memref<!tpu.dma_semaphore, #tpu.memory_space<semaphore_mem>>) src(%dma_wait3A_90 : memref<10000x128xf32, #tpu.memory_space<hbm>>) dst(%arg9 : memref<128x128xf32, #tpu.memory_space<vmem>>)
      "tpu.region"() ({
        %run_scoped3A_119 = tpu.sem_alloc : memref<!tpu.dma_semaphore, #tpu.memory_space<semaphore_mem>>
        %dma_start3A_120 = arith.constant 0 : i32
        %dma_start3A_121 = tpu.memref_slice %arg8[%add3A_84, %dma_start3A_120] : memref<40x128xi32, #tpu.memory_space<vmem>> -> memref<1x128xi32, #tpu.memory_space<vmem>>
        %dma_start3A_122 = tpu.memref_squeeze %dma_start3A_121 : memref<1x128xi32, #tpu.memory_space<vmem>> -> memref<128xi32, #tpu.memory_space<vmem>>
        %dma_start3A_123 = arith.constant 0 : i32
        %dma_start3A_124 = arith.constant 0 : i32
        %dma_start3A_125 = tpu.memref_slice %arg11[%dma_start3A_123, %dma_start3A_124] : memref<10240x128xf32, #tpu.memory_space<vmem_shared>> -> memref<10240x128xf32, #tpu.memory_space<vmem_shared>>
        tpu.enqueue_indirect_dma source(%arg9 : memref<128x128xf32, #tpu.memory_space<vmem>>) target(%dma_start3A_125 : memref<10240x128xf32, #tpu.memory_space<vmem_shared>>) offsets(%dma_start3A_122 : memref<128xi32, #tpu.memory_space<vmem>>) semaphore(%run_scoped3A_119 : memref<!tpu.dma_semaphore, #tpu.memory_space<semaphore_mem>>) {add = true}
        %dma_wait3A_126 = arith.constant 0 : i32
        %dma_wait3A_127 = tpu.memref_slice %arg8[%add3A_84, %dma_wait3A_126] : memref<40x128xi32, #tpu.memory_space<vmem>> -> memref<1x128xi32, #tpu.memory_space<vmem>>
        %dma_wait3A_128 = tpu.memref_squeeze %dma_wait3A_127 : memref<1x128xi32, #tpu.memory_space<vmem>> -> memref<128xi32, #tpu.memory_space<vmem>>
        %dma_wait3A_129 = arith.constant 0 : i32
        %dma_wait3A_130 = arith.constant 0 : i32
        %dma_wait3A_131 = tpu.memref_slice %arg11[%dma_wait3A_129, %dma_wait3A_130] : memref<10240x128xf32, #tpu.memory_space<vmem_shared>> -> memref<10240x128xf32, #tpu.memory_space<vmem_shared>>
        tpu.wait_indirect_dma semaphore(%run_scoped3A_119 : memref<!tpu.dma_semaphore, #tpu.memory_space<semaphore_mem>>) src(%arg9 : memref<128x128xf32, #tpu.memory_space<vmem>>) dst(%dma_wait3A_131 : memref<10240x128xf32, #tpu.memory_space<vmem_shared>>)
        tpu.yield
      }) : () -> ()
      %add3A_91 = arith.constant 2 : i32
      %add3A_92 = arith.addi %mul3A_82, %add3A_91 : i32
      %add3A_93 = arith.constant 0 : i32
      %add3A_94 = arith.addi %add3A_92, %add3A_93 : i32
      %dma_start3A_95 = arith.constant 0 : i32
      %dma_start3A_96 = tpu.memref_slice %arg7[%add3A_94, %dma_start3A_95] : memref<40x128xi32, #tpu.memory_space<vmem>> -> memref<1x128xi32, #tpu.memory_space<vmem>>
      %dma_start3A_97 = tpu.memref_squeeze %dma_start3A_96 : memref<1x128xi32, #tpu.memory_space<vmem>> -> memref<128xi32, #tpu.memory_space<vmem>>
      %dma_start3A_98 = arith.constant 0 : i32
      %dma_start3A_99 = arith.constant 0 : i32
      %dma_start3A_100 = tpu.memref_slice %arg2[%dma_start3A_98, %dma_start3A_99] : memref<10000x128xf32, #tpu.memory_space<hbm>> -> memref<10000x128xf32, #tpu.memory_space<hbm>>
      tpu.enqueue_indirect_dma source(%dma_start3A_100 : memref<10000x128xf32, #tpu.memory_space<hbm>>) target(%arg9 : memref<128x128xf32, #tpu.memory_space<vmem>>) offsets(%dma_start3A_97 : memref<128xi32, #tpu.memory_space<vmem>>) semaphore(%arg12 : memref<!tpu.dma_semaphore, #tpu.memory_space<semaphore_mem>>)
      %add3A_101 = arith.constant 1 : i32
      %add3A_102 = arith.addi %mul3A_82, %add3A_101 : i32
      %dma_wait3A_103 = arith.constant 0 : i32
      %dma_wait3A_104 = tpu.memref_slice %arg7[%add3A_102, %dma_wait3A_103] : memref<40x128xi32, #tpu.memory_space<vmem>> -> memref<1x128xi32, #tpu.memory_space<vmem>>
      %dma_wait3A_105 = tpu.memref_squeeze %dma_wait3A_104 : memref<1x128xi32, #tpu.memory_space<vmem>> -> memref<128xi32, #tpu.memory_space<vmem>>
      %dma_wait3A_106 = arith.constant 0 : i32
      %dma_wait3A_107 = arith.constant 0 : i32
      %dma_wait3A_108 = tpu.memref_slice %arg2[%dma_wait3A_106, %dma_wait3A_107] : memref<10000x128xf32, #tpu.memory_space<hbm>> -> memref<10000x128xf32, #tpu.memory_space<hbm>>
      tpu.wait_indirect_dma semaphore(%arg13 : memref<!tpu.dma_semaphore, #tpu.memory_space<semaphore_mem>>) src(%dma_wait3A_108 : memref<10000x128xf32, #tpu.memory_space<hbm>>) dst(%arg10 : memref<128x128xf32, #tpu.memory_space<vmem>>)
      "tpu.region"() ({
        %run_scoped3A_119 = tpu.sem_alloc : memref<!tpu.dma_semaphore, #tpu.memory_space<semaphore_mem>>
        %dma_start3A_120 = arith.constant 0 : i32
        %dma_start3A_121 = tpu.memref_slice %arg8[%add3A_102, %dma_start3A_120] : memref<40x128xi32, #tpu.memory_space<vmem>> -> memref<1x128xi32, #tpu.memory_space<vmem>>
        %dma_start3A_122 = tpu.memref_squeeze %dma_start3A_121 : memref<1x128xi32, #tpu.memory_space<vmem>> -> memref<128xi32, #tpu.memory_space<vmem>>
        %dma_start3A_123 = arith.constant 0 : i32
        %dma_start3A_124 = arith.constant 0 : i32
        %dma_start3A_125 = tpu.memref_slice %arg11[%dma_start3A_123, %dma_start3A_124] : memref<10240x128xf32, #tpu.memory_space<vmem_shared>> -> memref<10240x128xf32, #tpu.memory_space<vmem_shared>>
        tpu.enqueue_indirect_dma source(%arg10 : memref<128x128xf32, #tpu.memory_space<vmem>>) target(%dma_start3A_125 : memref<10240x128xf32, #tpu.memory_space<vmem_shared>>) offsets(%dma_start3A_122 : memref<128xi32, #tpu.memory_space<vmem>>) semaphore(%run_scoped3A_119 : memref<!tpu.dma_semaphore, #tpu.memory_space<semaphore_mem>>) {add = true}
        %dma_wait3A_126 = arith.constant 0 : i32
        %dma_wait3A_127 = tpu.memref_slice %arg8[%add3A_102, %dma_wait3A_126] : memref<40x128xi32, #tpu.memory_space<vmem>> -> memref<1x128xi32, #tpu.memory_space<vmem>>
        %dma_wait3A_128 = tpu.memref_squeeze %dma_wait3A_127 : memref<1x128xi32, #tpu.memory_space<vmem>> -> memref<128xi32, #tpu.memory_space<vmem>>
        %dma_wait3A_129 = arith.constant 0 : i32
        %dma_wait3A_130 = arith.constant 0 : i32
        %dma_wait3A_131 = tpu.memref_slice %arg11[%dma_wait3A_129, %dma_wait3A_130] : memref<10240x128xf32, #tpu.memory_space<vmem_shared>> -> memref<10240x128xf32, #tpu.memory_space<vmem_shared>>
        tpu.wait_indirect_dma semaphore(%run_scoped3A_119 : memref<!tpu.dma_semaphore, #tpu.memory_space<semaphore_mem>>) src(%arg10 : memref<128x128xf32, #tpu.memory_space<vmem>>) dst(%dma_wait3A_131 : memref<10240x128xf32, #tpu.memory_space<vmem_shared>>)
        tpu.yield
      }) : () -> ()
      %add3A_109 = arith.constant 2 : i32
      %add3A_110 = arith.addi %mul3A_82, %add3A_109 : i32
      %add3A_111 = arith.constant 1 : i32
      %add3A_112 = arith.addi %add3A_110, %add3A_111 : i32
      %dma_start3A_113 = arith.constant 0 : i32
      %dma_start3A_114 = tpu.memref_slice %arg7[%add3A_112, %dma_start3A_113] : memref<40x128xi32, #tpu.memory_space<vmem>> -> memref<1x128xi32, #tpu.memory_space<vmem>>
      %dma_start3A_115 = tpu.memref_squeeze %dma_start3A_114 : memref<1x128xi32, #tpu.memory_space<vmem>> -> memref<128xi32, #tpu.memory_space<vmem>>
      %dma_start3A_116 = arith.constant 0 : i32
      %dma_start3A_117 = arith.constant 0 : i32
      %dma_start3A_118 = tpu.memref_slice %arg2[%dma_start3A_116, %dma_start3A_117] : memref<10000x128xf32, #tpu.memory_space<hbm>> -> memref<10000x128xf32, #tpu.memory_space<hbm>>
      tpu.enqueue_indirect_dma source(%dma_start3A_118 : memref<10000x128xf32, #tpu.memory_space<hbm>>) target(%arg10 : memref<128x128xf32, #tpu.memory_space<vmem>>) offsets(%dma_start3A_115 : memref<128xi32, #tpu.memory_space<vmem>>) semaphore(%arg13 : memref<!tpu.dma_semaphore, #tpu.memory_space<semaphore_mem>>)
    }
    %scan3A_21 = arith.constant 19 : i32
    %dma_wait3A = arith.constant 38 : i32
    %dma_wait3A_22 = arith.constant 0 : i32
    %dma_wait3A_23 = tpu.memref_slice %arg7[%dma_wait3A, %dma_wait3A_22] : memref<40x128xi32, #tpu.memory_space<vmem>> -> memref<1x128xi32, #tpu.memory_space<vmem>>
    %dma_wait3A_24 = tpu.memref_squeeze %dma_wait3A_23 : memref<1x128xi32, #tpu.memory_space<vmem>> -> memref<128xi32, #tpu.memory_space<vmem>>
    %dma_wait3A_25 = arith.constant 0 : i32
    %dma_wait3A_26 = arith.constant 0 : i32
    %dma_wait3A_27 = tpu.memref_slice %arg2[%dma_wait3A_25, %dma_wait3A_26] : memref<10000x128xf32, #tpu.memory_space<hbm>> -> memref<10000x128xf32, #tpu.memory_space<hbm>>
    tpu.wait_indirect_dma semaphore(%arg12 : memref<!tpu.dma_semaphore, #tpu.memory_space<semaphore_mem>>) src(%dma_wait3A_27 : memref<10000x128xf32, #tpu.memory_space<hbm>>) dst(%arg9 : memref<128x128xf32, #tpu.memory_space<vmem>>)
    %run_scoped3A = arith.constant 38 : i32
    "tpu.region"() ({
      %run_scoped3A_76 = tpu.sem_alloc : memref<!tpu.dma_semaphore, #tpu.memory_space<semaphore_mem>>
      %dma_start3A_77 = arith.constant 0 : i32
      %dma_start3A_78 = tpu.memref_slice %arg8[%run_scoped3A, %dma_start3A_77] : memref<40x128xi32, #tpu.memory_space<vmem>> -> memref<1x128xi32, #tpu.memory_space<vmem>>
      %dma_start3A_79 = tpu.memref_squeeze %dma_start3A_78 : memref<1x128xi32, #tpu.memory_space<vmem>> -> memref<128xi32, #tpu.memory_space<vmem>>
      %dma_start3A_80 = arith.constant 0 : i32
      %dma_start3A_81 = arith.constant 0 : i32
      %dma_start3A_82 = tpu.memref_slice %arg11[%dma_start3A_80, %dma_start3A_81] : memref<10240x128xf32, #tpu.memory_space<vmem_shared>> -> memref<10240x128xf32, #tpu.memory_space<vmem_shared>>
      tpu.enqueue_indirect_dma source(%arg9 : memref<128x128xf32, #tpu.memory_space<vmem>>) target(%dma_start3A_82 : memref<10240x128xf32, #tpu.memory_space<vmem_shared>>) offsets(%dma_start3A_79 : memref<128xi32, #tpu.memory_space<vmem>>) semaphore(%run_scoped3A_76 : memref<!tpu.dma_semaphore, #tpu.memory_space<semaphore_mem>>) {add = true}
      %dma_wait3A_83 = arith.constant 0 : i32
      %dma_wait3A_84 = tpu.memref_slice %arg8[%run_scoped3A, %dma_wait3A_83] : memref<40x128xi32, #tpu.memory_space<vmem>> -> memref<1x128xi32, #tpu.memory_space<vmem>>
      %dma_wait3A_85 = tpu.memref_squeeze %dma_wait3A_84 : memref<1x128xi32, #tpu.memory_space<vmem>> -> memref<128xi32, #tpu.memory_space<vmem>>
      %dma_wait3A_86 = arith.constant 0 : i32
      %dma_wait3A_87 = arith.constant 0 : i32
      %dma_wait3A_88 = tpu.memref_slice %arg11[%dma_wait3A_86, %dma_wait3A_87] : memref<10240x128xf32, #tpu.memory_space<vmem_shared>> -> memref<10240x128xf32, #tpu.memory_space<vmem_shared>>
      tpu.wait_indirect_dma semaphore(%run_scoped3A_76 : memref<!tpu.dma_semaphore, #tpu.memory_space<semaphore_mem>>) src(%arg9 : memref<128x128xf32, #tpu.memory_space<vmem>>) dst(%dma_wait3A_88 : memref<10240x128xf32, #tpu.memory_space<vmem_shared>>)
      tpu.yield
    }) : () -> ()
    %dma_wait3A_28 = arith.constant 39 : i32
    %dma_wait3A_29 = arith.constant 0 : i32
    %dma_wait3A_30 = tpu.memref_slice %arg7[%dma_wait3A_28, %dma_wait3A_29] : memref<40x128xi32, #tpu.memory_space<vmem>> -> memref<1x128xi32, #tpu.memory_space<vmem>>
    %dma_wait3A_31 = tpu.memref_squeeze %dma_wait3A_30 : memref<1x128xi32, #tpu.memory_space<vmem>> -> memref<128xi32, #tpu.memory_space<vmem>>
    %dma_wait3A_32 = arith.constant 0 : i32
    %dma_wait3A_33 = arith.constant 0 : i32
    %dma_wait3A_34 = tpu.memref_slice %arg2[%dma_wait3A_32, %dma_wait3A_33] : memref<10000x128xf32, #tpu.memory_space<hbm>> -> memref<10000x128xf32, #tpu.memory_space<hbm>>
    tpu.wait_indirect_dma semaphore(%arg13 : memref<!tpu.dma_semaphore, #tpu.memory_space<semaphore_mem>>) src(%dma_wait3A_34 : memref<10000x128xf32, #tpu.memory_space<hbm>>) dst(%arg10 : memref<128x128xf32, #tpu.memory_space<vmem>>)
    %run_scoped3A_35 = arith.constant 39 : i32
    "tpu.region"() ({
      %run_scoped3A_76 = tpu.sem_alloc : memref<!tpu.dma_semaphore, #tpu.memory_space<semaphore_mem>>
      %dma_start3A_77 = arith.constant 0 : i32
      %dma_start3A_78 = tpu.memref_slice %arg8[%run_scoped3A_35, %dma_start3A_77] : memref<40x128xi32, #tpu.memory_space<vmem>> -> memref<1x128xi32, #tpu.memory_space<vmem>>
      %dma_start3A_79 = tpu.memref_squeeze %dma_start3A_78 : memref<1x128xi32, #tpu.memory_space<vmem>> -> memref<128xi32, #tpu.memory_space<vmem>>
      %dma_start3A_80 = arith.constant 0 : i32
      %dma_start3A_81 = arith.constant 0 : i32
      %dma_start3A_82 = tpu.memref_slice %arg11[%dma_start3A_80, %dma_start3A_81] : memref<10240x128xf32, #tpu.memory_space<vmem_shared>> -> memref<10240x128xf32, #tpu.memory_space<vmem_shared>>
      tpu.enqueue_indirect_dma source(%arg10 : memref<128x128xf32, #tpu.memory_space<vmem>>) target(%dma_start3A_82 : memref<10240x128xf32, #tpu.memory_space<vmem_shared>>) offsets(%dma_start3A_79 : memref<128xi32, #tpu.memory_space<vmem>>) semaphore(%run_scoped3A_76 : memref<!tpu.dma_semaphore, #tpu.memory_space<semaphore_mem>>) {add = true}
      %dma_wait3A_83 = arith.constant 0 : i32
      %dma_wait3A_84 = tpu.memref_slice %arg8[%run_scoped3A_35, %dma_wait3A_83] : memref<40x128xi32, #tpu.memory_space<vmem>> -> memref<1x128xi32, #tpu.memory_space<vmem>>
      %dma_wait3A_85 = tpu.memref_squeeze %dma_wait3A_84 : memref<1x128xi32, #tpu.memory_space<vmem>> -> memref<128xi32, #tpu.memory_space<vmem>>
      %dma_wait3A_86 = arith.constant 0 : i32
      %dma_wait3A_87 = arith.constant 0 : i32
      %dma_wait3A_88 = tpu.memref_slice %arg11[%dma_wait3A_86, %dma_wait3A_87] : memref<10240x128xf32, #tpu.memory_space<vmem_shared>> -> memref<10240x128xf32, #tpu.memory_space<vmem_shared>>
      tpu.wait_indirect_dma semaphore(%run_scoped3A_76 : memref<!tpu.dma_semaphore, #tpu.memory_space<semaphore_mem>>) src(%arg10 : memref<128x128xf32, #tpu.memory_space<vmem>>) dst(%dma_wait3A_88 : memref<10240x128xf32, #tpu.memory_space<vmem_shared>>)
      tpu.yield
    }) : () -> ()
    "tpu.region"() ({
      %run_scoped3A_76 = tpu.sem_alloc : memref<!tpu.dma_semaphore, #tpu.memory_space<semaphore_mem>>
      %dma_start3A_77 = arith.constant 0 : i32
      %dma_start3A_78 = arith.constant 0 : i32
      %dma_start3A_79 = tpu.memref_slice %arg3[%add3A, %dma_start3A_77, %dma_start3A_78] : memref<32x80x128xi32, #tpu.memory_space<hbm>> -> memref<1x80x128xi32, #tpu.memory_space<hbm>>
      %dma_start3A_80 = tpu.memref_squeeze %dma_start3A_79 : memref<1x80x128xi32, #tpu.memory_space<hbm>> -> memref<80x128xi32, #tpu.memory_space<hbm>>
      %dma_start3A_81 = arith.constant 40 : i32
      %dma_start3A_82 = arith.constant 0 : i32
      %dma_start3A_83 = tpu.memref_slice %dma_start3A_80[%dma_start3A_81, %dma_start3A_82] : memref<80x128xi32, #tpu.memory_space<hbm>> -> memref<40x128xi32, #tpu.memory_space<hbm>>
      %dma_start3A_84 = arith.constant 0 : i32
      %dma_start3A_85 = arith.constant 0 : i32
      %dma_start3A_86 = tpu.memref_slice %arg3[%add3A, %dma_start3A_84, %dma_start3A_85] : memref<32x80x128xi32, #tpu.memory_space<hbm>> -> memref<1x80x128xi32, #tpu.memory_space<hbm>>
      %dma_start3A_87 = tpu.memref_squeeze %dma_start3A_86 : memref<1x80x128xi32, #tpu.memory_space<hbm>> -> memref<80x128xi32, #tpu.memory_space<hbm>>
      %dma_start3A_88 = arith.constant 40 : i32
      %dma_start3A_89 = arith.constant 0 : i32
      %dma_start3A_90 = tpu.memref_slice %dma_start3A_87[%dma_start3A_88, %dma_start3A_89] : memref<80x128xi32, #tpu.memory_space<hbm>> -> memref<40x128xi32, #tpu.memory_space<hbm>>
      tpu.enqueue_dma source(%dma_start3A_90 : memref<40x128xi32, #tpu.memory_space<hbm>>) target(%arg7 : memref<40x128xi32, #tpu.memory_space<vmem>>) target_semaphore(%run_scoped3A_76 : memref<!tpu.dma_semaphore, #tpu.memory_space<semaphore_mem>>)
      %dma_wait3A_91 = arith.constant 0 : i32
      %dma_wait3A_92 = arith.constant 0 : i32
      %dma_wait3A_93 = tpu.memref_slice %arg3[%add3A, %dma_wait3A_91, %dma_wait3A_92] : memref<32x80x128xi32, #tpu.memory_space<hbm>> -> memref<1x80x128xi32, #tpu.memory_space<hbm>>
      %dma_wait3A_94 = tpu.memref_squeeze %dma_wait3A_93 : memref<1x80x128xi32, #tpu.memory_space<hbm>> -> memref<80x128xi32, #tpu.memory_space<hbm>>
      %dma_wait3A_95 = arith.constant 40 : i32
      %dma_wait3A_96 = arith.constant 0 : i32
      %dma_wait3A_97 = tpu.memref_slice %dma_wait3A_94[%dma_wait3A_95, %dma_wait3A_96] : memref<80x128xi32, #tpu.memory_space<hbm>> -> memref<40x128xi32, #tpu.memory_space<hbm>>
      %dma_wait3A_98 = arith.constant 0 : i32
      %dma_wait3A_99 = arith.constant 0 : i32
      %dma_wait3A_100 = tpu.memref_slice %arg3[%add3A, %dma_wait3A_98, %dma_wait3A_99] : memref<32x80x128xi32, #tpu.memory_space<hbm>> -> memref<1x80x128xi32, #tpu.memory_space<hbm>>
      %dma_wait3A_101 = tpu.memref_squeeze %dma_wait3A_100 : memref<1x80x128xi32, #tpu.memory_space<hbm>> -> memref<80x128xi32, #tpu.memory_space<hbm>>
      %dma_wait3A_102 = arith.constant 40 : i32
      %dma_wait3A_103 = arith.constant 0 : i32
      %dma_wait3A_104 = tpu.memref_slice %dma_wait3A_101[%dma_wait3A_102, %dma_wait3A_103] : memref<80x128xi32, #tpu.memory_space<hbm>> -> memref<40x128xi32, #tpu.memory_space<hbm>>
      tpu.wait_dma2 semaphore(%run_scoped3A_76 : memref<!tpu.dma_semaphore, #tpu.memory_space<semaphore_mem>>) src(%dma_wait3A_104 : memref<40x128xi32, #tpu.memory_space<hbm>>) dst(%arg7 : memref<40x128xi32, #tpu.memory_space<vmem>>)
      tpu.yield
    }) : () -> ()
    "tpu.region"() ({
      %run_scoped3A_76 = tpu.sem_alloc : memref<!tpu.dma_semaphore, #tpu.memory_space<semaphore_mem>>
      %dma_start3A_77 = arith.constant 0 : i32
      %dma_start3A_78 = arith.constant 0 : i32
      %dma_start3A_79 = tpu.memref_slice %arg4[%add3A, %dma_start3A_77, %dma_start3A_78] : memref<32x80x128xi32, #tpu.memory_space<hbm>> -> memref<1x80x128xi32, #tpu.memory_space<hbm>>
      %dma_start3A_80 = tpu.memref_squeeze %dma_start3A_79 : memref<1x80x128xi32, #tpu.memory_space<hbm>> -> memref<80x128xi32, #tpu.memory_space<hbm>>
      %dma_start3A_81 = arith.constant 40 : i32
      %dma_start3A_82 = arith.constant 0 : i32
      %dma_start3A_83 = tpu.memref_slice %dma_start3A_80[%dma_start3A_81, %dma_start3A_82] : memref<80x128xi32, #tpu.memory_space<hbm>> -> memref<40x128xi32, #tpu.memory_space<hbm>>
      %dma_start3A_84 = arith.constant 0 : i32
      %dma_start3A_85 = arith.constant 0 : i32
      %dma_start3A_86 = tpu.memref_slice %arg4[%add3A, %dma_start3A_84, %dma_start3A_85] : memref<32x80x128xi32, #tpu.memory_space<hbm>> -> memref<1x80x128xi32, #tpu.memory_space<hbm>>
      %dma_start3A_87 = tpu.memref_squeeze %dma_start3A_86 : memref<1x80x128xi32, #tpu.memory_space<hbm>> -> memref<80x128xi32, #tpu.memory_space<hbm>>
      %dma_start3A_88 = arith.constant 40 : i32
      %dma_start3A_89 = arith.constant 0 : i32
      %dma_start3A_90 = tpu.memref_slice %dma_start3A_87[%dma_start3A_88, %dma_start3A_89] : memref<80x128xi32, #tpu.memory_space<hbm>> -> memref<40x128xi32, #tpu.memory_space<hbm>>
      tpu.enqueue_dma source(%dma_start3A_90 : memref<40x128xi32, #tpu.memory_space<hbm>>) target(%arg8 : memref<40x128xi32, #tpu.memory_space<vmem>>) target_semaphore(%run_scoped3A_76 : memref<!tpu.dma_semaphore, #tpu.memory_space<semaphore_mem>>)
      %dma_wait3A_91 = arith.constant 0 : i32
      %dma_wait3A_92 = arith.constant 0 : i32
      %dma_wait3A_93 = tpu.memref_slice %arg4[%add3A, %dma_wait3A_91, %dma_wait3A_92] : memref<32x80x128xi32, #tpu.memory_space<hbm>> -> memref<1x80x128xi32, #tpu.memory_space<hbm>>
      %dma_wait3A_94 = tpu.memref_squeeze %dma_wait3A_93 : memref<1x80x128xi32, #tpu.memory_space<hbm>> -> memref<80x128xi32, #tpu.memory_space<hbm>>
      %dma_wait3A_95 = arith.constant 40 : i32
      %dma_wait3A_96 = arith.constant 0 : i32
      %dma_wait3A_97 = tpu.memref_slice %dma_wait3A_94[%dma_wait3A_95, %dma_wait3A_96] : memref<80x128xi32, #tpu.memory_space<hbm>> -> memref<40x128xi32, #tpu.memory_space<hbm>>
      %dma_wait3A_98 = arith.constant 0 : i32
      %dma_wait3A_99 = arith.constant 0 : i32
      %dma_wait3A_100 = tpu.memref_slice %arg4[%add3A, %dma_wait3A_98, %dma_wait3A_99] : memref<32x80x128xi32, #tpu.memory_space<hbm>> -> memref<1x80x128xi32, #tpu.memory_space<hbm>>
      %dma_wait3A_101 = tpu.memref_squeeze %dma_wait3A_100 : memref<1x80x128xi32, #tpu.memory_space<hbm>> -> memref<80x128xi32, #tpu.memory_space<hbm>>
      %dma_wait3A_102 = arith.constant 40 : i32
      %dma_wait3A_103 = arith.constant 0 : i32
      %dma_wait3A_104 = tpu.memref_slice %dma_wait3A_101[%dma_wait3A_102, %dma_wait3A_103] : memref<80x128xi32, #tpu.memory_space<hbm>> -> memref<40x128xi32, #tpu.memory_space<hbm>>
      tpu.wait_dma2 semaphore(%run_scoped3A_76 : memref<!tpu.dma_semaphore, #tpu.memory_space<semaphore_mem>>) src(%dma_wait3A_104 : memref<40x128xi32, #tpu.memory_space<hbm>>) dst(%arg8 : memref<40x128xi32, #tpu.memory_space<vmem>>)
      tpu.yield
    }) : () -> ()
    %dma_start3A_36 = arith.constant 0 : i32
    %dma_start3A_37 = arith.constant 0 : i32
    %dma_start3A_38 = tpu.memref_slice %arg7[%dma_start3A_36, %dma_start3A_37] : memref<40x128xi32, #tpu.memory_space<vmem>> -> memref<1x128xi32, #tpu.memory_space<vmem>>
    %dma_start3A_39 = tpu.memref_squeeze %dma_start3A_38 : memref<1x128xi32, #tpu.memory_space<vmem>> -> memref<128xi32, #tpu.memory_space<vmem>>
    %dma_start3A_40 = arith.constant 0 : i32
    %dma_start3A_41 = arith.constant 0 : i32
    %dma_start3A_42 = tpu.memref_slice %arg2[%dma_start3A_40, %dma_start3A_41] : memref<10000x128xf32, #tpu.memory_space<hbm>> -> memref<10000x128xf32, #tpu.memory_space<hbm>>
    tpu.enqueue_indirect_dma source(%dma_start3A_42 : memref<10000x128xf32, #tpu.memory_space<hbm>>) target(%arg9 : memref<128x128xf32, #tpu.memory_space<vmem>>) offsets(%dma_start3A_39 : memref<128xi32, #tpu.memory_space<vmem>>) semaphore(%arg12 : memref<!tpu.dma_semaphore, #tpu.memory_space<semaphore_mem>>)
    %dma_start3A_43 = arith.constant 1 : i32
    %dma_start3A_44 = arith.constant 0 : i32
    %dma_start3A_45 = tpu.memref_slice %arg7[%dma_start3A_43, %dma_start3A_44] : memref<40x128xi32, #tpu.memory_space<vmem>> -> memref<1x128xi32, #tpu.memory_space<vmem>>
    %dma_start3A_46 = tpu.memref_squeeze %dma_start3A_45 : memref<1x128xi32, #tpu.memory_space<vmem>> -> memref<128xi32, #tpu.memory_space<vmem>>
    %dma_start3A_47 = arith.constant 0 : i32
    %dma_start3A_48 = arith.constant 0 : i32
    %dma_start3A_49 = tpu.memref_slice %arg2[%dma_start3A_47, %dma_start3A_48] : memref<10000x128xf32, #tpu.memory_space<hbm>> -> memref<10000x128xf32, #tpu.memory_space<hbm>>
    tpu.enqueue_indirect_dma source(%dma_start3A_49 : memref<10000x128xf32, #tpu.memory_space<hbm>>) target(%arg10 : memref<128x128xf32, #tpu.memory_space<vmem>>) offsets(%dma_start3A_46 : memref<128xi32, #tpu.memory_space<vmem>>) semaphore(%arg13 : memref<!tpu.dma_semaphore, #tpu.memory_space<semaphore_mem>>)
    %scan3A_50 = arith.constant 0 : i32
    %scan3A_51 = arith.constant 19 : i32
    %scan3A_52 = arith.addi %scan3A_50, %scan3A_51 : i32
    %scan3A_53 = arith.constant 1 : i32
    scf.for %scan3A_76 = %scan3A_50 to %scan3A_52 step %scan3A_53  : i32 {
      %mul3A_77 = arith.constant 1 : i32
      %mul3A_78 = arith.muli %scan3A_76, %mul3A_77 : i32
      %add3A_79 = arith.constant 0 : i32
      %add3A_80 = arith.addi %add3A_79, %mul3A_78 : i32
      %mul3A_81 = arith.constant 2 : i32
      %mul3A_82 = arith.muli %add3A_80, %mul3A_81 : i32
      %add3A_83 = arith.constant 0 : i32
      %add3A_84 = arith.addi %mul3A_82, %add3A_83 : i32
      %dma_wait3A_85 = arith.constant 0 : i32
      %dma_wait3A_86 = tpu.memref_slice %arg7[%add3A_84, %dma_wait3A_85] : memref<40x128xi32, #tpu.memory_space<vmem>> -> memref<1x128xi32, #tpu.memory_space<vmem>>
      %dma_wait3A_87 = tpu.memref_squeeze %dma_wait3A_86 : memref<1x128xi32, #tpu.memory_space<vmem>> -> memref<128xi32, #tpu.memory_space<vmem>>
      %dma_wait3A_88 = arith.constant 0 : i32
      %dma_wait3A_89 = arith.constant 0 : i32
      %dma_wait3A_90 = tpu.memref_slice %arg2[%dma_wait3A_88, %dma_wait3A_89] : memref<10000x128xf32, #tpu.memory_space<hbm>> -> memref<10000x128xf32, #tpu.memory_space<hbm>>
      tpu.wait_indirect_dma semaphore(%arg12 : memref<!tpu.dma_semaphore, #tpu.memory_space<semaphore_mem>>) src(%dma_wait3A_90 : memref<10000x128xf32, #tpu.memory_space<hbm>>) dst(%arg9 : memref<128x128xf32, #tpu.memory_space<vmem>>)
      "tpu.region"() ({
        %run_scoped3A_119 = tpu.sem_alloc : memref<!tpu.dma_semaphore, #tpu.memory_space<semaphore_mem>>
        %dma_start3A_120 = arith.constant 0 : i32
        %dma_start3A_121 = tpu.memref_slice %arg8[%add3A_84, %dma_start3A_120] : memref<40x128xi32, #tpu.memory_space<vmem>> -> memref<1x128xi32, #tpu.memory_space<vmem>>
        %dma_start3A_122 = tpu.memref_squeeze %dma_start3A_121 : memref<1x128xi32, #tpu.memory_space<vmem>> -> memref<128xi32, #tpu.memory_space<vmem>>
        %dma_start3A_123 = arith.constant 0 : i32
        %dma_start3A_124 = arith.constant 0 : i32
        %dma_start3A_125 = tpu.memref_slice %arg11[%dma_start3A_123, %dma_start3A_124] : memref<10240x128xf32, #tpu.memory_space<vmem_shared>> -> memref<10240x128xf32, #tpu.memory_space<vmem_shared>>
        tpu.enqueue_indirect_dma source(%arg9 : memref<128x128xf32, #tpu.memory_space<vmem>>) target(%dma_start3A_125 : memref<10240x128xf32, #tpu.memory_space<vmem_shared>>) offsets(%dma_start3A_122 : memref<128xi32, #tpu.memory_space<vmem>>) semaphore(%run_scoped3A_119 : memref<!tpu.dma_semaphore, #tpu.memory_space<semaphore_mem>>) {add = true}
        %dma_wait3A_126 = arith.constant 0 : i32
        %dma_wait3A_127 = tpu.memref_slice %arg8[%add3A_84, %dma_wait3A_126] : memref<40x128xi32, #tpu.memory_space<vmem>> -> memref<1x128xi32, #tpu.memory_space<vmem>>
        %dma_wait3A_128 = tpu.memref_squeeze %dma_wait3A_127 : memref<1x128xi32, #tpu.memory_space<vmem>> -> memref<128xi32, #tpu.memory_space<vmem>>
        %dma_wait3A_129 = arith.constant 0 : i32
        %dma_wait3A_130 = arith.constant 0 : i32
        %dma_wait3A_131 = tpu.memref_slice %arg11[%dma_wait3A_129, %dma_wait3A_130] : memref<10240x128xf32, #tpu.memory_space<vmem_shared>> -> memref<10240x128xf32, #tpu.memory_space<vmem_shared>>
        tpu.wait_indirect_dma semaphore(%run_scoped3A_119 : memref<!tpu.dma_semaphore, #tpu.memory_space<semaphore_mem>>) src(%arg9 : memref<128x128xf32, #tpu.memory_space<vmem>>) dst(%dma_wait3A_131 : memref<10240x128xf32, #tpu.memory_space<vmem_shared>>)
        tpu.yield
      }) : () -> ()
      %add3A_91 = arith.constant 2 : i32
      %add3A_92 = arith.addi %mul3A_82, %add3A_91 : i32
      %add3A_93 = arith.constant 0 : i32
      %add3A_94 = arith.addi %add3A_92, %add3A_93 : i32
      %dma_start3A_95 = arith.constant 0 : i32
      %dma_start3A_96 = tpu.memref_slice %arg7[%add3A_94, %dma_start3A_95] : memref<40x128xi32, #tpu.memory_space<vmem>> -> memref<1x128xi32, #tpu.memory_space<vmem>>
      %dma_start3A_97 = tpu.memref_squeeze %dma_start3A_96 : memref<1x128xi32, #tpu.memory_space<vmem>> -> memref<128xi32, #tpu.memory_space<vmem>>
      %dma_start3A_98 = arith.constant 0 : i32
      %dma_start3A_99 = arith.constant 0 : i32
      %dma_start3A_100 = tpu.memref_slice %arg2[%dma_start3A_98, %dma_start3A_99] : memref<10000x128xf32, #tpu.memory_space<hbm>> -> memref<10000x128xf32, #tpu.memory_space<hbm>>
      tpu.enqueue_indirect_dma source(%dma_start3A_100 : memref<10000x128xf32, #tpu.memory_space<hbm>>) target(%arg9 : memref<128x128xf32, #tpu.memory_space<vmem>>) offsets(%dma_start3A_97 : memref<128xi32, #tpu.memory_space<vmem>>) semaphore(%arg12 : memref<!tpu.dma_semaphore, #tpu.memory_space<semaphore_mem>>)
      %add3A_101 = arith.constant 1 : i32
      %add3A_102 = arith.addi %mul3A_82, %add3A_101 : i32
      %dma_wait3A_103 = arith.constant 0 : i32
      %dma_wait3A_104 = tpu.memref_slice %arg7[%add3A_102, %dma_wait3A_103] : memref<40x128xi32, #tpu.memory_space<vmem>> -> memref<1x128xi32, #tpu.memory_space<vmem>>
      %dma_wait3A_105 = tpu.memref_squeeze %dma_wait3A_104 : memref<1x128xi32, #tpu.memory_space<vmem>> -> memref<128xi32, #tpu.memory_space<vmem>>
      %dma_wait3A_106 = arith.constant 0 : i32
      %dma_wait3A_107 = arith.constant 0 : i32
      %dma_wait3A_108 = tpu.memref_slice %arg2[%dma_wait3A_106, %dma_wait3A_107] : memref<10000x128xf32, #tpu.memory_space<hbm>> -> memref<10000x128xf32, #tpu.memory_space<hbm>>
      tpu.wait_indirect_dma semaphore(%arg13 : memref<!tpu.dma_semaphore, #tpu.memory_space<semaphore_mem>>) src(%dma_wait3A_108 : memref<10000x128xf32, #tpu.memory_space<hbm>>) dst(%arg10 : memref<128x128xf32, #tpu.memory_space<vmem>>)
      "tpu.region"() ({
        %run_scoped3A_119 = tpu.sem_alloc : memref<!tpu.dma_semaphore, #tpu.memory_space<semaphore_mem>>
        %dma_start3A_120 = arith.constant 0 : i32
        %dma_start3A_121 = tpu.memref_slice %arg8[%add3A_102, %dma_start3A_120] : memref<40x128xi32, #tpu.memory_space<vmem>> -> memref<1x128xi32, #tpu.memory_space<vmem>>
        %dma_start3A_122 = tpu.memref_squeeze %dma_start3A_121 : memref<1x128xi32, #tpu.memory_space<vmem>> -> memref<128xi32, #tpu.memory_space<vmem>>
        %dma_start3A_123 = arith.constant 0 : i32
        %dma_start3A_124 = arith.constant 0 : i32
        %dma_start3A_125 = tpu.memref_slice %arg11[%dma_start3A_123, %dma_start3A_124] : memref<10240x128xf32, #tpu.memory_space<vmem_shared>> -> memref<10240x128xf32, #tpu.memory_space<vmem_shared>>
        tpu.enqueue_indirect_dma source(%arg10 : memref<128x128xf32, #tpu.memory_space<vmem>>) target(%dma_start3A_125 : memref<10240x128xf32, #tpu.memory_space<vmem_shared>>) offsets(%dma_start3A_122 : memref<128xi32, #tpu.memory_space<vmem>>) semaphore(%run_scoped3A_119 : memref<!tpu.dma_semaphore, #tpu.memory_space<semaphore_mem>>) {add = true}
        %dma_wait3A_126 = arith.constant 0 : i32
        %dma_wait3A_127 = tpu.memref_slice %arg8[%add3A_102, %dma_wait3A_126] : memref<40x128xi32, #tpu.memory_space<vmem>> -> memref<1x128xi32, #tpu.memory_space<vmem>>
        %dma_wait3A_128 = tpu.memref_squeeze %dma_wait3A_127 : memref<1x128xi32, #tpu.memory_space<vmem>> -> memref<128xi32, #tpu.memory_space<vmem>>
        %dma_wait3A_129 = arith.constant 0 : i32
        %dma_wait3A_130 = arith.constant 0 : i32
        %dma_wait3A_131 = tpu.memref_slice %arg11[%dma_wait3A_129, %dma_wait3A_130] : memref<10240x128xf32, #tpu.memory_space<vmem_shared>> -> memref<10240x128xf32, #tpu.memory_space<vmem_shared>>
        tpu.wait_indirect_dma semaphore(%run_scoped3A_119 : memref<!tpu.dma_semaphore, #tpu.memory_space<semaphore_mem>>) src(%arg10 : memref<128x128xf32, #tpu.memory_space<vmem>>) dst(%dma_wait3A_131 : memref<10240x128xf32, #tpu.memory_space<vmem_shared>>)
        tpu.yield
      }) : () -> ()
      %add3A_109 = arith.constant 2 : i32
      %add3A_110 = arith.addi %mul3A_82, %add3A_109 : i32
      %add3A_111 = arith.constant 1 : i32
      %add3A_112 = arith.addi %add3A_110, %add3A_111 : i32
      %dma_start3A_113 = arith.constant 0 : i32
      %dma_start3A_114 = tpu.memref_slice %arg7[%add3A_112, %dma_start3A_113] : memref<40x128xi32, #tpu.memory_space<vmem>> -> memref<1x128xi32, #tpu.memory_space<vmem>>
      %dma_start3A_115 = tpu.memref_squeeze %dma_start3A_114 : memref<1x128xi32, #tpu.memory_space<vmem>> -> memref<128xi32, #tpu.memory_space<vmem>>
      %dma_start3A_116 = arith.constant 0 : i32
      %dma_start3A_117 = arith.constant 0 : i32
      %dma_start3A_118 = tpu.memref_slice %arg2[%dma_start3A_116, %dma_start3A_117] : memref<10000x128xf32, #tpu.memory_space<hbm>> -> memref<10000x128xf32, #tpu.memory_space<hbm>>
      tpu.enqueue_indirect_dma source(%dma_start3A_118 : memref<10000x128xf32, #tpu.memory_space<hbm>>) target(%arg10 : memref<128x128xf32, #tpu.memory_space<vmem>>) offsets(%dma_start3A_115 : memref<128xi32, #tpu.memory_space<vmem>>) semaphore(%arg13 : memref<!tpu.dma_semaphore, #tpu.memory_space<semaphore_mem>>)
    }
    %scan3A_54 = arith.constant 19 : i32
    %dma_wait3A_55 = arith.constant 38 : i32
    %dma_wait3A_56 = arith.constant 0 : i32
    %dma_wait3A_57 = tpu.memref_slice %arg7[%dma_wait3A_55, %dma_wait3A_56] : memref<40x128xi32, #tpu.memory_space<vmem>> -> memref<1x128xi32, #tpu.memory_space<vmem>>
    %dma_wait3A_58 = tpu.memref_squeeze %dma_wait3A_57 : memref<1x128xi32, #tpu.memory_space<vmem>> -> memref<128xi32, #tpu.memory_space<vmem>>
    %dma_wait3A_59 = arith.constant 0 : i32
    %dma_wait3A_60 = arith.constant 0 : i32
    %dma_wait3A_61 = tpu.memref_slice %arg2[%dma_wait3A_59, %dma_wait3A_60] : memref<10000x128xf32, #tpu.memory_space<hbm>> -> memref<10000x128xf32, #tpu.memory_space<hbm>>
    tpu.wait_indirect_dma semaphore(%arg12 : memref<!tpu.dma_semaphore, #tpu.memory_space<semaphore_mem>>) src(%dma_wait3A_61 : memref<10000x128xf32, #tpu.memory_space<hbm>>) dst(%arg9 : memref<128x128xf32, #tpu.memory_space<vmem>>)
    %run_scoped3A_62 = arith.constant 38 : i32
    "tpu.region"() ({
      %run_scoped3A_76 = tpu.sem_alloc : memref<!tpu.dma_semaphore, #tpu.memory_space<semaphore_mem>>
      %dma_start3A_77 = arith.constant 0 : i32
      %dma_start3A_78 = tpu.memref_slice %arg8[%run_scoped3A_62, %dma_start3A_77] : memref<40x128xi32, #tpu.memory_space<vmem>> -> memref<1x128xi32, #tpu.memory_space<vmem>>
      %dma_start3A_79 = tpu.memref_squeeze %dma_start3A_78 : memref<1x128xi32, #tpu.memory_space<vmem>> -> memref<128xi32, #tpu.memory_space<vmem>>
      %dma_start3A_80 = arith.constant 0 : i32
      %dma_start3A_81 = arith.constant 0 : i32
      %dma_start3A_82 = tpu.memref_slice %arg11[%dma_start3A_80, %dma_start3A_81] : memref<10240x128xf32, #tpu.memory_space<vmem_shared>> -> memref<10240x128xf32, #tpu.memory_space<vmem_shared>>
      tpu.enqueue_indirect_dma source(%arg9 : memref<128x128xf32, #tpu.memory_space<vmem>>) target(%dma_start3A_82 : memref<10240x128xf32, #tpu.memory_space<vmem_shared>>) offsets(%dma_start3A_79 : memref<128xi32, #tpu.memory_space<vmem>>) semaphore(%run_scoped3A_76 : memref<!tpu.dma_semaphore, #tpu.memory_space<semaphore_mem>>) {add = true}
      %dma_wait3A_83 = arith.constant 0 : i32
      %dma_wait3A_84 = tpu.memref_slice %arg8[%run_scoped3A_62, %dma_wait3A_83] : memref<40x128xi32, #tpu.memory_space<vmem>> -> memref<1x128xi32, #tpu.memory_space<vmem>>
      %dma_wait3A_85 = tpu.memref_squeeze %dma_wait3A_84 : memref<1x128xi32, #tpu.memory_space<vmem>> -> memref<128xi32, #tpu.memory_space<vmem>>
      %dma_wait3A_86 = arith.constant 0 : i32
      %dma_wait3A_87 = arith.constant 0 : i32
      %dma_wait3A_88 = tpu.memref_slice %arg11[%dma_wait3A_86, %dma_wait3A_87] : memref<10240x128xf32, #tpu.memory_space<vmem_shared>> -> memref<10240x128xf32, #tpu.memory_space<vmem_shared>>
      tpu.wait_indirect_dma semaphore(%run_scoped3A_76 : memref<!tpu.dma_semaphore, #tpu.memory_space<semaphore_mem>>) src(%arg9 : memref<128x128xf32, #tpu.memory_space<vmem>>) dst(%dma_wait3A_88 : memref<10240x128xf32, #tpu.memory_space<vmem_shared>>)
      tpu.yield
    }) : () -> ()
    %dma_wait3A_63 = arith.constant 39 : i32
    %dma_wait3A_64 = arith.constant 0 : i32
    %dma_wait3A_65 = tpu.memref_slice %arg7[%dma_wait3A_63, %dma_wait3A_64] : memref<40x128xi32, #tpu.memory_space<vmem>> -> memref<1x128xi32, #tpu.memory_space<vmem>>
    %dma_wait3A_66 = tpu.memref_squeeze %dma_wait3A_65 : memref<1x128xi32, #tpu.memory_space<vmem>> -> memref<128xi32, #tpu.memory_space<vmem>>
    %dma_wait3A_67 = arith.constant 0 : i32
    %dma_wait3A_68 = arith.constant 0 : i32
    %dma_wait3A_69 = tpu.memref_slice %arg2[%dma_wait3A_67, %dma_wait3A_68] : memref<10000x128xf32, #tpu.memory_space<hbm>> -> memref<10000x128xf32, #tpu.memory_space<hbm>>
    tpu.wait_indirect_dma semaphore(%arg13 : memref<!tpu.dma_semaphore, #tpu.memory_space<semaphore_mem>>) src(%dma_wait3A_69 : memref<10000x128xf32, #tpu.memory_space<hbm>>) dst(%arg10 : memref<128x128xf32, #tpu.memory_space<vmem>>)
    %run_scoped3A_70 = arith.constant 39 : i32
    "tpu.region"() ({
      %run_scoped3A_76 = tpu.sem_alloc : memref<!tpu.dma_semaphore, #tpu.memory_space<semaphore_mem>>
      %dma_start3A_77 = arith.constant 0 : i32
      %dma_start3A_78 = tpu.memref_slice %arg8[%run_scoped3A_70, %dma_start3A_77] : memref<40x128xi32, #tpu.memory_space<vmem>> -> memref<1x128xi32, #tpu.memory_space<vmem>>
      %dma_start3A_79 = tpu.memref_squeeze %dma_start3A_78 : memref<1x128xi32, #tpu.memory_space<vmem>> -> memref<128xi32, #tpu.memory_space<vmem>>
      %dma_start3A_80 = arith.constant 0 : i32
      %dma_start3A_81 = arith.constant 0 : i32
      %dma_start3A_82 = tpu.memref_slice %arg11[%dma_start3A_80, %dma_start3A_81] : memref<10240x128xf32, #tpu.memory_space<vmem_shared>> -> memref<10240x128xf32, #tpu.memory_space<vmem_shared>>
      tpu.enqueue_indirect_dma source(%arg10 : memref<128x128xf32, #tpu.memory_space<vmem>>) target(%dma_start3A_82 : memref<10240x128xf32, #tpu.memory_space<vmem_shared>>) offsets(%dma_start3A_79 : memref<128xi32, #tpu.memory_space<vmem>>) semaphore(%run_scoped3A_76 : memref<!tpu.dma_semaphore, #tpu.memory_space<semaphore_mem>>) {add = true}
      %dma_wait3A_83 = arith.constant 0 : i32
      %dma_wait3A_84 = tpu.memref_slice %arg8[%run_scoped3A_70, %dma_wait3A_83] : memref<40x128xi32, #tpu.memory_space<vmem>> -> memref<1x128xi32, #tpu.memory_space<vmem>>
      %dma_wait3A_85 = tpu.memref_squeeze %dma_wait3A_84 : memref<1x128xi32, #tpu.memory_space<vmem>> -> memref<128xi32, #tpu.memory_space<vmem>>
      %dma_wait3A_86 = arith.constant 0 : i32
      %dma_wait3A_87 = arith.constant 0 : i32
      %dma_wait3A_88 = tpu.memref_slice %arg11[%dma_wait3A_86, %dma_wait3A_87] : memref<10240x128xf32, #tpu.memory_space<vmem_shared>> -> memref<10240x128xf32, #tpu.memory_space<vmem_shared>>
      tpu.wait_indirect_dma semaphore(%run_scoped3A_76 : memref<!tpu.dma_semaphore, #tpu.memory_space<semaphore_mem>>) src(%arg10 : memref<128x128xf32, #tpu.memory_space<vmem>>) dst(%dma_wait3A_88 : memref<10240x128xf32, #tpu.memory_space<vmem_shared>>)
      tpu.yield
    }) : () -> ()
    %barrier3A_71 = arith.constant 0 : index
    tpu.barrier barrier_id(%barrier3A_71)
    %mul3A_72 = arith.constant 640 : i32
    %mul3A_73 = arith.muli %arg1, %mul3A_72 : i32
    %mul3A_74 = arith.constant 640 : i32
    %mul3A_75 = arith.muli %arg1, %mul3A_74 : i32
    "tpu.region"() ({
      %run_scoped3A_76 = tpu.sem_alloc : memref<!tpu.dma_semaphore, #tpu.memory_space<semaphore_mem>>
      %dma_start3A_77 = arith.constant 0 : i32
      %dma_start3A_78 = arith.constant 0 : i32
      %dma_start3A_79 = tpu.memref_slice %arg6[%arg0, %dma_start3A_77, %dma_start3A_78] : memref<2x10240x128xf32, #tpu.memory_space<hbm>> -> memref<1x10240x128xf32, #tpu.memory_space<hbm>>
      %dma_start3A_80 = tpu.memref_squeeze %dma_start3A_79 : memref<1x10240x128xf32, #tpu.memory_space<hbm>> -> memref<10240x128xf32, #tpu.memory_space<hbm>>
      %dma_start3A_81 = arith.constant 0 : i32
      %dma_start3A_82 = tpu.memref_slice %dma_start3A_80[%mul3A_75, %dma_start3A_81] : memref<10240x128xf32, #tpu.memory_space<hbm>> -> memref<640x128xf32, #tpu.memory_space<hbm>>
      %dma_start3A_83 = arith.constant 0 : i32
      %dma_start3A_84 = tpu.memref_slice %arg11[%mul3A_73, %dma_start3A_83] : memref<10240x128xf32, #tpu.memory_space<vmem_shared>> -> memref<640x128xf32, #tpu.memory_space<vmem_shared>>
      tpu.enqueue_dma source(%dma_start3A_84 : memref<640x128xf32, #tpu.memory_space<vmem_shared>>) target(%dma_start3A_82 : memref<640x128xf32, #tpu.memory_space<hbm>>) target_semaphore(%run_scoped3A_76 : memref<!tpu.dma_semaphore, #tpu.memory_space<semaphore_mem>>)
      %dma_wait3A_85 = arith.constant 0 : i32
      %dma_wait3A_86 = arith.constant 0 : i32
      %dma_wait3A_87 = tpu.memref_slice %arg6[%arg0, %dma_wait3A_85, %dma_wait3A_86] : memref<2x10240x128xf32, #tpu.memory_space<hbm>> -> memref<1x10240x128xf32, #tpu.memory_space<hbm>>
      %dma_wait3A_88 = tpu.memref_squeeze %dma_wait3A_87 : memref<1x10240x128xf32, #tpu.memory_space<hbm>> -> memref<10240x128xf32, #tpu.memory_space<hbm>>
      %dma_wait3A_89 = arith.constant 0 : i32
      %dma_wait3A_90 = tpu.memref_slice %dma_wait3A_88[%mul3A_75, %dma_wait3A_89] : memref<10240x128xf32, #tpu.memory_space<hbm>> -> memref<640x128xf32, #tpu.memory_space<hbm>>
      %dma_wait3A_91 = arith.constant 0 : i32
      %dma_wait3A_92 = tpu.memref_slice %arg11[%mul3A_73, %dma_wait3A_91] : memref<10240x128xf32, #tpu.memory_space<vmem_shared>> -> memref<640x128xf32, #tpu.memory_space<vmem_shared>>
      tpu.wait_dma2 semaphore(%run_scoped3A_76 : memref<!tpu.dma_semaphore, #tpu.memory_space<semaphore_mem>>) src(%dma_wait3A_92 : memref<640x128xf32, #tpu.memory_space<vmem_shared>>) dst(%dma_wait3A_90 : memref<640x128xf32, #tpu.memory_space<hbm>>)
      tpu.yield
    }) : () -> ()
    return
  }
}

#map = affine_map<(d0, d1) -> (0, 0, 0)>
module attributes {stable_mosaic.version = 14 : i64} {
  func.func @_sc_hist_body(%arg0: i32, %arg1: i32, %arg2: memref<32x80x128xi32, #tpu.memory_space<hbm>>, %arg3: memref<2x10240x128xf32, #tpu.memory_space<hbm>>, %arg4: memref<80x128xi32, #tpu.memory_space<vmem>>, %arg5: memref<128x128xf32, #tpu.memory_space<vmem>>, %arg6: memref<10240x128xf32, #tpu.memory_space<vmem_shared>>) attributes {dimension_semantics = [#tpu.dimension_semantics<core_parallel>, #tpu.dimension_semantics<subcore_parallel>], iteration_bounds = array<i64: 2, 16>, scalar_prefetch = 0 : i64, scratch_operands = 3 : i64, tpu.core_type = #tpu.core_type<sc_vector_subcore>, window_params = [{transform_indices = #map}, {transform_indices = #map}]} {
    %mul3A = arith.constant 2 : i32
    %mul3A_0 = arith.muli %arg1, %mul3A : i32
    %add3A = arith.addi %mul3A_0, %arg0 : i32
    "tpu.region"() ({
      %run_scoped3A = tpu.sem_alloc : memref<!tpu.dma_semaphore, #tpu.memory_space<semaphore_mem>>
      %dma_start3A = arith.constant 0 : i32
      %dma_start3A_25 = arith.constant 0 : i32
      %dma_start3A_26 = tpu.memref_slice %arg2[%add3A, %dma_start3A, %dma_start3A_25] : memref<32x80x128xi32, #tpu.memory_space<hbm>> -> memref<1x80x128xi32, #tpu.memory_space<hbm>>
      %dma_start3A_27 = tpu.memref_squeeze %dma_start3A_26 : memref<1x80x128xi32, #tpu.memory_space<hbm>> -> memref<80x128xi32, #tpu.memory_space<hbm>>
      %dma_start3A_28 = arith.constant 0 : i32
      %dma_start3A_29 = arith.constant 0 : i32
      %dma_start3A_30 = tpu.memref_slice %arg2[%add3A, %dma_start3A_28, %dma_start3A_29] : memref<32x80x128xi32, #tpu.memory_space<hbm>> -> memref<1x80x128xi32, #tpu.memory_space<hbm>>
      %dma_start3A_31 = tpu.memref_squeeze %dma_start3A_30 : memref<1x80x128xi32, #tpu.memory_space<hbm>> -> memref<80x128xi32, #tpu.memory_space<hbm>>
      tpu.enqueue_dma source(%dma_start3A_31 : memref<80x128xi32, #tpu.memory_space<hbm>>) target(%arg4 : memref<80x128xi32, #tpu.memory_space<vmem>>) target_semaphore(%run_scoped3A : memref<!tpu.dma_semaphore, #tpu.memory_space<semaphore_mem>>)
      %dma_wait3A = arith.constant 0 : i32
      %dma_wait3A_32 = arith.constant 0 : i32
      %dma_wait3A_33 = tpu.memref_slice %arg2[%add3A, %dma_wait3A, %dma_wait3A_32] : memref<32x80x128xi32, #tpu.memory_space<hbm>> -> memref<1x80x128xi32, #tpu.memory_space<hbm>>
      %dma_wait3A_34 = tpu.memref_squeeze %dma_wait3A_33 : memref<1x80x128xi32, #tpu.memory_space<hbm>> -> memref<80x128xi32, #tpu.memory_space<hbm>>
      %dma_wait3A_35 = arith.constant 0 : i32
      %dma_wait3A_36 = arith.constant 0 : i32
      %dma_wait3A_37 = tpu.memref_slice %arg2[%add3A, %dma_wait3A_35, %dma_wait3A_36] : memref<32x80x128xi32, #tpu.memory_space<hbm>> -> memref<1x80x128xi32, #tpu.memory_space<hbm>>
      %dma_wait3A_38 = tpu.memref_squeeze %dma_wait3A_37 : memref<1x80x128xi32, #tpu.memory_space<hbm>> -> memref<80x128xi32, #tpu.memory_space<hbm>>
      tpu.wait_dma2 semaphore(%run_scoped3A : memref<!tpu.dma_semaphore, #tpu.memory_space<semaphore_mem>>) src(%dma_wait3A_38 : memref<80x128xi32, #tpu.memory_space<hbm>>) dst(%arg4 : memref<80x128xi32, #tpu.memory_space<vmem>>)
      tpu.yield
    }) : () -> ()
    %scan3A = arith.constant 0 : i32
    %scan3A_1 = arith.constant 128 : i32
    %scan3A_2 = arith.addi %scan3A, %scan3A_1 : i32
    %scan3A_3 = arith.constant 1 : i32
    scf.for %scan3A_25 = %scan3A to %scan3A_2 step %scan3A_3  : i32 {
      %mul3A_26 = arith.constant 1 : i32
      %mul3A_27 = arith.muli %scan3A_25, %mul3A_26 : i32
      %add3A_28 = arith.constant 0 : i32
      %add3A_29 = arith.addi %add3A_28, %mul3A_27 : i32
      %scan3A_30 = arith.constant 0 : i32
      %scan3A_31 = arith.constant 8 : i32
      %scan3A_32 = arith.addi %scan3A_30, %scan3A_31 : i32
      %scan3A_33 = arith.constant 1 : i32
      scf.for %scan3A_35 = %scan3A_30 to %scan3A_32 step %scan3A_33  : i32 {
        %mul3A_36 = arith.constant 1 : i32
        %mul3A_37 = arith.muli %scan3A_35, %mul3A_36 : i32
        %add3A_38 = arith.constant 0 : i32
        %add3A_39 = arith.addi %add3A_38, %mul3A_37 : i32
        %broadcast_in_dim3A = arith.constant 0.000000e+00 : f32
        %broadcast_in_dim3A_40 = vector.broadcast %broadcast_in_dim3A : f32 to vector<16xf32>
        %mul3A_41 = arith.constant 16 : i32
        %mul3A_42 = arith.muli %add3A_39, %mul3A_41 : i32
        %swap3A = arith.index_cast %add3A_29 : i32 to index
        %swap3A_43 = arith.index_cast %mul3A_42 : i32 to index
        %swap3A_44 = tpu.vector_load %arg5[%swap3A, %swap3A_43] {strides = array<i32>} : memref<128x128xf32, #tpu.memory_space<vmem>>, vector<1x16xf32>,
        %swap3A_45 = vector.shape_cast %swap3A_44 : vector<1x16xf32> to vector<16xf32>
        %swap3A_46 = vector.shape_cast %broadcast_in_dim3A_40 : vector<16xf32> to vector<1x16xf32>
        tpu.vector_store %arg5[%swap3A, %swap3A_43], %swap3A_46 {strides = array<i32>} : memref<128x128xf32, #tpu.memory_space<vmem>>, vector<1x16xf32>,
      }
      %scan3A_34 = arith.constant 8 : i32
    }
    %scan3A_4 = arith.constant 128 : i32
    %scan3A_5 = arith.constant 0 : i32
    %scan3A_6 = arith.constant 5 : i32
    %scan3A_7 = arith.addi %scan3A_5, %scan3A_6 : i32
    %scan3A_8 = arith.constant 1 : i32
    scf.for %scan3A_25 = %scan3A_5 to %scan3A_7 step %scan3A_8  : i32 {
      %mul3A_26 = arith.constant 1 : i32
      %mul3A_27 = arith.muli %scan3A_25, %mul3A_26 : i32
      %add3A_28 = arith.constant 0 : i32
      %add3A_29 = arith.addi %add3A_28, %mul3A_27 : i32
      %mul3A_30 = arith.constant 640 : i32
      %mul3A_31 = arith.muli %arg1, %mul3A_30 : i32
      %mul3A_32 = arith.constant 128 : i32
      %mul3A_33 = arith.muli %add3A_29, %mul3A_32 : i32
      %add3A_34 = arith.addi %mul3A_31, %mul3A_33 : i32
      "tpu.region"() ({
        %run_scoped3A = tpu.sem_alloc : memref<!tpu.dma_semaphore, #tpu.memory_space<semaphore_mem>>
        %dma_start3A = arith.constant 0 : i32
        %dma_start3A_35 = tpu.memref_slice %arg6[%add3A_34, %dma_start3A] : memref<10240x128xf32, #tpu.memory_space<vmem_shared>> -> memref<128x128xf32, #tpu.memory_space<vmem_shared>>
        %dma_start3A_36 = arith.constant 0 : i32
        %dma_start3A_37 = tpu.memref_slice %arg6[%add3A_34, %dma_start3A_36] : memref<10240x128xf32, #tpu.memory_space<vmem_shared>> -> memref<128x128xf32, #tpu.memory_space<vmem_shared>>
        tpu.enqueue_dma source(%arg5 : memref<128x128xf32, #tpu.memory_space<vmem>>) target(%dma_start3A_37 : memref<128x128xf32, #tpu.memory_space<vmem_shared>>) target_semaphore(%run_scoped3A : memref<!tpu.dma_semaphore, #tpu.memory_space<semaphore_mem>>)
        %dma_wait3A = arith.constant 0 : i32
        %dma_wait3A_38 = tpu.memref_slice %arg6[%add3A_34, %dma_wait3A] : memref<10240x128xf32, #tpu.memory_space<vmem_shared>> -> memref<128x128xf32, #tpu.memory_space<vmem_shared>>
        %dma_wait3A_39 = arith.constant 0 : i32
        %dma_wait3A_40 = tpu.memref_slice %arg6[%add3A_34, %dma_wait3A_39] : memref<10240x128xf32, #tpu.memory_space<vmem_shared>> -> memref<128x128xf32, #tpu.memory_space<vmem_shared>>
        tpu.wait_dma2 semaphore(%run_scoped3A : memref<!tpu.dma_semaphore, #tpu.memory_space<semaphore_mem>>) src(%arg5 : memref<128x128xf32, #tpu.memory_space<vmem>>) dst(%dma_wait3A_40 : memref<128x128xf32, #tpu.memory_space<vmem_shared>>)
        tpu.yield
      }) : () -> ()
    }
    %scan3A_9 = arith.constant 5 : i32
    %scan3A_10 = arith.constant 0 : i32
    %scan3A_11 = arith.constant 128 : i32
    %scan3A_12 = arith.addi %scan3A_10, %scan3A_11 : i32
    %scan3A_13 = arith.constant 1 : i32
    scf.for %scan3A_25 = %scan3A_10 to %scan3A_12 step %scan3A_13  : i32 {
      %mul3A_26 = arith.constant 1 : i32
      %mul3A_27 = arith.muli %scan3A_25, %mul3A_26 : i32
      %add3A_28 = arith.constant 0 : i32
      %add3A_29 = arith.addi %add3A_28, %mul3A_27 : i32
      %scan3A_30 = arith.constant 0 : i32
      %scan3A_31 = arith.constant 8 : i32
      %scan3A_32 = arith.addi %scan3A_30, %scan3A_31 : i32
      %scan3A_33 = arith.constant 1 : i32
      scf.for %scan3A_35 = %scan3A_30 to %scan3A_32 step %scan3A_33  : i32 {
        %mul3A_36 = arith.constant 1 : i32
        %mul3A_37 = arith.muli %scan3A_35, %mul3A_36 : i32
        %add3A_38 = arith.constant 0 : i32
        %add3A_39 = arith.addi %add3A_38, %mul3A_37 : i32
        %broadcast_in_dim3A = arith.constant 1.000000e+00 : f32
        %broadcast_in_dim3A_40 = vector.broadcast %broadcast_in_dim3A : f32 to vector<16xf32>
        %mul3A_41 = arith.constant 16 : i32
        %mul3A_42 = arith.muli %add3A_39, %mul3A_41 : i32
        %swap3A = arith.index_cast %add3A_29 : i32 to index
        %swap3A_43 = arith.index_cast %mul3A_42 : i32 to index
        %swap3A_44 = tpu.vector_load %arg5[%swap3A, %swap3A_43] {strides = array<i32>} : memref<128x128xf32, #tpu.memory_space<vmem>>, vector<1x16xf32>,
        %swap3A_45 = vector.shape_cast %swap3A_44 : vector<1x16xf32> to vector<16xf32>
        %swap3A_46 = vector.shape_cast %broadcast_in_dim3A_40 : vector<16xf32> to vector<1x16xf32>
        tpu.vector_store %arg5[%swap3A, %swap3A_43], %swap3A_46 {strides = array<i32>} : memref<128x128xf32, #tpu.memory_space<vmem>>, vector<1x16xf32>,
      }
      %scan3A_34 = arith.constant 8 : i32
    }
    %scan3A_14 = arith.constant 128 : i32
    %barrier3A = arith.constant 0 : index
    tpu.barrier barrier_id(%barrier3A)
    %scan3A_15 = arith.constant 0 : i32
    %scan3A_16 = arith.constant 80 : i32
    %scan3A_17 = arith.addi %scan3A_15, %scan3A_16 : i32
    %scan3A_18 = arith.constant 1 : i32
    scf.for %scan3A_25 = %scan3A_15 to %scan3A_17 step %scan3A_18  : i32 {
      %mul3A_26 = arith.constant 1 : i32
      %mul3A_27 = arith.muli %scan3A_25, %mul3A_26 : i32
      %add3A_28 = arith.constant 0 : i32
      %add3A_29 = arith.addi %add3A_28, %mul3A_27 : i32
      "tpu.region"() ({
        %run_scoped3A = tpu.sem_alloc : memref<!tpu.dma_semaphore, #tpu.memory_space<semaphore_mem>>
        %dma_start3A = arith.constant 0 : i32
        %dma_start3A_30 = tpu.memref_slice %arg4[%add3A_29, %dma_start3A] : memref<80x128xi32, #tpu.memory_space<vmem>> -> memref<1x128xi32, #tpu.memory_space<vmem>>
        %dma_start3A_31 = tpu.memref_squeeze %dma_start3A_30 : memref<1x128xi32, #tpu.memory_space<vmem>> -> memref<128xi32, #tpu.memory_space<vmem>>
        %dma_start3A_32 = arith.constant 0 : i32
        %dma_start3A_33 = arith.constant 0 : i32
        %dma_start3A_34 = tpu.memref_slice %arg6[%dma_start3A_32, %dma_start3A_33] : memref<10240x128xf32, #tpu.memory_space<vmem_shared>> -> memref<10240x128xf32, #tpu.memory_space<vmem_shared>>
        tpu.enqueue_indirect_dma source(%arg5 : memref<128x128xf32, #tpu.memory_space<vmem>>) target(%dma_start3A_34 : memref<10240x128xf32, #tpu.memory_space<vmem_shared>>) offsets(%dma_start3A_31 : memref<128xi32, #tpu.memory_space<vmem>>) semaphore(%run_scoped3A : memref<!tpu.dma_semaphore, #tpu.memory_space<semaphore_mem>>) {add = true}
        %dma_wait3A = arith.constant 0 : i32
        %dma_wait3A_35 = tpu.memref_slice %arg4[%add3A_29, %dma_wait3A] : memref<80x128xi32, #tpu.memory_space<vmem>> -> memref<1x128xi32, #tpu.memory_space<vmem>>
        %dma_wait3A_36 = tpu.memref_squeeze %dma_wait3A_35 : memref<1x128xi32, #tpu.memory_space<vmem>> -> memref<128xi32, #tpu.memory_space<vmem>>
        %dma_wait3A_37 = arith.constant 0 : i32
        %dma_wait3A_38 = arith.constant 0 : i32
        %dma_wait3A_39 = tpu.memref_slice %arg6[%dma_wait3A_37, %dma_wait3A_38] : memref<10240x128xf32, #tpu.memory_space<vmem_shared>> -> memref<10240x128xf32, #tpu.memory_space<vmem_shared>>
        tpu.wait_indirect_dma semaphore(%run_scoped3A : memref<!tpu.dma_semaphore, #tpu.memory_space<semaphore_mem>>) src(%arg5 : memref<128x128xf32, #tpu.memory_space<vmem>>) dst(%dma_wait3A_39 : memref<10240x128xf32, #tpu.memory_space<vmem_shared>>)
        tpu.yield
      }) : () -> ()
    }
    %scan3A_19 = arith.constant 80 : i32
    %barrier3A_20 = arith.constant 0 : index
    tpu.barrier barrier_id(%barrier3A_20)
    %mul3A_21 = arith.constant 640 : i32
    %mul3A_22 = arith.muli %arg1, %mul3A_21 : i32
    %mul3A_23 = arith.constant 640 : i32
    %mul3A_24 = arith.muli %arg1, %mul3A_23 : i32
    "tpu.region"() ({
      %run_scoped3A = tpu.sem_alloc : memref<!tpu.dma_semaphore, #tpu.memory_space<semaphore_mem>>
      %dma_start3A = arith.constant 0 : i32
      %dma_start3A_25 = arith.constant 0 : i32
      %dma_start3A_26 = tpu.memref_slice %arg3[%arg0, %dma_start3A, %dma_start3A_25] : memref<2x10240x128xf32, #tpu.memory_space<hbm>> -> memref<1x10240x128xf32, #tpu.memory_space<hbm>>
      %dma_start3A_27 = tpu.memref_squeeze %dma_start3A_26 : memref<1x10240x128xf32, #tpu.memory_space<hbm>> -> memref<10240x128xf32, #tpu.memory_space<hbm>>
      %dma_start3A_28 = arith.constant 0 : i32
      %dma_start3A_29 = tpu.memref_slice %dma_start3A_27[%mul3A_24, %dma_start3A_28] : memref<10240x128xf32, #tpu.memory_space<hbm>> -> memref<640x128xf32, #tpu.memory_space<hbm>>
      %dma_start3A_30 = arith.constant 0 : i32
      %dma_start3A_31 = tpu.memref_slice %arg6[%mul3A_22, %dma_start3A_30] : memref<10240x128xf32, #tpu.memory_space<vmem_shared>> -> memref<640x128xf32, #tpu.memory_space<vmem_shared>>
      tpu.enqueue_dma source(%dma_start3A_31 : memref<640x128xf32, #tpu.memory_space<vmem_shared>>) target(%dma_start3A_29 : memref<640x128xf32, #tpu.memory_space<hbm>>) target_semaphore(%run_scoped3A : memref<!tpu.dma_semaphore, #tpu.memory_space<semaphore_mem>>)
      %dma_wait3A = arith.constant 0 : i32
      %dma_wait3A_32 = arith.constant 0 : i32
      %dma_wait3A_33 = tpu.memref_slice %arg3[%arg0, %dma_wait3A, %dma_wait3A_32] : memref<2x10240x128xf32, #tpu.memory_space<hbm>> -> memref<1x10240x128xf32, #tpu.memory_space<hbm>>
      %dma_wait3A_34 = tpu.memref_squeeze %dma_wait3A_33 : memref<1x10240x128xf32, #tpu.memory_space<hbm>> -> memref<10240x128xf32, #tpu.memory_space<hbm>>
      %dma_wait3A_35 = arith.constant 0 : i32
      %dma_wait3A_36 = tpu.memref_slice %dma_wait3A_34[%mul3A_24, %dma_wait3A_35] : memref<10240x128xf32, #tpu.memory_space<hbm>> -> memref<640x128xf32, #tpu.memory_space<hbm>>
      %dma_wait3A_37 = arith.constant 0 : i32
      %dma_wait3A_38 = tpu.memref_slice %arg6[%mul3A_22, %dma_wait3A_37] : memref<10240x128xf32, #tpu.memory_space<vmem_shared>> -> memref<640x128xf32, #tpu.memory_space<vmem_shared>>
      tpu.wait_dma2 semaphore(%run_scoped3A : memref<!tpu.dma_semaphore, #tpu.memory_space<semaphore_mem>>) src(%dma_wait3A_38 : memref<640x128xf32, #tpu.memory_space<vmem_shared>>) dst(%dma_wait3A_36 : memref<640x128xf32, #tpu.memory_space<hbm>>)
      tpu.yield
    }) : () -> ()
    return
  }
}

#map = affine_map<(d0, d1) -> (0, 0)>
#map1 = affine_map<(d0, d1) -> (0, 0, 0)>
module attributes {stable_mosaic.version = 14 : i64} {
  func.func @_sc_scatter_body(%arg0: i32, %arg1: i32, %arg2: memref<10000x128xf32, #tpu.memory_space<hbm>>, %arg3: memref<32x80x128xi32, #tpu.memory_space<hbm>>, %arg4: memref<32x80x128xi32, #tpu.memory_space<hbm>>, %arg5: memref<10240x128xf32, #tpu.memory_space<hbm>>, %arg6: memref<2x10240x128xf32, #tpu.memory_space<hbm>>, %arg7: memref<40x128xi32, #tpu.memory_space<vmem>>, %arg8: memref<40x128xi32, #tpu.memory_space<vmem>>, %arg9: memref<128x128xf32, #tpu.memory_space<vmem>>, %arg10: memref<128x128xf32, #tpu.memory_space<vmem>>, %arg11: memref<10240x128xf32, #tpu.memory_space<vmem_shared>>, %arg12: memref<!tpu.dma_semaphore, #tpu.memory_space<semaphore_mem>>, %arg13: memref<!tpu.dma_semaphore, #tpu.memory_space<semaphore_mem>>) attributes {dimension_semantics = [#tpu.dimension_semantics<core_parallel>, #tpu.dimension_semantics<subcore_parallel>], iteration_bounds = array<i64: 2, 16>, scalar_prefetch = 0 : i64, scratch_operands = 7 : i64, tpu.core_type = #tpu.core_type<sc_vector_subcore>, window_params = [{transform_indices = #map}, {transform_indices = #map1}, {transform_indices = #map1}, {transform_indices = #map}, {transform_indices = #map1}]} {
    %mul3A = arith.constant 2 : i32
    %mul3A_0 = arith.muli %arg1, %mul3A : i32
    %add3A = arith.addi %mul3A_0, %arg0 : i32
    %mul3A_1 = arith.constant 640 : i32
    %mul3A_2 = arith.muli %arg1, %mul3A_1 : i32
    %mul3A_3 = arith.constant 640 : i32
    %mul3A_4 = arith.muli %arg1, %mul3A_3 : i32
    "tpu.region"() ({
      %run_scoped3A_76 = tpu.sem_alloc : memref<!tpu.dma_semaphore, #tpu.memory_space<semaphore_mem>>
      %dma_start3A_77 = arith.constant 0 : i32
      %dma_start3A_78 = tpu.memref_slice %arg11[%mul3A_4, %dma_start3A_77] : memref<10240x128xf32, #tpu.memory_space<vmem_shared>> -> memref<640x128xf32, #tpu.memory_space<vmem_shared>>
      %dma_start3A_79 = arith.constant 0 : i32
      %dma_start3A_80 = tpu.memref_slice %arg5[%mul3A_2, %dma_start3A_79] : memref<10240x128xf32, #tpu.memory_space<hbm>> -> memref<640x128xf32, #tpu.memory_space<hbm>>
      tpu.enqueue_dma source(%dma_start3A_80 : memref<640x128xf32, #tpu.memory_space<hbm>>) target(%dma_start3A_78 : memref<640x128xf32, #tpu.memory_space<vmem_shared>>) target_semaphore(%run_scoped3A_76 : memref<!tpu.dma_semaphore, #tpu.memory_space<semaphore_mem>>)
      %dma_wait3A_81 = arith.constant 0 : i32
      %dma_wait3A_82 = tpu.memref_slice %arg11[%mul3A_4, %dma_wait3A_81] : memref<10240x128xf32, #tpu.memory_space<vmem_shared>> -> memref<640x128xf32, #tpu.memory_space<vmem_shared>>
      %dma_wait3A_83 = arith.constant 0 : i32
      %dma_wait3A_84 = tpu.memref_slice %arg5[%mul3A_2, %dma_wait3A_83] : memref<10240x128xf32, #tpu.memory_space<hbm>> -> memref<640x128xf32, #tpu.memory_space<hbm>>
      tpu.wait_dma2 semaphore(%run_scoped3A_76 : memref<!tpu.dma_semaphore, #tpu.memory_space<semaphore_mem>>) src(%dma_wait3A_84 : memref<640x128xf32, #tpu.memory_space<hbm>>) dst(%dma_wait3A_82 : memref<640x128xf32, #tpu.memory_space<vmem_shared>>)
      tpu.yield
    }) : () -> ()
    %barrier3A = arith.constant 0 : index
    tpu.barrier barrier_id(%barrier3A)
    "tpu.region"() ({
      %run_scoped3A_76 = tpu.sem_alloc : memref<!tpu.dma_semaphore, #tpu.memory_space<semaphore_mem>>
      %dma_start3A_77 = arith.constant 0 : i32
      %dma_start3A_78 = arith.constant 0 : i32
      %dma_start3A_79 = tpu.memref_slice %arg3[%add3A, %dma_start3A_77, %dma_start3A_78] : memref<32x80x128xi32, #tpu.memory_space<hbm>> -> memref<1x80x128xi32, #tpu.memory_space<hbm>>
      %dma_start3A_80 = tpu.memref_squeeze %dma_start3A_79 : memref<1x80x128xi32, #tpu.memory_space<hbm>> -> memref<80x128xi32, #tpu.memory_space<hbm>>
      %dma_start3A_81 = arith.constant 0 : i32
      %dma_start3A_82 = arith.constant 0 : i32
      %dma_start3A_83 = tpu.memref_slice %dma_start3A_80[%dma_start3A_81, %dma_start3A_82] : memref<80x128xi32, #tpu.memory_space<hbm>> -> memref<40x128xi32, #tpu.memory_space<hbm>>
      %dma_start3A_84 = arith.constant 0 : i32
      %dma_start3A_85 = arith.constant 0 : i32
      %dma_start3A_86 = tpu.memref_slice %arg3[%add3A, %dma_start3A_84, %dma_start3A_85] : memref<32x80x128xi32, #tpu.memory_space<hbm>> -> memref<1x80x128xi32, #tpu.memory_space<hbm>>
      %dma_start3A_87 = tpu.memref_squeeze %dma_start3A_86 : memref<1x80x128xi32, #tpu.memory_space<hbm>> -> memref<80x128xi32, #tpu.memory_space<hbm>>
      %dma_start3A_88 = arith.constant 0 : i32
      %dma_start3A_89 = arith.constant 0 : i32
      %dma_start3A_90 = tpu.memref_slice %dma_start3A_87[%dma_start3A_88, %dma_start3A_89] : memref<80x128xi32, #tpu.memory_space<hbm>> -> memref<40x128xi32, #tpu.memory_space<hbm>>
      tpu.enqueue_dma source(%dma_start3A_90 : memref<40x128xi32, #tpu.memory_space<hbm>>) target(%arg7 : memref<40x128xi32, #tpu.memory_space<vmem>>) target_semaphore(%run_scoped3A_76 : memref<!tpu.dma_semaphore, #tpu.memory_space<semaphore_mem>>)
      %dma_wait3A_91 = arith.constant 0 : i32
      %dma_wait3A_92 = arith.constant 0 : i32
      %dma_wait3A_93 = tpu.memref_slice %arg3[%add3A, %dma_wait3A_91, %dma_wait3A_92] : memref<32x80x128xi32, #tpu.memory_space<hbm>> -> memref<1x80x128xi32, #tpu.memory_space<hbm>>
      %dma_wait3A_94 = tpu.memref_squeeze %dma_wait3A_93 : memref<1x80x128xi32, #tpu.memory_space<hbm>> -> memref<80x128xi32, #tpu.memory_space<hbm>>
      %dma_wait3A_95 = arith.constant 0 : i32
      %dma_wait3A_96 = arith.constant 0 : i32
      %dma_wait3A_97 = tpu.memref_slice %dma_wait3A_94[%dma_wait3A_95, %dma_wait3A_96] : memref<80x128xi32, #tpu.memory_space<hbm>> -> memref<40x128xi32, #tpu.memory_space<hbm>>
      %dma_wait3A_98 = arith.constant 0 : i32
      %dma_wait3A_99 = arith.constant 0 : i32
      %dma_wait3A_100 = tpu.memref_slice %arg3[%add3A, %dma_wait3A_98, %dma_wait3A_99] : memref<32x80x128xi32, #tpu.memory_space<hbm>> -> memref<1x80x128xi32, #tpu.memory_space<hbm>>
      %dma_wait3A_101 = tpu.memref_squeeze %dma_wait3A_100 : memref<1x80x128xi32, #tpu.memory_space<hbm>> -> memref<80x128xi32, #tpu.memory_space<hbm>>
      %dma_wait3A_102 = arith.constant 0 : i32
      %dma_wait3A_103 = arith.constant 0 : i32
      %dma_wait3A_104 = tpu.memref_slice %dma_wait3A_101[%dma_wait3A_102, %dma_wait3A_103] : memref<80x128xi32, #tpu.memory_space<hbm>> -> memref<40x128xi32, #tpu.memory_space<hbm>>
      tpu.wait_dma2 semaphore(%run_scoped3A_76 : memref<!tpu.dma_semaphore, #tpu.memory_space<semaphore_mem>>) src(%dma_wait3A_104 : memref<40x128xi32, #tpu.memory_space<hbm>>) dst(%arg7 : memref<40x128xi32, #tpu.memory_space<vmem>>)
      tpu.yield
    }) : () -> ()
    "tpu.region"() ({
      %run_scoped3A_76 = tpu.sem_alloc : memref<!tpu.dma_semaphore, #tpu.memory_space<semaphore_mem>>
      %dma_start3A_77 = arith.constant 0 : i32
      %dma_start3A_78 = arith.constant 0 : i32
      %dma_start3A_79 = tpu.memref_slice %arg4[%add3A, %dma_start3A_77, %dma_start3A_78] : memref<32x80x128xi32, #tpu.memory_space<hbm>> -> memref<1x80x128xi32, #tpu.memory_space<hbm>>
      %dma_start3A_80 = tpu.memref_squeeze %dma_start3A_79 : memref<1x80x128xi32, #tpu.memory_space<hbm>> -> memref<80x128xi32, #tpu.memory_space<hbm>>
      %dma_start3A_81 = arith.constant 0 : i32
      %dma_start3A_82 = arith.constant 0 : i32
      %dma_start3A_83 = tpu.memref_slice %dma_start3A_80[%dma_start3A_81, %dma_start3A_82] : memref<80x128xi32, #tpu.memory_space<hbm>> -> memref<40x128xi32, #tpu.memory_space<hbm>>
      %dma_start3A_84 = arith.constant 0 : i32
      %dma_start3A_85 = arith.constant 0 : i32
      %dma_start3A_86 = tpu.memref_slice %arg4[%add3A, %dma_start3A_84, %dma_start3A_85] : memref<32x80x128xi32, #tpu.memory_space<hbm>> -> memref<1x80x128xi32, #tpu.memory_space<hbm>>
      %dma_start3A_87 = tpu.memref_squeeze %dma_start3A_86 : memref<1x80x128xi32, #tpu.memory_space<hbm>> -> memref<80x128xi32, #tpu.memory_space<hbm>>
      %dma_start3A_88 = arith.constant 0 : i32
      %dma_start3A_89 = arith.constant 0 : i32
      %dma_start3A_90 = tpu.memref_slice %dma_start3A_87[%dma_start3A_88, %dma_start3A_89] : memref<80x128xi32, #tpu.memory_space<hbm>> -> memref<40x128xi32, #tpu.memory_space<hbm>>
      tpu.enqueue_dma source(%dma_start3A_90 : memref<40x128xi32, #tpu.memory_space<hbm>>) target(%arg8 : memref<40x128xi32, #tpu.memory_space<vmem>>) target_semaphore(%run_scoped3A_76 : memref<!tpu.dma_semaphore, #tpu.memory_space<semaphore_mem>>)
      %dma_wait3A_91 = arith.constant 0 : i32
      %dma_wait3A_92 = arith.constant 0 : i32
      %dma_wait3A_93 = tpu.memref_slice %arg4[%add3A, %dma_wait3A_91, %dma_wait3A_92] : memref<32x80x128xi32, #tpu.memory_space<hbm>> -> memref<1x80x128xi32, #tpu.memory_space<hbm>>
      %dma_wait3A_94 = tpu.memref_squeeze %dma_wait3A_93 : memref<1x80x128xi32, #tpu.memory_space<hbm>> -> memref<80x128xi32, #tpu.memory_space<hbm>>
      %dma_wait3A_95 = arith.constant 0 : i32
      %dma_wait3A_96 = arith.constant 0 : i32
      %dma_wait3A_97 = tpu.memref_slice %dma_wait3A_94[%dma_wait3A_95, %dma_wait3A_96] : memref<80x128xi32, #tpu.memory_space<hbm>> -> memref<40x128xi32, #tpu.memory_space<hbm>>
      %dma_wait3A_98 = arith.constant 0 : i32
      %dma_wait3A_99 = arith.constant 0 : i32
      %dma_wait3A_100 = tpu.memref_slice %arg4[%add3A, %dma_wait3A_98, %dma_wait3A_99] : memref<32x80x128xi32, #tpu.memory_space<hbm>> -> memref<1x80x128xi32, #tpu.memory_space<hbm>>
      %dma_wait3A_101 = tpu.memref_squeeze %dma_wait3A_100 : memref<1x80x128xi32, #tpu.memory_space<hbm>> -> memref<80x128xi32, #tpu.memory_space<hbm>>
      %dma_wait3A_102 = arith.constant 0 : i32
      %dma_wait3A_103 = arith.constant 0 : i32
      %dma_wait3A_104 = tpu.memref_slice %dma_wait3A_101[%dma_wait3A_102, %dma_wait3A_103] : memref<80x128xi32, #tpu.memory_space<hbm>> -> memref<40x128xi32, #tpu.memory_space<hbm>>
      tpu.wait_dma2 semaphore(%run_scoped3A_76 : memref<!tpu.dma_semaphore, #tpu.memory_space<semaphore_mem>>) src(%dma_wait3A_104 : memref<40x128xi32, #tpu.memory_space<hbm>>) dst(%arg8 : memref<40x128xi32, #tpu.memory_space<vmem>>)
      tpu.yield
    }) : () -> ()
    %dma_start3A = arith.constant 0 : i32
    %dma_start3A_5 = arith.constant 0 : i32
    %dma_start3A_6 = tpu.memref_slice %arg7[%dma_start3A, %dma_start3A_5] : memref<40x128xi32, #tpu.memory_space<vmem>> -> memref<1x128xi32, #tpu.memory_space<vmem>>
    %dma_start3A_7 = tpu.memref_squeeze %dma_start3A_6 : memref<1x128xi32, #tpu.memory_space<vmem>> -> memref<128xi32, #tpu.memory_space<vmem>>
    %dma_start3A_8 = arith.constant 0 : i32
    %dma_start3A_9 = arith.constant 0 : i32
    %dma_start3A_10 = tpu.memref_slice %arg2[%dma_start3A_8, %dma_start3A_9] : memref<10000x128xf32, #tpu.memory_space<hbm>> -> memref<10000x128xf32, #tpu.memory_space<hbm>>
    tpu.enqueue_indirect_dma source(%dma_start3A_10 : memref<10000x128xf32, #tpu.memory_space<hbm>>) target(%arg9 : memref<128x128xf32, #tpu.memory_space<vmem>>) offsets(%dma_start3A_7 : memref<128xi32, #tpu.memory_space<vmem>>) semaphore(%arg12 : memref<!tpu.dma_semaphore, #tpu.memory_space<semaphore_mem>>)
    %dma_start3A_11 = arith.constant 1 : i32
    %dma_start3A_12 = arith.constant 0 : i32
    %dma_start3A_13 = tpu.memref_slice %arg7[%dma_start3A_11, %dma_start3A_12] : memref<40x128xi32, #tpu.memory_space<vmem>> -> memref<1x128xi32, #tpu.memory_space<vmem>>
    %dma_start3A_14 = tpu.memref_squeeze %dma_start3A_13 : memref<1x128xi32, #tpu.memory_space<vmem>> -> memref<128xi32, #tpu.memory_space<vmem>>
    %dma_start3A_15 = arith.constant 0 : i32
    %dma_start3A_16 = arith.constant 0 : i32
    %dma_start3A_17 = tpu.memref_slice %arg2[%dma_start3A_15, %dma_start3A_16] : memref<10000x128xf32, #tpu.memory_space<hbm>> -> memref<10000x128xf32, #tpu.memory_space<hbm>>
    tpu.enqueue_indirect_dma source(%dma_start3A_17 : memref<10000x128xf32, #tpu.memory_space<hbm>>) target(%arg10 : memref<128x128xf32, #tpu.memory_space<vmem>>) offsets(%dma_start3A_14 : memref<128xi32, #tpu.memory_space<vmem>>) semaphore(%arg13 : memref<!tpu.dma_semaphore, #tpu.memory_space<semaphore_mem>>)
    %scan3A = arith.constant 0 : i32
    %scan3A_18 = arith.constant 19 : i32
    %scan3A_19 = arith.addi %scan3A, %scan3A_18 : i32
    %scan3A_20 = arith.constant 1 : i32
    scf.for %scan3A_76 = %scan3A to %scan3A_19 step %scan3A_20  : i32 {
      %mul3A_77 = arith.constant 1 : i32
      %mul3A_78 = arith.muli %scan3A_76, %mul3A_77 : i32
      %add3A_79 = arith.constant 0 : i32
      %add3A_80 = arith.addi %add3A_79, %mul3A_78 : i32
      %mul3A_81 = arith.constant 2 : i32
      %mul3A_82 = arith.muli %add3A_80, %mul3A_81 : i32
      %add3A_83 = arith.constant 0 : i32
      %add3A_84 = arith.addi %mul3A_82, %add3A_83 : i32
      %dma_wait3A_85 = arith.constant 0 : i32
      %dma_wait3A_86 = tpu.memref_slice %arg7[%add3A_84, %dma_wait3A_85] : memref<40x128xi32, #tpu.memory_space<vmem>> -> memref<1x128xi32, #tpu.memory_space<vmem>>
      %dma_wait3A_87 = tpu.memref_squeeze %dma_wait3A_86 : memref<1x128xi32, #tpu.memory_space<vmem>> -> memref<128xi32, #tpu.memory_space<vmem>>
      %dma_wait3A_88 = arith.constant 0 : i32
      %dma_wait3A_89 = arith.constant 0 : i32
      %dma_wait3A_90 = tpu.memref_slice %arg2[%dma_wait3A_88, %dma_wait3A_89] : memref<10000x128xf32, #tpu.memory_space<hbm>> -> memref<10000x128xf32, #tpu.memory_space<hbm>>
      tpu.wait_indirect_dma semaphore(%arg12 : memref<!tpu.dma_semaphore, #tpu.memory_space<semaphore_mem>>) src(%dma_wait3A_90 : memref<10000x128xf32, #tpu.memory_space<hbm>>) dst(%arg9 : memref<128x128xf32, #tpu.memory_space<vmem>>)
      "tpu.region"() ({
        %run_scoped3A_119 = tpu.sem_alloc : memref<!tpu.dma_semaphore, #tpu.memory_space<semaphore_mem>>
        %dma_start3A_120 = arith.constant 0 : i32
        %dma_start3A_121 = tpu.memref_slice %arg8[%add3A_84, %dma_start3A_120] : memref<40x128xi32, #tpu.memory_space<vmem>> -> memref<1x128xi32, #tpu.memory_space<vmem>>
        %dma_start3A_122 = tpu.memref_squeeze %dma_start3A_121 : memref<1x128xi32, #tpu.memory_space<vmem>> -> memref<128xi32, #tpu.memory_space<vmem>>
        %dma_start3A_123 = arith.constant 0 : i32
        %dma_start3A_124 = arith.constant 0 : i32
        %dma_start3A_125 = tpu.memref_slice %arg11[%dma_start3A_123, %dma_start3A_124] : memref<10240x128xf32, #tpu.memory_space<vmem_shared>> -> memref<10240x128xf32, #tpu.memory_space<vmem_shared>>
        tpu.enqueue_indirect_dma source(%arg9 : memref<128x128xf32, #tpu.memory_space<vmem>>) target(%dma_start3A_125 : memref<10240x128xf32, #tpu.memory_space<vmem_shared>>) offsets(%dma_start3A_122 : memref<128xi32, #tpu.memory_space<vmem>>) semaphore(%run_scoped3A_119 : memref<!tpu.dma_semaphore, #tpu.memory_space<semaphore_mem>>) {add = true}
        %dma_wait3A_126 = arith.constant 0 : i32
        %dma_wait3A_127 = tpu.memref_slice %arg8[%add3A_84, %dma_wait3A_126] : memref<40x128xi32, #tpu.memory_space<vmem>> -> memref<1x128xi32, #tpu.memory_space<vmem>>
        %dma_wait3A_128 = tpu.memref_squeeze %dma_wait3A_127 : memref<1x128xi32, #tpu.memory_space<vmem>> -> memref<128xi32, #tpu.memory_space<vmem>>
        %dma_wait3A_129 = arith.constant 0 : i32
        %dma_wait3A_130 = arith.constant 0 : i32
        %dma_wait3A_131 = tpu.memref_slice %arg11[%dma_wait3A_129, %dma_wait3A_130] : memref<10240x128xf32, #tpu.memory_space<vmem_shared>> -> memref<10240x128xf32, #tpu.memory_space<vmem_shared>>
        tpu.wait_indirect_dma semaphore(%run_scoped3A_119 : memref<!tpu.dma_semaphore, #tpu.memory_space<semaphore_mem>>) src(%arg9 : memref<128x128xf32, #tpu.memory_space<vmem>>) dst(%dma_wait3A_131 : memref<10240x128xf32, #tpu.memory_space<vmem_shared>>)
        tpu.yield
      }) : () -> ()
      %add3A_91 = arith.constant 2 : i32
      %add3A_92 = arith.addi %mul3A_82, %add3A_91 : i32
      %add3A_93 = arith.constant 0 : i32
      %add3A_94 = arith.addi %add3A_92, %add3A_93 : i32
      %dma_start3A_95 = arith.constant 0 : i32
      %dma_start3A_96 = tpu.memref_slice %arg7[%add3A_94, %dma_start3A_95] : memref<40x128xi32, #tpu.memory_space<vmem>> -> memref<1x128xi32, #tpu.memory_space<vmem>>
      %dma_start3A_97 = tpu.memref_squeeze %dma_start3A_96 : memref<1x128xi32, #tpu.memory_space<vmem>> -> memref<128xi32, #tpu.memory_space<vmem>>
      %dma_start3A_98 = arith.constant 0 : i32
      %dma_start3A_99 = arith.constant 0 : i32
      %dma_start3A_100 = tpu.memref_slice %arg2[%dma_start3A_98, %dma_start3A_99] : memref<10000x128xf32, #tpu.memory_space<hbm>> -> memref<10000x128xf32, #tpu.memory_space<hbm>>
      tpu.enqueue_indirect_dma source(%dma_start3A_100 : memref<10000x128xf32, #tpu.memory_space<hbm>>) target(%arg9 : memref<128x128xf32, #tpu.memory_space<vmem>>) offsets(%dma_start3A_97 : memref<128xi32, #tpu.memory_space<vmem>>) semaphore(%arg12 : memref<!tpu.dma_semaphore, #tpu.memory_space<semaphore_mem>>)
      %add3A_101 = arith.constant 1 : i32
      %add3A_102 = arith.addi %mul3A_82, %add3A_101 : i32
      %dma_wait3A_103 = arith.constant 0 : i32
      %dma_wait3A_104 = tpu.memref_slice %arg7[%add3A_102, %dma_wait3A_103] : memref<40x128xi32, #tpu.memory_space<vmem>> -> memref<1x128xi32, #tpu.memory_space<vmem>>
      %dma_wait3A_105 = tpu.memref_squeeze %dma_wait3A_104 : memref<1x128xi32, #tpu.memory_space<vmem>> -> memref<128xi32, #tpu.memory_space<vmem>>
      %dma_wait3A_106 = arith.constant 0 : i32
      %dma_wait3A_107 = arith.constant 0 : i32
      %dma_wait3A_108 = tpu.memref_slice %arg2[%dma_wait3A_106, %dma_wait3A_107] : memref<10000x128xf32, #tpu.memory_space<hbm>> -> memref<10000x128xf32, #tpu.memory_space<hbm>>
      tpu.wait_indirect_dma semaphore(%arg13 : memref<!tpu.dma_semaphore, #tpu.memory_space<semaphore_mem>>) src(%dma_wait3A_108 : memref<10000x128xf32, #tpu.memory_space<hbm>>) dst(%arg10 : memref<128x128xf32, #tpu.memory_space<vmem>>)
      "tpu.region"() ({
        %run_scoped3A_119 = tpu.sem_alloc : memref<!tpu.dma_semaphore, #tpu.memory_space<semaphore_mem>>
        %dma_start3A_120 = arith.constant 0 : i32
        %dma_start3A_121 = tpu.memref_slice %arg8[%add3A_102, %dma_start3A_120] : memref<40x128xi32, #tpu.memory_space<vmem>> -> memref<1x128xi32, #tpu.memory_space<vmem>>
        %dma_start3A_122 = tpu.memref_squeeze %dma_start3A_121 : memref<1x128xi32, #tpu.memory_space<vmem>> -> memref<128xi32, #tpu.memory_space<vmem>>
        %dma_start3A_123 = arith.constant 0 : i32
        %dma_start3A_124 = arith.constant 0 : i32
        %dma_start3A_125 = tpu.memref_slice %arg11[%dma_start3A_123, %dma_start3A_124] : memref<10240x128xf32, #tpu.memory_space<vmem_shared>> -> memref<10240x128xf32, #tpu.memory_space<vmem_shared>>
        tpu.enqueue_indirect_dma source(%arg10 : memref<128x128xf32, #tpu.memory_space<vmem>>) target(%dma_start3A_125 : memref<10240x128xf32, #tpu.memory_space<vmem_shared>>) offsets(%dma_start3A_122 : memref<128xi32, #tpu.memory_space<vmem>>) semaphore(%run_scoped3A_119 : memref<!tpu.dma_semaphore, #tpu.memory_space<semaphore_mem>>) {add = true}
        %dma_wait3A_126 = arith.constant 0 : i32
        %dma_wait3A_127 = tpu.memref_slice %arg8[%add3A_102, %dma_wait3A_126] : memref<40x128xi32, #tpu.memory_space<vmem>> -> memref<1x128xi32, #tpu.memory_space<vmem>>
        %dma_wait3A_128 = tpu.memref_squeeze %dma_wait3A_127 : memref<1x128xi32, #tpu.memory_space<vmem>> -> memref<128xi32, #tpu.memory_space<vmem>>
        %dma_wait3A_129 = arith.constant 0 : i32
        %dma_wait3A_130 = arith.constant 0 : i32
        %dma_wait3A_131 = tpu.memref_slice %arg11[%dma_wait3A_129, %dma_wait3A_130] : memref<10240x128xf32, #tpu.memory_space<vmem_shared>> -> memref<10240x128xf32, #tpu.memory_space<vmem_shared>>
        tpu.wait_indirect_dma semaphore(%run_scoped3A_119 : memref<!tpu.dma_semaphore, #tpu.memory_space<semaphore_mem>>) src(%arg10 : memref<128x128xf32, #tpu.memory_space<vmem>>) dst(%dma_wait3A_131 : memref<10240x128xf32, #tpu.memory_space<vmem_shared>>)
        tpu.yield
      }) : () -> ()
      %add3A_109 = arith.constant 2 : i32
      %add3A_110 = arith.addi %mul3A_82, %add3A_109 : i32
      %add3A_111 = arith.constant 1 : i32
      %add3A_112 = arith.addi %add3A_110, %add3A_111 : i32
      %dma_start3A_113 = arith.constant 0 : i32
      %dma_start3A_114 = tpu.memref_slice %arg7[%add3A_112, %dma_start3A_113] : memref<40x128xi32, #tpu.memory_space<vmem>> -> memref<1x128xi32, #tpu.memory_space<vmem>>
      %dma_start3A_115 = tpu.memref_squeeze %dma_start3A_114 : memref<1x128xi32, #tpu.memory_space<vmem>> -> memref<128xi32, #tpu.memory_space<vmem>>
      %dma_start3A_116 = arith.constant 0 : i32
      %dma_start3A_117 = arith.constant 0 : i32
      %dma_start3A_118 = tpu.memref_slice %arg2[%dma_start3A_116, %dma_start3A_117] : memref<10000x128xf32, #tpu.memory_space<hbm>> -> memref<10000x128xf32, #tpu.memory_space<hbm>>
      tpu.enqueue_indirect_dma source(%dma_start3A_118 : memref<10000x128xf32, #tpu.memory_space<hbm>>) target(%arg10 : memref<128x128xf32, #tpu.memory_space<vmem>>) offsets(%dma_start3A_115 : memref<128xi32, #tpu.memory_space<vmem>>) semaphore(%arg13 : memref<!tpu.dma_semaphore, #tpu.memory_space<semaphore_mem>>)
    }
    %scan3A_21 = arith.constant 19 : i32
    %dma_wait3A = arith.constant 38 : i32
    %dma_wait3A_22 = arith.constant 0 : i32
    %dma_wait3A_23 = tpu.memref_slice %arg7[%dma_wait3A, %dma_wait3A_22] : memref<40x128xi32, #tpu.memory_space<vmem>> -> memref<1x128xi32, #tpu.memory_space<vmem>>
    %dma_wait3A_24 = tpu.memref_squeeze %dma_wait3A_23 : memref<1x128xi32, #tpu.memory_space<vmem>> -> memref<128xi32, #tpu.memory_space<vmem>>
    %dma_wait3A_25 = arith.constant 0 : i32
    %dma_wait3A_26 = arith.constant 0 : i32
    %dma_wait3A_27 = tpu.memref_slice %arg2[%dma_wait3A_25, %dma_wait3A_26] : memref<10000x128xf32, #tpu.memory_space<hbm>> -> memref<10000x128xf32, #tpu.memory_space<hbm>>
    tpu.wait_indirect_dma semaphore(%arg12 : memref<!tpu.dma_semaphore, #tpu.memory_space<semaphore_mem>>) src(%dma_wait3A_27 : memref<10000x128xf32, #tpu.memory_space<hbm>>) dst(%arg9 : memref<128x128xf32, #tpu.memory_space<vmem>>)
    %run_scoped3A = arith.constant 38 : i32
    "tpu.region"() ({
      %run_scoped3A_76 = tpu.sem_alloc : memref<!tpu.dma_semaphore, #tpu.memory_space<semaphore_mem>>
      %dma_start3A_77 = arith.constant 0 : i32
      %dma_start3A_78 = tpu.memref_slice %arg8[%run_scoped3A, %dma_start3A_77] : memref<40x128xi32, #tpu.memory_space<vmem>> -> memref<1x128xi32, #tpu.memory_space<vmem>>
      %dma_start3A_79 = tpu.memref_squeeze %dma_start3A_78 : memref<1x128xi32, #tpu.memory_space<vmem>> -> memref<128xi32, #tpu.memory_space<vmem>>
      %dma_start3A_80 = arith.constant 0 : i32
      %dma_start3A_81 = arith.constant 0 : i32
      %dma_start3A_82 = tpu.memref_slice %arg11[%dma_start3A_80, %dma_start3A_81] : memref<10240x128xf32, #tpu.memory_space<vmem_shared>> -> memref<10240x128xf32, #tpu.memory_space<vmem_shared>>
      tpu.enqueue_indirect_dma source(%arg9 : memref<128x128xf32, #tpu.memory_space<vmem>>) target(%dma_start3A_82 : memref<10240x128xf32, #tpu.memory_space<vmem_shared>>) offsets(%dma_start3A_79 : memref<128xi32, #tpu.memory_space<vmem>>) semaphore(%run_scoped3A_76 : memref<!tpu.dma_semaphore, #tpu.memory_space<semaphore_mem>>) {add = true}
      %dma_wait3A_83 = arith.constant 0 : i32
      %dma_wait3A_84 = tpu.memref_slice %arg8[%run_scoped3A, %dma_wait3A_83] : memref<40x128xi32, #tpu.memory_space<vmem>> -> memref<1x128xi32, #tpu.memory_space<vmem>>
      %dma_wait3A_85 = tpu.memref_squeeze %dma_wait3A_84 : memref<1x128xi32, #tpu.memory_space<vmem>> -> memref<128xi32, #tpu.memory_space<vmem>>
      %dma_wait3A_86 = arith.constant 0 : i32
      %dma_wait3A_87 = arith.constant 0 : i32
      %dma_wait3A_88 = tpu.memref_slice %arg11[%dma_wait3A_86, %dma_wait3A_87] : memref<10240x128xf32, #tpu.memory_space<vmem_shared>> -> memref<10240x128xf32, #tpu.memory_space<vmem_shared>>
      tpu.wait_indirect_dma semaphore(%run_scoped3A_76 : memref<!tpu.dma_semaphore, #tpu.memory_space<semaphore_mem>>) src(%arg9 : memref<128x128xf32, #tpu.memory_space<vmem>>) dst(%dma_wait3A_88 : memref<10240x128xf32, #tpu.memory_space<vmem_shared>>)
      tpu.yield
    }) : () -> ()
    %dma_wait3A_28 = arith.constant 39 : i32
    %dma_wait3A_29 = arith.constant 0 : i32
    %dma_wait3A_30 = tpu.memref_slice %arg7[%dma_wait3A_28, %dma_wait3A_29] : memref<40x128xi32, #tpu.memory_space<vmem>> -> memref<1x128xi32, #tpu.memory_space<vmem>>
    %dma_wait3A_31 = tpu.memref_squeeze %dma_wait3A_30 : memref<1x128xi32, #tpu.memory_space<vmem>> -> memref<128xi32, #tpu.memory_space<vmem>>
    %dma_wait3A_32 = arith.constant 0 : i32
    %dma_wait3A_33 = arith.constant 0 : i32
    %dma_wait3A_34 = tpu.memref_slice %arg2[%dma_wait3A_32, %dma_wait3A_33] : memref<10000x128xf32, #tpu.memory_space<hbm>> -> memref<10000x128xf32, #tpu.memory_space<hbm>>
    tpu.wait_indirect_dma semaphore(%arg13 : memref<!tpu.dma_semaphore, #tpu.memory_space<semaphore_mem>>) src(%dma_wait3A_34 : memref<10000x128xf32, #tpu.memory_space<hbm>>) dst(%arg10 : memref<128x128xf32, #tpu.memory_space<vmem>>)
    %run_scoped3A_35 = arith.constant 39 : i32
    "tpu.region"() ({
      %run_scoped3A_76 = tpu.sem_alloc : memref<!tpu.dma_semaphore, #tpu.memory_space<semaphore_mem>>
      %dma_start3A_77 = arith.constant 0 : i32
      %dma_start3A_78 = tpu.memref_slice %arg8[%run_scoped3A_35, %dma_start3A_77] : memref<40x128xi32, #tpu.memory_space<vmem>> -> memref<1x128xi32, #tpu.memory_space<vmem>>
      %dma_start3A_79 = tpu.memref_squeeze %dma_start3A_78 : memref<1x128xi32, #tpu.memory_space<vmem>> -> memref<128xi32, #tpu.memory_space<vmem>>
      %dma_start3A_80 = arith.constant 0 : i32
      %dma_start3A_81 = arith.constant 0 : i32
      %dma_start3A_82 = tpu.memref_slice %arg11[%dma_start3A_80, %dma_start3A_81] : memref<10240x128xf32, #tpu.memory_space<vmem_shared>> -> memref<10240x128xf32, #tpu.memory_space<vmem_shared>>
      tpu.enqueue_indirect_dma source(%arg10 : memref<128x128xf32, #tpu.memory_space<vmem>>) target(%dma_start3A_82 : memref<10240x128xf32, #tpu.memory_space<vmem_shared>>) offsets(%dma_start3A_79 : memref<128xi32, #tpu.memory_space<vmem>>) semaphore(%run_scoped3A_76 : memref<!tpu.dma_semaphore, #tpu.memory_space<semaphore_mem>>) {add = true}
      %dma_wait3A_83 = arith.constant 0 : i32
      %dma_wait3A_84 = tpu.memref_slice %arg8[%run_scoped3A_35, %dma_wait3A_83] : memref<40x128xi32, #tpu.memory_space<vmem>> -> memref<1x128xi32, #tpu.memory_space<vmem>>
      %dma_wait3A_85 = tpu.memref_squeeze %dma_wait3A_84 : memref<1x128xi32, #tpu.memory_space<vmem>> -> memref<128xi32, #tpu.memory_space<vmem>>
      %dma_wait3A_86 = arith.constant 0 : i32
      %dma_wait3A_87 = arith.constant 0 : i32
      %dma_wait3A_88 = tpu.memref_slice %arg11[%dma_wait3A_86, %dma_wait3A_87] : memref<10240x128xf32, #tpu.memory_space<vmem_shared>> -> memref<10240x128xf32, #tpu.memory_space<vmem_shared>>
      tpu.wait_indirect_dma semaphore(%run_scoped3A_76 : memref<!tpu.dma_semaphore, #tpu.memory_space<semaphore_mem>>) src(%arg10 : memref<128x128xf32, #tpu.memory_space<vmem>>) dst(%dma_wait3A_88 : memref<10240x128xf32, #tpu.memory_space<vmem_shared>>)
      tpu.yield
    }) : () -> ()
    "tpu.region"() ({
      %run_scoped3A_76 = tpu.sem_alloc : memref<!tpu.dma_semaphore, #tpu.memory_space<semaphore_mem>>
      %dma_start3A_77 = arith.constant 0 : i32
      %dma_start3A_78 = arith.constant 0 : i32
      %dma_start3A_79 = tpu.memref_slice %arg3[%add3A, %dma_start3A_77, %dma_start3A_78] : memref<32x80x128xi32, #tpu.memory_space<hbm>> -> memref<1x80x128xi32, #tpu.memory_space<hbm>>
      %dma_start3A_80 = tpu.memref_squeeze %dma_start3A_79 : memref<1x80x128xi32, #tpu.memory_space<hbm>> -> memref<80x128xi32, #tpu.memory_space<hbm>>
      %dma_start3A_81 = arith.constant 40 : i32
      %dma_start3A_82 = arith.constant 0 : i32
      %dma_start3A_83 = tpu.memref_slice %dma_start3A_80[%dma_start3A_81, %dma_start3A_82] : memref<80x128xi32, #tpu.memory_space<hbm>> -> memref<40x128xi32, #tpu.memory_space<hbm>>
      %dma_start3A_84 = arith.constant 0 : i32
      %dma_start3A_85 = arith.constant 0 : i32
      %dma_start3A_86 = tpu.memref_slice %arg3[%add3A, %dma_start3A_84, %dma_start3A_85] : memref<32x80x128xi32, #tpu.memory_space<hbm>> -> memref<1x80x128xi32, #tpu.memory_space<hbm>>
      %dma_start3A_87 = tpu.memref_squeeze %dma_start3A_86 : memref<1x80x128xi32, #tpu.memory_space<hbm>> -> memref<80x128xi32, #tpu.memory_space<hbm>>
      %dma_start3A_88 = arith.constant 40 : i32
      %dma_start3A_89 = arith.constant 0 : i32
      %dma_start3A_90 = tpu.memref_slice %dma_start3A_87[%dma_start3A_88, %dma_start3A_89] : memref<80x128xi32, #tpu.memory_space<hbm>> -> memref<40x128xi32, #tpu.memory_space<hbm>>
      tpu.enqueue_dma source(%dma_start3A_90 : memref<40x128xi32, #tpu.memory_space<hbm>>) target(%arg7 : memref<40x128xi32, #tpu.memory_space<vmem>>) target_semaphore(%run_scoped3A_76 : memref<!tpu.dma_semaphore, #tpu.memory_space<semaphore_mem>>)
      %dma_wait3A_91 = arith.constant 0 : i32
      %dma_wait3A_92 = arith.constant 0 : i32
      %dma_wait3A_93 = tpu.memref_slice %arg3[%add3A, %dma_wait3A_91, %dma_wait3A_92] : memref<32x80x128xi32, #tpu.memory_space<hbm>> -> memref<1x80x128xi32, #tpu.memory_space<hbm>>
      %dma_wait3A_94 = tpu.memref_squeeze %dma_wait3A_93 : memref<1x80x128xi32, #tpu.memory_space<hbm>> -> memref<80x128xi32, #tpu.memory_space<hbm>>
      %dma_wait3A_95 = arith.constant 40 : i32
      %dma_wait3A_96 = arith.constant 0 : i32
      %dma_wait3A_97 = tpu.memref_slice %dma_wait3A_94[%dma_wait3A_95, %dma_wait3A_96] : memref<80x128xi32, #tpu.memory_space<hbm>> -> memref<40x128xi32, #tpu.memory_space<hbm>>
      %dma_wait3A_98 = arith.constant 0 : i32
      %dma_wait3A_99 = arith.constant 0 : i32
      %dma_wait3A_100 = tpu.memref_slice %arg3[%add3A, %dma_wait3A_98, %dma_wait3A_99] : memref<32x80x128xi32, #tpu.memory_space<hbm>> -> memref<1x80x128xi32, #tpu.memory_space<hbm>>
      %dma_wait3A_101 = tpu.memref_squeeze %dma_wait3A_100 : memref<1x80x128xi32, #tpu.memory_space<hbm>> -> memref<80x128xi32, #tpu.memory_space<hbm>>
      %dma_wait3A_102 = arith.constant 40 : i32
      %dma_wait3A_103 = arith.constant 0 : i32
      %dma_wait3A_104 = tpu.memref_slice %dma_wait3A_101[%dma_wait3A_102, %dma_wait3A_103] : memref<80x128xi32, #tpu.memory_space<hbm>> -> memref<40x128xi32, #tpu.memory_space<hbm>>
      tpu.wait_dma2 semaphore(%run_scoped3A_76 : memref<!tpu.dma_semaphore, #tpu.memory_space<semaphore_mem>>) src(%dma_wait3A_104 : memref<40x128xi32, #tpu.memory_space<hbm>>) dst(%arg7 : memref<40x128xi32, #tpu.memory_space<vmem>>)
      tpu.yield
    }) : () -> ()
    "tpu.region"() ({
      %run_scoped3A_76 = tpu.sem_alloc : memref<!tpu.dma_semaphore, #tpu.memory_space<semaphore_mem>>
      %dma_start3A_77 = arith.constant 0 : i32
      %dma_start3A_78 = arith.constant 0 : i32
      %dma_start3A_79 = tpu.memref_slice %arg4[%add3A, %dma_start3A_77, %dma_start3A_78] : memref<32x80x128xi32, #tpu.memory_space<hbm>> -> memref<1x80x128xi32, #tpu.memory_space<hbm>>
      %dma_start3A_80 = tpu.memref_squeeze %dma_start3A_79 : memref<1x80x128xi32, #tpu.memory_space<hbm>> -> memref<80x128xi32, #tpu.memory_space<hbm>>
      %dma_start3A_81 = arith.constant 40 : i32
      %dma_start3A_82 = arith.constant 0 : i32
      %dma_start3A_83 = tpu.memref_slice %dma_start3A_80[%dma_start3A_81, %dma_start3A_82] : memref<80x128xi32, #tpu.memory_space<hbm>> -> memref<40x128xi32, #tpu.memory_space<hbm>>
      %dma_start3A_84 = arith.constant 0 : i32
      %dma_start3A_85 = arith.constant 0 : i32
      %dma_start3A_86 = tpu.memref_slice %arg4[%add3A, %dma_start3A_84, %dma_start3A_85] : memref<32x80x128xi32, #tpu.memory_space<hbm>> -> memref<1x80x128xi32, #tpu.memory_space<hbm>>
      %dma_start3A_87 = tpu.memref_squeeze %dma_start3A_86 : memref<1x80x128xi32, #tpu.memory_space<hbm>> -> memref<80x128xi32, #tpu.memory_space<hbm>>
      %dma_start3A_88 = arith.constant 40 : i32
      %dma_start3A_89 = arith.constant 0 : i32
      %dma_start3A_90 = tpu.memref_slice %dma_start3A_87[%dma_start3A_88, %dma_start3A_89] : memref<80x128xi32, #tpu.memory_space<hbm>> -> memref<40x128xi32, #tpu.memory_space<hbm>>
      tpu.enqueue_dma source(%dma_start3A_90 : memref<40x128xi32, #tpu.memory_space<hbm>>) target(%arg8 : memref<40x128xi32, #tpu.memory_space<vmem>>) target_semaphore(%run_scoped3A_76 : memref<!tpu.dma_semaphore, #tpu.memory_space<semaphore_mem>>)
      %dma_wait3A_91 = arith.constant 0 : i32
      %dma_wait3A_92 = arith.constant 0 : i32
      %dma_wait3A_93 = tpu.memref_slice %arg4[%add3A, %dma_wait3A_91, %dma_wait3A_92] : memref<32x80x128xi32, #tpu.memory_space<hbm>> -> memref<1x80x128xi32, #tpu.memory_space<hbm>>
      %dma_wait3A_94 = tpu.memref_squeeze %dma_wait3A_93 : memref<1x80x128xi32, #tpu.memory_space<hbm>> -> memref<80x128xi32, #tpu.memory_space<hbm>>
      %dma_wait3A_95 = arith.constant 40 : i32
      %dma_wait3A_96 = arith.constant 0 : i32
      %dma_wait3A_97 = tpu.memref_slice %dma_wait3A_94[%dma_wait3A_95, %dma_wait3A_96] : memref<80x128xi32, #tpu.memory_space<hbm>> -> memref<40x128xi32, #tpu.memory_space<hbm>>
      %dma_wait3A_98 = arith.constant 0 : i32
      %dma_wait3A_99 = arith.constant 0 : i32
      %dma_wait3A_100 = tpu.memref_slice %arg4[%add3A, %dma_wait3A_98, %dma_wait3A_99] : memref<32x80x128xi32, #tpu.memory_space<hbm>> -> memref<1x80x128xi32, #tpu.memory_space<hbm>>
      %dma_wait3A_101 = tpu.memref_squeeze %dma_wait3A_100 : memref<1x80x128xi32, #tpu.memory_space<hbm>> -> memref<80x128xi32, #tpu.memory_space<hbm>>
      %dma_wait3A_102 = arith.constant 40 : i32
      %dma_wait3A_103 = arith.constant 0 : i32
      %dma_wait3A_104 = tpu.memref_slice %dma_wait3A_101[%dma_wait3A_102, %dma_wait3A_103] : memref<80x128xi32, #tpu.memory_space<hbm>> -> memref<40x128xi32, #tpu.memory_space<hbm>>
      tpu.wait_dma2 semaphore(%run_scoped3A_76 : memref<!tpu.dma_semaphore, #tpu.memory_space<semaphore_mem>>) src(%dma_wait3A_104 : memref<40x128xi32, #tpu.memory_space<hbm>>) dst(%arg8 : memref<40x128xi32, #tpu.memory_space<vmem>>)
      tpu.yield
    }) : () -> ()
    %dma_start3A_36 = arith.constant 0 : i32
    %dma_start3A_37 = arith.constant 0 : i32
    %dma_start3A_38 = tpu.memref_slice %arg7[%dma_start3A_36, %dma_start3A_37] : memref<40x128xi32, #tpu.memory_space<vmem>> -> memref<1x128xi32, #tpu.memory_space<vmem>>
    %dma_start3A_39 = tpu.memref_squeeze %dma_start3A_38 : memref<1x128xi32, #tpu.memory_space<vmem>> -> memref<128xi32, #tpu.memory_space<vmem>>
    %dma_start3A_40 = arith.constant 0 : i32
    %dma_start3A_41 = arith.constant 0 : i32
    %dma_start3A_42 = tpu.memref_slice %arg2[%dma_start3A_40, %dma_start3A_41] : memref<10000x128xf32, #tpu.memory_space<hbm>> -> memref<10000x128xf32, #tpu.memory_space<hbm>>
    tpu.enqueue_indirect_dma source(%dma_start3A_42 : memref<10000x128xf32, #tpu.memory_space<hbm>>) target(%arg9 : memref<128x128xf32, #tpu.memory_space<vmem>>) offsets(%dma_start3A_39 : memref<128xi32, #tpu.memory_space<vmem>>) semaphore(%arg12 : memref<!tpu.dma_semaphore, #tpu.memory_space<semaphore_mem>>)
    %dma_start3A_43 = arith.constant 1 : i32
    %dma_start3A_44 = arith.constant 0 : i32
    %dma_start3A_45 = tpu.memref_slice %arg7[%dma_start3A_43, %dma_start3A_44] : memref<40x128xi32, #tpu.memory_space<vmem>> -> memref<1x128xi32, #tpu.memory_space<vmem>>
    %dma_start3A_46 = tpu.memref_squeeze %dma_start3A_45 : memref<1x128xi32, #tpu.memory_space<vmem>> -> memref<128xi32, #tpu.memory_space<vmem>>
    %dma_start3A_47 = arith.constant 0 : i32
    %dma_start3A_48 = arith.constant 0 : i32
    %dma_start3A_49 = tpu.memref_slice %arg2[%dma_start3A_47, %dma_start3A_48] : memref<10000x128xf32, #tpu.memory_space<hbm>> -> memref<10000x128xf32, #tpu.memory_space<hbm>>
    tpu.enqueue_indirect_dma source(%dma_start3A_49 : memref<10000x128xf32, #tpu.memory_space<hbm>>) target(%arg10 : memref<128x128xf32, #tpu.memory_space<vmem>>) offsets(%dma_start3A_46 : memref<128xi32, #tpu.memory_space<vmem>>) semaphore(%arg13 : memref<!tpu.dma_semaphore, #tpu.memory_space<semaphore_mem>>)
    %scan3A_50 = arith.constant 0 : i32
    %scan3A_51 = arith.constant 19 : i32
    %scan3A_52 = arith.addi %scan3A_50, %scan3A_51 : i32
    %scan3A_53 = arith.constant 1 : i32
    scf.for %scan3A_76 = %scan3A_50 to %scan3A_52 step %scan3A_53  : i32 {
      %mul3A_77 = arith.constant 1 : i32
      %mul3A_78 = arith.muli %scan3A_76, %mul3A_77 : i32
      %add3A_79 = arith.constant 0 : i32
      %add3A_80 = arith.addi %add3A_79, %mul3A_78 : i32
      %mul3A_81 = arith.constant 2 : i32
      %mul3A_82 = arith.muli %add3A_80, %mul3A_81 : i32
      %add3A_83 = arith.constant 0 : i32
      %add3A_84 = arith.addi %mul3A_82, %add3A_83 : i32
      %dma_wait3A_85 = arith.constant 0 : i32
      %dma_wait3A_86 = tpu.memref_slice %arg7[%add3A_84, %dma_wait3A_85] : memref<40x128xi32, #tpu.memory_space<vmem>> -> memref<1x128xi32, #tpu.memory_space<vmem>>
      %dma_wait3A_87 = tpu.memref_squeeze %dma_wait3A_86 : memref<1x128xi32, #tpu.memory_space<vmem>> -> memref<128xi32, #tpu.memory_space<vmem>>
      %dma_wait3A_88 = arith.constant 0 : i32
      %dma_wait3A_89 = arith.constant 0 : i32
      %dma_wait3A_90 = tpu.memref_slice %arg2[%dma_wait3A_88, %dma_wait3A_89] : memref<10000x128xf32, #tpu.memory_space<hbm>> -> memref<10000x128xf32, #tpu.memory_space<hbm>>
      tpu.wait_indirect_dma semaphore(%arg12 : memref<!tpu.dma_semaphore, #tpu.memory_space<semaphore_mem>>) src(%dma_wait3A_90 : memref<10000x128xf32, #tpu.memory_space<hbm>>) dst(%arg9 : memref<128x128xf32, #tpu.memory_space<vmem>>)
      "tpu.region"() ({
        %run_scoped3A_119 = tpu.sem_alloc : memref<!tpu.dma_semaphore, #tpu.memory_space<semaphore_mem>>
        %dma_start3A_120 = arith.constant 0 : i32
        %dma_start3A_121 = tpu.memref_slice %arg8[%add3A_84, %dma_start3A_120] : memref<40x128xi32, #tpu.memory_space<vmem>> -> memref<1x128xi32, #tpu.memory_space<vmem>>
        %dma_start3A_122 = tpu.memref_squeeze %dma_start3A_121 : memref<1x128xi32, #tpu.memory_space<vmem>> -> memref<128xi32, #tpu.memory_space<vmem>>
        %dma_start3A_123 = arith.constant 0 : i32
        %dma_start3A_124 = arith.constant 0 : i32
        %dma_start3A_125 = tpu.memref_slice %arg11[%dma_start3A_123, %dma_start3A_124] : memref<10240x128xf32, #tpu.memory_space<vmem_shared>> -> memref<10240x128xf32, #tpu.memory_space<vmem_shared>>
        tpu.enqueue_indirect_dma source(%arg9 : memref<128x128xf32, #tpu.memory_space<vmem>>) target(%dma_start3A_125 : memref<10240x128xf32, #tpu.memory_space<vmem_shared>>) offsets(%dma_start3A_122 : memref<128xi32, #tpu.memory_space<vmem>>) semaphore(%run_scoped3A_119 : memref<!tpu.dma_semaphore, #tpu.memory_space<semaphore_mem>>) {add = true}
        %dma_wait3A_126 = arith.constant 0 : i32
        %dma_wait3A_127 = tpu.memref_slice %arg8[%add3A_84, %dma_wait3A_126] : memref<40x128xi32, #tpu.memory_space<vmem>> -> memref<1x128xi32, #tpu.memory_space<vmem>>
        %dma_wait3A_128 = tpu.memref_squeeze %dma_wait3A_127 : memref<1x128xi32, #tpu.memory_space<vmem>> -> memref<128xi32, #tpu.memory_space<vmem>>
        %dma_wait3A_129 = arith.constant 0 : i32
        %dma_wait3A_130 = arith.constant 0 : i32
        %dma_wait3A_131 = tpu.memref_slice %arg11[%dma_wait3A_129, %dma_wait3A_130] : memref<10240x128xf32, #tpu.memory_space<vmem_shared>> -> memref<10240x128xf32, #tpu.memory_space<vmem_shared>>
        tpu.wait_indirect_dma semaphore(%run_scoped3A_119 : memref<!tpu.dma_semaphore, #tpu.memory_space<semaphore_mem>>) src(%arg9 : memref<128x128xf32, #tpu.memory_space<vmem>>) dst(%dma_wait3A_131 : memref<10240x128xf32, #tpu.memory_space<vmem_shared>>)
        tpu.yield
      }) : () -> ()
      %add3A_91 = arith.constant 2 : i32
      %add3A_92 = arith.addi %mul3A_82, %add3A_91 : i32
      %add3A_93 = arith.constant 0 : i32
      %add3A_94 = arith.addi %add3A_92, %add3A_93 : i32
      %dma_start3A_95 = arith.constant 0 : i32
      %dma_start3A_96 = tpu.memref_slice %arg7[%add3A_94, %dma_start3A_95] : memref<40x128xi32, #tpu.memory_space<vmem>> -> memref<1x128xi32, #tpu.memory_space<vmem>>
      %dma_start3A_97 = tpu.memref_squeeze %dma_start3A_96 : memref<1x128xi32, #tpu.memory_space<vmem>> -> memref<128xi32, #tpu.memory_space<vmem>>
      %dma_start3A_98 = arith.constant 0 : i32
      %dma_start3A_99 = arith.constant 0 : i32
      %dma_start3A_100 = tpu.memref_slice %arg2[%dma_start3A_98, %dma_start3A_99] : memref<10000x128xf32, #tpu.memory_space<hbm>> -> memref<10000x128xf32, #tpu.memory_space<hbm>>
      tpu.enqueue_indirect_dma source(%dma_start3A_100 : memref<10000x128xf32, #tpu.memory_space<hbm>>) target(%arg9 : memref<128x128xf32, #tpu.memory_space<vmem>>) offsets(%dma_start3A_97 : memref<128xi32, #tpu.memory_space<vmem>>) semaphore(%arg12 : memref<!tpu.dma_semaphore, #tpu.memory_space<semaphore_mem>>)
      %add3A_101 = arith.constant 1 : i32
      %add3A_102 = arith.addi %mul3A_82, %add3A_101 : i32
      %dma_wait3A_103 = arith.constant 0 : i32
      %dma_wait3A_104 = tpu.memref_slice %arg7[%add3A_102, %dma_wait3A_103] : memref<40x128xi32, #tpu.memory_space<vmem>> -> memref<1x128xi32, #tpu.memory_space<vmem>>
      %dma_wait3A_105 = tpu.memref_squeeze %dma_wait3A_104 : memref<1x128xi32, #tpu.memory_space<vmem>> -> memref<128xi32, #tpu.memory_space<vmem>>
      %dma_wait3A_106 = arith.constant 0 : i32
      %dma_wait3A_107 = arith.constant 0 : i32
      %dma_wait3A_108 = tpu.memref_slice %arg2[%dma_wait3A_106, %dma_wait3A_107] : memref<10000x128xf32, #tpu.memory_space<hbm>> -> memref<10000x128xf32, #tpu.memory_space<hbm>>
      tpu.wait_indirect_dma semaphore(%arg13 : memref<!tpu.dma_semaphore, #tpu.memory_space<semaphore_mem>>) src(%dma_wait3A_108 : memref<10000x128xf32, #tpu.memory_space<hbm>>) dst(%arg10 : memref<128x128xf32, #tpu.memory_space<vmem>>)
      "tpu.region"() ({
        %run_scoped3A_119 = tpu.sem_alloc : memref<!tpu.dma_semaphore, #tpu.memory_space<semaphore_mem>>
        %dma_start3A_120 = arith.constant 0 : i32
        %dma_start3A_121 = tpu.memref_slice %arg8[%add3A_102, %dma_start3A_120] : memref<40x128xi32, #tpu.memory_space<vmem>> -> memref<1x128xi32, #tpu.memory_space<vmem>>
        %dma_start3A_122 = tpu.memref_squeeze %dma_start3A_121 : memref<1x128xi32, #tpu.memory_space<vmem>> -> memref<128xi32, #tpu.memory_space<vmem>>
        %dma_start3A_123 = arith.constant 0 : i32
        %dma_start3A_124 = arith.constant 0 : i32
        %dma_start3A_125 = tpu.memref_slice %arg11[%dma_start3A_123, %dma_start3A_124] : memref<10240x128xf32, #tpu.memory_space<vmem_shared>> -> memref<10240x128xf32, #tpu.memory_space<vmem_shared>>
        tpu.enqueue_indirect_dma source(%arg10 : memref<128x128xf32, #tpu.memory_space<vmem>>) target(%dma_start3A_125 : memref<10240x128xf32, #tpu.memory_space<vmem_shared>>) offsets(%dma_start3A_122 : memref<128xi32, #tpu.memory_space<vmem>>) semaphore(%run_scoped3A_119 : memref<!tpu.dma_semaphore, #tpu.memory_space<semaphore_mem>>) {add = true}
        %dma_wait3A_126 = arith.constant 0 : i32
        %dma_wait3A_127 = tpu.memref_slice %arg8[%add3A_102, %dma_wait3A_126] : memref<40x128xi32, #tpu.memory_space<vmem>> -> memref<1x128xi32, #tpu.memory_space<vmem>>
        %dma_wait3A_128 = tpu.memref_squeeze %dma_wait3A_127 : memref<1x128xi32, #tpu.memory_space<vmem>> -> memref<128xi32, #tpu.memory_space<vmem>>
        %dma_wait3A_129 = arith.constant 0 : i32
        %dma_wait3A_130 = arith.constant 0 : i32
        %dma_wait3A_131 = tpu.memref_slice %arg11[%dma_wait3A_129, %dma_wait3A_130] : memref<10240x128xf32, #tpu.memory_space<vmem_shared>> -> memref<10240x128xf32, #tpu.memory_space<vmem_shared>>
        tpu.wait_indirect_dma semaphore(%run_scoped3A_119 : memref<!tpu.dma_semaphore, #tpu.memory_space<semaphore_mem>>) src(%arg10 : memref<128x128xf32, #tpu.memory_space<vmem>>) dst(%dma_wait3A_131 : memref<10240x128xf32, #tpu.memory_space<vmem_shared>>)
        tpu.yield
      }) : () -> ()
      %add3A_109 = arith.constant 2 : i32
      %add3A_110 = arith.addi %mul3A_82, %add3A_109 : i32
      %add3A_111 = arith.constant 1 : i32
      %add3A_112 = arith.addi %add3A_110, %add3A_111 : i32
      %dma_start3A_113 = arith.constant 0 : i32
      %dma_start3A_114 = tpu.memref_slice %arg7[%add3A_112, %dma_start3A_113] : memref<40x128xi32, #tpu.memory_space<vmem>> -> memref<1x128xi32, #tpu.memory_space<vmem>>
      %dma_start3A_115 = tpu.memref_squeeze %dma_start3A_114 : memref<1x128xi32, #tpu.memory_space<vmem>> -> memref<128xi32, #tpu.memory_space<vmem>>
      %dma_start3A_116 = arith.constant 0 : i32
      %dma_start3A_117 = arith.constant 0 : i32
      %dma_start3A_118 = tpu.memref_slice %arg2[%dma_start3A_116, %dma_start3A_117] : memref<10000x128xf32, #tpu.memory_space<hbm>> -> memref<10000x128xf32, #tpu.memory_space<hbm>>
      tpu.enqueue_indirect_dma source(%dma_start3A_118 : memref<10000x128xf32, #tpu.memory_space<hbm>>) target(%arg10 : memref<128x128xf32, #tpu.memory_space<vmem>>) offsets(%dma_start3A_115 : memref<128xi32, #tpu.memory_space<vmem>>) semaphore(%arg13 : memref<!tpu.dma_semaphore, #tpu.memory_space<semaphore_mem>>)
    }
    %scan3A_54 = arith.constant 19 : i32
    %dma_wait3A_55 = arith.constant 38 : i32
    %dma_wait3A_56 = arith.constant 0 : i32
    %dma_wait3A_57 = tpu.memref_slice %arg7[%dma_wait3A_55, %dma_wait3A_56] : memref<40x128xi32, #tpu.memory_space<vmem>> -> memref<1x128xi32, #tpu.memory_space<vmem>>
    %dma_wait3A_58 = tpu.memref_squeeze %dma_wait3A_57 : memref<1x128xi32, #tpu.memory_space<vmem>> -> memref<128xi32, #tpu.memory_space<vmem>>
    %dma_wait3A_59 = arith.constant 0 : i32
    %dma_wait3A_60 = arith.constant 0 : i32
    %dma_wait3A_61 = tpu.memref_slice %arg2[%dma_wait3A_59, %dma_wait3A_60] : memref<10000x128xf32, #tpu.memory_space<hbm>> -> memref<10000x128xf32, #tpu.memory_space<hbm>>
    tpu.wait_indirect_dma semaphore(%arg12 : memref<!tpu.dma_semaphore, #tpu.memory_space<semaphore_mem>>) src(%dma_wait3A_61 : memref<10000x128xf32, #tpu.memory_space<hbm>>) dst(%arg9 : memref<128x128xf32, #tpu.memory_space<vmem>>)
    %run_scoped3A_62 = arith.constant 38 : i32
    "tpu.region"() ({
      %run_scoped3A_76 = tpu.sem_alloc : memref<!tpu.dma_semaphore, #tpu.memory_space<semaphore_mem>>
      %dma_start3A_77 = arith.constant 0 : i32
      %dma_start3A_78 = tpu.memref_slice %arg8[%run_scoped3A_62, %dma_start3A_77] : memref<40x128xi32, #tpu.memory_space<vmem>> -> memref<1x128xi32, #tpu.memory_space<vmem>>
      %dma_start3A_79 = tpu.memref_squeeze %dma_start3A_78 : memref<1x128xi32, #tpu.memory_space<vmem>> -> memref<128xi32, #tpu.memory_space<vmem>>
      %dma_start3A_80 = arith.constant 0 : i32
      %dma_start3A_81 = arith.constant 0 : i32
      %dma_start3A_82 = tpu.memref_slice %arg11[%dma_start3A_80, %dma_start3A_81] : memref<10240x128xf32, #tpu.memory_space<vmem_shared>> -> memref<10240x128xf32, #tpu.memory_space<vmem_shared>>
      tpu.enqueue_indirect_dma source(%arg9 : memref<128x128xf32, #tpu.memory_space<vmem>>) target(%dma_start3A_82 : memref<10240x128xf32, #tpu.memory_space<vmem_shared>>) offsets(%dma_start3A_79 : memref<128xi32, #tpu.memory_space<vmem>>) semaphore(%run_scoped3A_76 : memref<!tpu.dma_semaphore, #tpu.memory_space<semaphore_mem>>) {add = true}
      %dma_wait3A_83 = arith.constant 0 : i32
      %dma_wait3A_84 = tpu.memref_slice %arg8[%run_scoped3A_62, %dma_wait3A_83] : memref<40x128xi32, #tpu.memory_space<vmem>> -> memref<1x128xi32, #tpu.memory_space<vmem>>
      %dma_wait3A_85 = tpu.memref_squeeze %dma_wait3A_84 : memref<1x128xi32, #tpu.memory_space<vmem>> -> memref<128xi32, #tpu.memory_space<vmem>>
      %dma_wait3A_86 = arith.constant 0 : i32
      %dma_wait3A_87 = arith.constant 0 : i32
      %dma_wait3A_88 = tpu.memref_slice %arg11[%dma_wait3A_86, %dma_wait3A_87] : memref<10240x128xf32, #tpu.memory_space<vmem_shared>> -> memref<10240x128xf32, #tpu.memory_space<vmem_shared>>
      tpu.wait_indirect_dma semaphore(%run_scoped3A_76 : memref<!tpu.dma_semaphore, #tpu.memory_space<semaphore_mem>>) src(%arg9 : memref<128x128xf32, #tpu.memory_space<vmem>>) dst(%dma_wait3A_88 : memref<10240x128xf32, #tpu.memory_space<vmem_shared>>)
      tpu.yield
    }) : () -> ()
    %dma_wait3A_63 = arith.constant 39 : i32
    %dma_wait3A_64 = arith.constant 0 : i32
    %dma_wait3A_65 = tpu.memref_slice %arg7[%dma_wait3A_63, %dma_wait3A_64] : memref<40x128xi32, #tpu.memory_space<vmem>> -> memref<1x128xi32, #tpu.memory_space<vmem>>
    %dma_wait3A_66 = tpu.memref_squeeze %dma_wait3A_65 : memref<1x128xi32, #tpu.memory_space<vmem>> -> memref<128xi32, #tpu.memory_space<vmem>>
    %dma_wait3A_67 = arith.constant 0 : i32
    %dma_wait3A_68 = arith.constant 0 : i32
    %dma_wait3A_69 = tpu.memref_slice %arg2[%dma_wait3A_67, %dma_wait3A_68] : memref<10000x128xf32, #tpu.memory_space<hbm>> -> memref<10000x128xf32, #tpu.memory_space<hbm>>
    tpu.wait_indirect_dma semaphore(%arg13 : memref<!tpu.dma_semaphore, #tpu.memory_space<semaphore_mem>>) src(%dma_wait3A_69 : memref<10000x128xf32, #tpu.memory_space<hbm>>) dst(%arg10 : memref<128x128xf32, #tpu.memory_space<vmem>>)
    %run_scoped3A_70 = arith.constant 39 : i32
    "tpu.region"() ({
      %run_scoped3A_76 = tpu.sem_alloc : memref<!tpu.dma_semaphore, #tpu.memory_space<semaphore_mem>>
      %dma_start3A_77 = arith.constant 0 : i32
      %dma_start3A_78 = tpu.memref_slice %arg8[%run_scoped3A_70, %dma_start3A_77] : memref<40x128xi32, #tpu.memory_space<vmem>> -> memref<1x128xi32, #tpu.memory_space<vmem>>
      %dma_start3A_79 = tpu.memref_squeeze %dma_start3A_78 : memref<1x128xi32, #tpu.memory_space<vmem>> -> memref<128xi32, #tpu.memory_space<vmem>>
      %dma_start3A_80 = arith.constant 0 : i32
      %dma_start3A_81 = arith.constant 0 : i32
      %dma_start3A_82 = tpu.memref_slice %arg11[%dma_start3A_80, %dma_start3A_81] : memref<10240x128xf32, #tpu.memory_space<vmem_shared>> -> memref<10240x128xf32, #tpu.memory_space<vmem_shared>>
      tpu.enqueue_indirect_dma source(%arg10 : memref<128x128xf32, #tpu.memory_space<vmem>>) target(%dma_start3A_82 : memref<10240x128xf32, #tpu.memory_space<vmem_shared>>) offsets(%dma_start3A_79 : memref<128xi32, #tpu.memory_space<vmem>>) semaphore(%run_scoped3A_76 : memref<!tpu.dma_semaphore, #tpu.memory_space<semaphore_mem>>) {add = true}
      %dma_wait3A_83 = arith.constant 0 : i32
      %dma_wait3A_84 = tpu.memref_slice %arg8[%run_scoped3A_70, %dma_wait3A_83] : memref<40x128xi32, #tpu.memory_space<vmem>> -> memref<1x128xi32, #tpu.memory_space<vmem>>
      %dma_wait3A_85 = tpu.memref_squeeze %dma_wait3A_84 : memref<1x128xi32, #tpu.memory_space<vmem>> -> memref<128xi32, #tpu.memory_space<vmem>>
      %dma_wait3A_86 = arith.constant 0 : i32
      %dma_wait3A_87 = arith.constant 0 : i32
      %dma_wait3A_88 = tpu.memref_slice %arg11[%dma_wait3A_86, %dma_wait3A_87] : memref<10240x128xf32, #tpu.memory_space<vmem_shared>> -> memref<10240x128xf32, #tpu.memory_space<vmem_shared>>
      tpu.wait_indirect_dma semaphore(%run_scoped3A_76 : memref<!tpu.dma_semaphore, #tpu.memory_space<semaphore_mem>>) src(%arg10 : memref<128x128xf32, #tpu.memory_space<vmem>>) dst(%dma_wait3A_88 : memref<10240x128xf32, #tpu.memory_space<vmem_shared>>)
      tpu.yield
    }) : () -> ()
    %barrier3A_71 = arith.constant 0 : index
    tpu.barrier barrier_id(%barrier3A_71)
    %mul3A_72 = arith.constant 640 : i32
    %mul3A_73 = arith.muli %arg1, %mul3A_72 : i32
    %mul3A_74 = arith.constant 640 : i32
    %mul3A_75 = arith.muli %arg1, %mul3A_74 : i32
    "tpu.region"() ({
      %run_scoped3A_76 = tpu.sem_alloc : memref<!tpu.dma_semaphore, #tpu.memory_space<semaphore_mem>>
      %dma_start3A_77 = arith.constant 0 : i32
      %dma_start3A_78 = arith.constant 0 : i32
      %dma_start3A_79 = tpu.memref_slice %arg6[%arg0, %dma_start3A_77, %dma_start3A_78] : memref<2x10240x128xf32, #tpu.memory_space<hbm>> -> memref<1x10240x128xf32, #tpu.memory_space<hbm>>
      %dma_start3A_80 = tpu.memref_squeeze %dma_start3A_79 : memref<1x10240x128xf32, #tpu.memory_space<hbm>> -> memref<10240x128xf32, #tpu.memory_space<hbm>>
      %dma_start3A_81 = arith.constant 0 : i32
      %dma_start3A_82 = tpu.memref_slice %dma_start3A_80[%mul3A_75, %dma_start3A_81] : memref<10240x128xf32, #tpu.memory_space<hbm>> -> memref<640x128xf32, #tpu.memory_space<hbm>>
      %dma_start3A_83 = arith.constant 0 : i32
      %dma_start3A_84 = tpu.memref_slice %arg11[%mul3A_73, %dma_start3A_83] : memref<10240x128xf32, #tpu.memory_space<vmem_shared>> -> memref<640x128xf32, #tpu.memory_space<vmem_shared>>
      tpu.enqueue_dma source(%dma_start3A_84 : memref<640x128xf32, #tpu.memory_space<vmem_shared>>) target(%dma_start3A_82 : memref<640x128xf32, #tpu.memory_space<hbm>>) target_semaphore(%run_scoped3A_76 : memref<!tpu.dma_semaphore, #tpu.memory_space<semaphore_mem>>)
      %dma_wait3A_85 = arith.constant 0 : i32
      %dma_wait3A_86 = arith.constant 0 : i32
      %dma_wait3A_87 = tpu.memref_slice %arg6[%arg0, %dma_wait3A_85, %dma_wait3A_86] : memref<2x10240x128xf32, #tpu.memory_space<hbm>> -> memref<1x10240x128xf32, #tpu.memory_space<hbm>>
      %dma_wait3A_88 = tpu.memref_squeeze %dma_wait3A_87 : memref<1x10240x128xf32, #tpu.memory_space<hbm>> -> memref<10240x128xf32, #tpu.memory_space<hbm>>
      %dma_wait3A_89 = arith.constant 0 : i32
      %dma_wait3A_90 = tpu.memref_slice %dma_wait3A_88[%mul3A_75, %dma_wait3A_89] : memref<10240x128xf32, #tpu.memory_space<hbm>> -> memref<640x128xf32, #tpu.memory_space<hbm>>
      %dma_wait3A_91 = arith.constant 0 : i32
      %dma_wait3A_92 = tpu.memref_slice %arg11[%mul3A_73, %dma_wait3A_91] : memref<10240x128xf32, #tpu.memory_space<vmem_shared>> -> memref<640x128xf32, #tpu.memory_space<vmem_shared>>
      tpu.wait_dma2 semaphore(%run_scoped3A_76 : memref<!tpu.dma_semaphore, #tpu.memory_space<semaphore_mem>>) src(%dma_wait3A_92 : memref<640x128xf32, #tpu.memory_space<vmem_shared>>) dst(%dma_wait3A_90 : memref<640x128xf32, #tpu.memory_space<hbm>>)
      tpu.yield
    }) : () -> ()
    return
  }
}

module attributes {stable_mosaic.version = 14 : i64} {
  func.func @_mm_body(%arg0: i32, %arg1: memref<1000x128xf32, #tpu.memory_space<vmem>>, %arg2: memref<128x128xf32, #tpu.memory_space<vmem>>, %arg3: memref<1000x128xf32, #tpu.memory_space<vmem>>) attributes {dimension_semantics = [#tpu.dimension_semantics<arbitrary>], iteration_bounds = array<i64: 10>, scalar_prefetch = 0 : i64, scratch_operands = 0 : i64, tpu.core_type = #tpu.core_type<tc>, window_params = [{transform_indices = @transform_0, window_bounds = array<i64: 1000, 128>}, {pipeline_mode = #tpu.pipeline_mode<synchronous>, transform_indices = @transform_1, window_bounds = array<i64: 128, 128>}, {transform_indices = @transform_2, window_bounds = array<i64: 1000, 128>}]} {
    %get3A = arith.constant 0 : index
    %get3A_0 = arith.constant 0 : index
    %get3A_1 = vector.load %arg1[%get3A, %get3A_0] : memref<1000x128xf32, #tpu.memory_space<vmem>>, vector<1000x128xf32>
    %get3A_2 = arith.constant 0 : index
    %get3A_3 = arith.constant 0 : index
    %get3A_4 = vector.load %arg2[%get3A_2, %get3A_3] : memref<128x128xf32, #tpu.memory_space<vmem>>, vector<128x128xf32>
    %dot_general3A = arith.constant dense<0.000000e+00> : vector<1000x128xf32>
    %dot_general3A_5 = tpu.matmul %get3A_1, %get3A_4, %dot_general3A {dimension_numbers = #tpu.dot_dimension_numbers<[1], [0], [0], [1], [0, 0, 1, 1], [], []>, transpose_lhs_hint = false} : vector<1000x128xf32>, vector<128x128xf32>, vector<1000x128xf32> -> vector<1000x128xf32>
    %swap3A = arith.constant 0 : index
    %swap3A_6 = arith.constant 0 : index
    %swap3A_7 = vector.load %arg3[%swap3A, %swap3A_6] : memref<1000x128xf32, #tpu.memory_space<vmem>>, vector<1000x128xf32>
    tpu.vector_store %arg3[%swap3A, %swap3A_6], %dot_general3A_5 {strides = array<i32>} : memref<1000x128xf32, #tpu.memory_space<vmem>>, vector<1000x128xf32>,
    return
  }
  func.func @transform_0(%arg0: i32) -> (i32, i32) {
    %c0_i32 = arith.constant 0 : i32
    %c0_i32_0 = arith.constant 0 : i32
    return %arg0, %c0_i32 : i32, i32
  }
  func.func @transform_1(%arg0: i32) -> (i32, i32) {
    %c0_i32 = arith.constant 0 : i32
    %c0_i32_0 = arith.constant 0 : i32
    %c0_i32_1 = arith.constant 0 : i32
    return %c0_i32, %c0_i32_0 : i32, i32
  }
  func.func @transform_2(%arg0: i32) -> (i32, i32) {
    %c0_i32 = arith.constant 0 : i32
    %c0_i32_0 = arith.constant 0 : i32
    return %arg0, %c0_i32 : i32, i32
  }
}

module attributes {stable_mosaic.version = 14 : i64} {
  func.func @_dis_y_body(%arg0: i32, %arg1: memref<2x1000x128xf32, #tpu.memory_space<vmem>>, %arg2: memref<1000x128xf32, #tpu.memory_space<vmem>>, %arg3: memref<1000x16xf32, #tpu.memory_space<vmem>>, %arg4: memref<1000x128xf32, #tpu.memory_space<vmem>>) attributes {dimension_semantics = [#tpu.dimension_semantics<arbitrary>], iteration_bounds = array<i64: 10>, scalar_prefetch = 0 : i64, scratch_operands = 0 : i64, tpu.core_type = #tpu.core_type<tc>, window_params = [{transform_indices = @transform_0, window_bounds = array<i64: 2, 1000, 128>}, {transform_indices = @transform_1, window_bounds = array<i64: 1000, 128>}, {transform_indices = @transform_2, window_bounds = array<i64: 1000, 16>}, {transform_indices = @transform_3, window_bounds = array<i64: 1000, 128>}]} {
    %get3A = arith.constant 0 : index
    %get3A_0 = arith.constant 0 : index
    %get3A_1 = arith.constant 0 : index
    %get3A_2 = vector.load %arg1[%get3A, %get3A_0, %get3A_1] : memref<2x1000x128xf32, #tpu.memory_space<vmem>>, vector<1x1000x128xf32>
    %get3A_3 = vector.shape_cast %get3A_2 : vector<1x1000x128xf32> to vector<1000x128xf32>
    %get3A_4 = arith.constant 1 : index
    %get3A_5 = arith.constant 0 : index
    %get3A_6 = arith.constant 0 : index
    %get3A_7 = vector.load %arg1[%get3A_4, %get3A_5, %get3A_6] : memref<2x1000x128xf32, #tpu.memory_space<vmem>>, vector<1x1000x128xf32>
    %get3A_8 = vector.shape_cast %get3A_7 : vector<1x1000x128xf32> to vector<1000x128xf32>
    %add3A = arith.addf %get3A_3, %get3A_8 : vector<1000x128xf32>
    %add3A_9 = arith.constant 1.000000e+00 : f32
    %add3A_10 = vector.broadcast %add3A_9 : f32 to vector<1000x128xf32>
    %add3A_11 = arith.addf %add3A, %add3A_10 : vector<1000x128xf32>
    %rsqrt3A = math.rsqrt %add3A_11 : vector<1000x128xf32>
    %slice3A = vector.extract_strided_slice %rsqrt3A {offsets = [0, 0], sizes = [1000, 16], strides = [1, 1]} : vector<1000x128xf32> to vector<1000x16xf32>
    %swap3A = arith.constant 0 : index
    %swap3A_12 = arith.constant 0 : index
    %swap3A_13 = vector.load %arg3[%swap3A, %swap3A_12] : memref<1000x16xf32, #tpu.memory_space<vmem>>, vector<1000x16xf32>
    tpu.vector_store %arg3[%swap3A, %swap3A_12], %slice3A {strides = array<i32>} : memref<1000x16xf32, #tpu.memory_space<vmem>>, vector<1000x16xf32>,
    %get3A_14 = arith.constant 0 : index
    %get3A_15 = arith.constant 0 : index
    %get3A_16 = vector.load %arg2[%get3A_14, %get3A_15] : memref<1000x128xf32, #tpu.memory_space<vmem>>, vector<1000x128xf32>
    %slice3A_17 = vector.extract_strided_slice %rsqrt3A {offsets = [0, 0], sizes = [1000, 1], strides = [1, 1]} : vector<1000x128xf32> to vector<1000x1xf32>
    %mul3A = vector.broadcast %slice3A_17 : vector<1000x1xf32> to vector<1000x128xf32>
    %mul3A_18 = arith.mulf %get3A_16, %mul3A : vector<1000x128xf32>
    %swap3A_19 = arith.constant 0 : index
    %swap3A_20 = arith.constant 0 : index
    %swap3A_21 = vector.load %arg4[%swap3A_19, %swap3A_20] : memref<1000x128xf32, #tpu.memory_space<vmem>>, vector<1000x128xf32>
    tpu.vector_store %arg4[%swap3A_19, %swap3A_20], %mul3A_18 {strides = array<i32>} : memref<1000x128xf32, #tpu.memory_space<vmem>>, vector<1000x128xf32>,
    return
  }
  func.func @transform_0(%arg0: i32) -> (i32, i32, i32) {
    %c0_i32 = arith.constant 0 : i32
    %c0_i32_0 = arith.constant 0 : i32
    %c0_i32_1 = arith.constant 0 : i32
    return %c0_i32, %arg0, %c0_i32_0 : i32, i32, i32
  }
  func.func @transform_1(%arg0: i32) -> (i32, i32) {
    %c0_i32 = arith.constant 0 : i32
    %c0_i32_0 = arith.constant 0 : i32
    return %arg0, %c0_i32 : i32, i32
  }
  func.func @transform_2(%arg0: i32) -> (i32, i32) {
    %c0_i32 = arith.constant 0 : i32
    %c0_i32_0 = arith.constant 0 : i32
    return %arg0, %c0_i32 : i32, i32
  }
  func.func @transform_3(%arg0: i32) -> (i32, i32) {
    %c0_i32 = arith.constant 0 : i32
    %c0_i32_0 = arith.constant 0 : i32
    return %arg0, %c0_i32 : i32, i32
  }
}

module attributes {stable_mosaic.version = 14 : i64} {
  func.func @_combine_mm_body(%arg0: i32, %arg1: memref<2x1000x128xf32, #tpu.memory_space<vmem>>, %arg2: memref<1000x128xf32, #tpu.memory_space<vmem>>, %arg3: memref<1000x16xf32, #tpu.memory_space<vmem>>, %arg4: memref<1x128xf32, #tpu.memory_space<vmem>>, %arg5: memref<128x128xf32, #tpu.memory_space<vmem>>, %arg6: memref<1000x128xf32, #tpu.memory_space<vmem>>) attributes {dimension_semantics = [#tpu.dimension_semantics<arbitrary>], iteration_bounds = array<i64: 10>, scalar_prefetch = 0 : i64, scratch_operands = 0 : i64, tpu.core_type = #tpu.core_type<tc>, window_params = [{transform_indices = @transform_0, window_bounds = array<i64: 2, 1000, 128>}, {transform_indices = @transform_1, window_bounds = array<i64: 1000, 128>}, {transform_indices = @transform_2, window_bounds = array<i64: 1000, 16>}, {pipeline_mode = #tpu.pipeline_mode<synchronous>, transform_indices = @transform_3, window_bounds = array<i64: 1, 128>}, {pipeline_mode = #tpu.pipeline_mode<synchronous>, transform_indices = @transform_4, window_bounds = array<i64: 128, 128>}, {transform_indices = @transform_5, window_bounds = array<i64: 1000, 128>}]} {
    %get3A = arith.constant 0 : index
    %get3A_0 = arith.constant 0 : index
    %get3A_1 = vector.load %arg3[%get3A, %get3A_0] : memref<1000x16xf32, #tpu.memory_space<vmem>>, vector<1000x1xf32>
    %get3A_2 = arith.constant 0 : index
    %get3A_3 = arith.constant 0 : index
    %get3A_4 = arith.constant 0 : index
    %get3A_5 = vector.load %arg1[%get3A_2, %get3A_3, %get3A_4] : memref<2x1000x128xf32, #tpu.memory_space<vmem>>, vector<1x1000x128xf32>
    %get3A_6 = vector.shape_cast %get3A_5 : vector<1x1000x128xf32> to vector<1000x128xf32>
    %get3A_7 = arith.constant 1 : index
    %get3A_8 = arith.constant 0 : index
    %get3A_9 = arith.constant 0 : index
    %get3A_10 = vector.load %arg1[%get3A_7, %get3A_8, %get3A_9] : memref<2x1000x128xf32, #tpu.memory_space<vmem>>, vector<1x1000x128xf32>
    %get3A_11 = vector.shape_cast %get3A_10 : vector<1x1000x128xf32> to vector<1000x128xf32>
    %add3A = arith.addf %get3A_6, %get3A_11 : vector<1000x128xf32>
    %get3A_12 = arith.constant 0 : index
    %get3A_13 = arith.constant 0 : index
    %get3A_14 = vector.load %arg2[%get3A_12, %get3A_13] : memref<1000x128xf32, #tpu.memory_space<vmem>>, vector<1000x128xf32>
    %add3A_15 = arith.addf %add3A, %get3A_14 : vector<1000x128xf32>
    %mul3A = vector.broadcast %get3A_1 : vector<1000x1xf32> to vector<1000x128xf32>
    %mul3A_16 = arith.mulf %mul3A, %add3A_15 : vector<1000x128xf32>
    %get3A_17 = arith.constant 0 : index
    %get3A_18 = arith.constant 0 : index
    %get3A_19 = vector.load %arg4[%get3A_17, %get3A_18] : memref<1x128xf32, #tpu.memory_space<vmem>>, vector<1x128xf32>
    %add3A_20 = vector.broadcast %get3A_19 : vector<1x128xf32> to vector<1000x128xf32>
    %add3A_21 = arith.addf %mul3A_16, %add3A_20 : vector<1000x128xf32>
    %max3A = arith.constant 0.000000e+00 : f32
    %max3A_22 = vector.broadcast %max3A : f32 to vector<1000x128xf32>
    %max3A_23 = arith.maximumf %add3A_21, %max3A_22 : vector<1000x128xf32>
    %get3A_24 = arith.constant 0 : index
    %get3A_25 = arith.constant 0 : index
    %get3A_26 = vector.load %arg5[%get3A_24, %get3A_25] : memref<128x128xf32, #tpu.memory_space<vmem>>, vector<128x128xf32>
    %dot_general3A = arith.constant dense<0.000000e+00> : vector<1000x128xf32>
    %dot_general3A_27 = tpu.matmul %max3A_23, %get3A_26, %dot_general3A {dimension_numbers = #tpu.dot_dimension_numbers<[1], [0], [0], [1], [0, 0, 1, 1], [], []>, transpose_lhs_hint = false} : vector<1000x128xf32>, vector<128x128xf32>, vector<1000x128xf32> -> vector<1000x128xf32>
    %mul3A_28 = vector.broadcast %get3A_1 : vector<1000x1xf32> to vector<1000x128xf32>
    %mul3A_29 = arith.mulf %dot_general3A_27, %mul3A_28 : vector<1000x128xf32>
    %swap3A = arith.constant 0 : index
    %swap3A_30 = arith.constant 0 : index
    %swap3A_31 = vector.load %arg6[%swap3A, %swap3A_30] : memref<1000x128xf32, #tpu.memory_space<vmem>>, vector<1000x128xf32>
    tpu.vector_store %arg6[%swap3A, %swap3A_30], %mul3A_29 {strides = array<i32>} : memref<1000x128xf32, #tpu.memory_space<vmem>>, vector<1000x128xf32>,
    return
  }
  func.func @transform_0(%arg0: i32) -> (i32, i32, i32) {
    %c0_i32 = arith.constant 0 : i32
    %c0_i32_0 = arith.constant 0 : i32
    %c0_i32_1 = arith.constant 0 : i32
    return %c0_i32, %arg0, %c0_i32_0 : i32, i32, i32
  }
  func.func @transform_1(%arg0: i32) -> (i32, i32) {
    %c0_i32 = arith.constant 0 : i32
    %c0_i32_0 = arith.constant 0 : i32
    return %arg0, %c0_i32 : i32, i32
  }
  func.func @transform_2(%arg0: i32) -> (i32, i32) {
    %c0_i32 = arith.constant 0 : i32
    %c0_i32_0 = arith.constant 0 : i32
    return %arg0, %c0_i32 : i32, i32
  }
  func.func @transform_3(%arg0: i32) -> (i32, i32) {
    %c0_i32 = arith.constant 0 : i32
    %c0_i32_0 = arith.constant 0 : i32
    %c0_i32_1 = arith.constant 0 : i32
    return %c0_i32, %c0_i32_0 : i32, i32
  }
  func.func @transform_4(%arg0: i32) -> (i32, i32) {
    %c0_i32 = arith.constant 0 : i32
    %c0_i32_0 = arith.constant 0 : i32
    %c0_i32_1 = arith.constant 0 : i32
    return %c0_i32, %c0_i32_0 : i32, i32
  }
  func.func @transform_5(%arg0: i32) -> (i32, i32) {
    %c0_i32 = arith.constant 0 : i32
    %c0_i32_0 = arith.constant 0 : i32
    return %arg0, %c0_i32 : i32, i32
  }
}

module attributes {stable_mosaic.version = 14 : i64} {
  func.func @_pool_body(%arg0: i32, %arg1: memref<2x1000x128xf32, #tpu.memory_space<vmem>>, %arg2: memref<1000x128xf32, #tpu.memory_space<vmem>>, %arg3: memref<1000x16xf32, #tpu.memory_space<vmem>>, %arg4: memref<1x128xf32, #tpu.memory_space<vmem>>, %arg5: memref<1x1x1000xi32, #tpu.memory_space<vmem>>, %arg6: memref<128x128xf32, #tpu.memory_space<vmem>>, %arg7: memref<1x128xf32, #tpu.memory_space<vmem>>, %arg8: memref<128x128xf32, #tpu.memory_space<vmem>>, %arg9: memref<128x128xf32, #tpu.memory_space<vmem>>, %arg10: memref<128x1xf32, #tpu.memory_space<vmem>>) attributes {dimension_semantics = [#tpu.dimension_semantics<arbitrary>], iteration_bounds = array<i64: 10>, scalar_prefetch = 0 : i64, scratch_operands = 2 : i64, tpu.core_type = #tpu.core_type<tc>, window_params = [{transform_indices = @transform_0, window_bounds = array<i64: 2, 1000, 128>}, {transform_indices = @transform_1, window_bounds = array<i64: 1000, 128>}, {transform_indices = @transform_2, window_bounds = array<i64: 1000, 16>}, {pipeline_mode = #tpu.pipeline_mode<synchronous>, transform_indices = @transform_3, window_bounds = array<i64: 1, 128>}, {transform_indices = @transform_4, window_bounds = array<i64: 1, 1, 1000>}, {pipeline_mode = #tpu.pipeline_mode<synchronous>, transform_indices = @transform_5, window_bounds = array<i64: 128, 128>}, {pipeline_mode = #tpu.pipeline_mode<synchronous>, transform_indices = @transform_6, window_bounds = array<i64: 1, 128>}, {pipeline_mode = #tpu.pipeline_mode<synchronous>, transform_indices = @transform_7, window_bounds = array<i64: 128, 128>}]} {
    %eq3A = arith.constant 0 : i32
    %eq3A_0 = arith.cmpi eq, %arg0, %eq3A : i32
    %convert_element_type3A = arith.extui %eq3A_0 : i1 to i32
    %cond3A = arith.constant 0 : i32
    %cond3A_1 = arith.cmpi ne, %convert_element_type3A, %cond3A : i32
    scf.if %cond3A_1 {
      %broadcast_in_dim3A_53 = arith.constant 0.000000e+00 : f32
      %broadcast_in_dim3A_54 = vector.broadcast %broadcast_in_dim3A_53 : f32 to vector<128x128xf32>
      %swap3A_55 = arith.constant 0 : index
      %swap3A_56 = arith.constant 0 : index
      %swap3A_57 = vector.load %arg9[%swap3A_55, %swap3A_56] : memref<128x128xf32, #tpu.memory_space<vmem>>, vector<128x128xf32>
      tpu.vector_store %arg9[%swap3A_55, %swap3A_56], %broadcast_in_dim3A_54 {strides = array<i32>} : memref<128x128xf32, #tpu.memory_space<vmem>>, vector<128x128xf32>,
      %broadcast_in_dim3A_58 = arith.constant 0.000000e+00 : f32
      %broadcast_in_dim3A_59 = vector.broadcast %broadcast_in_dim3A_58 : f32 to vector<128x1xf32>
      %swap3A_60 = arith.constant 0 : index
      %swap3A_61 = arith.constant 0 : index
      %swap3A_62 = vector.load %arg10[%swap3A_60, %swap3A_61] : memref<128x1xf32, #tpu.memory_space<vmem>>, vector<128x1xf32>
      tpu.vector_store %arg10[%swap3A_60, %swap3A_61], %broadcast_in_dim3A_59 {strides = array<i32>} : memref<128x1xf32, #tpu.memory_space<vmem>>, vector<128x1xf32>,
    } else {
    }
    %get3A = arith.constant 0 : index
    %get3A_2 = arith.constant 0 : index
    %get3A_3 = vector.load %arg3[%get3A, %get3A_2] : memref<1000x16xf32, #tpu.memory_space<vmem>>, vector<1000x1xf32>
    %get3A_4 = arith.constant 0 : index
    %get3A_5 = arith.constant 0 : index
    %get3A_6 = arith.constant 0 : index
    %get3A_7 = vector.load %arg1[%get3A_4, %get3A_5, %get3A_6] : memref<2x1000x128xf32, #tpu.memory_space<vmem>>, vector<1x1000x128xf32>
    %get3A_8 = vector.shape_cast %get3A_7 : vector<1x1000x128xf32> to vector<1000x128xf32>
    %get3A_9 = arith.constant 1 : index
    %get3A_10 = arith.constant 0 : index
    %get3A_11 = arith.constant 0 : index
    %get3A_12 = vector.load %arg1[%get3A_9, %get3A_10, %get3A_11] : memref<2x1000x128xf32, #tpu.memory_space<vmem>>, vector<1x1000x128xf32>
    %get3A_13 = vector.shape_cast %get3A_12 : vector<1x1000x128xf32> to vector<1000x128xf32>
    %add3A = arith.addf %get3A_8, %get3A_13 : vector<1000x128xf32>
    %get3A_14 = arith.constant 0 : index
    %get3A_15 = arith.constant 0 : index
    %get3A_16 = vector.load %arg2[%get3A_14, %get3A_15] : memref<1000x128xf32, #tpu.memory_space<vmem>>, vector<1000x128xf32>
    %add3A_17 = arith.addf %add3A, %get3A_16 : vector<1000x128xf32>
    %mul3A = vector.broadcast %get3A_3 : vector<1000x1xf32> to vector<1000x128xf32>
    %mul3A_18 = arith.mulf %mul3A, %add3A_17 : vector<1000x128xf32>
    %get3A_19 = arith.constant 0 : index
    %get3A_20 = arith.constant 0 : index
    %get3A_21 = vector.load %arg4[%get3A_19, %get3A_20] : memref<1x128xf32, #tpu.memory_space<vmem>>, vector<1x128xf32>
    %add3A_22 = vector.broadcast %get3A_21 : vector<1x128xf32> to vector<1000x128xf32>
    %add3A_23 = arith.addf %mul3A_18, %add3A_22 : vector<1000x128xf32>
    %iota3A = tpu.iota {dimensions = array<i32: 0>} : vector<128x1000xi32>
    %get3A_24 = arith.constant 0 : index
    %get3A_25 = arith.constant 0 : index
    %get3A_26 = arith.constant 0 : index
    %get3A_27 = vector.load %arg5[%get3A_24, %get3A_25, %get3A_26] : memref<1x1x1000xi32, #tpu.memory_space<vmem>>, vector<1x1x1000xi32>
    %get3A_28 = vector.shape_cast %get3A_27 : vector<1x1x1000xi32> to vector<1x1000xi32>
    %eq3A_29 = vector.broadcast %get3A_28 : vector<1x1000xi32> to vector<128x1000xi32>
    %eq3A_30 = arith.cmpi eq, %eq3A_29, %iota3A : vector<128x1000xi32>
    %convert_element_type3A_31 = arith.extui %eq3A_30 : vector<128x1000xi1> to vector<128x1000xi32>
    %convert_element_type3A_32 = arith.sitofp %convert_element_type3A_31 : vector<128x1000xi32> to vector<128x1000xf32>
    %get3A_33 = arith.constant 0 : index
    %get3A_34 = arith.constant 0 : index
    %get3A_35 = vector.load %arg9[%get3A_33, %get3A_34] : memref<128x128xf32, #tpu.memory_space<vmem>>, vector<128x128xf32>
    %dot_general3A = arith.constant dense<0.000000e+00> : vector<128x128xf32>
    %dot_general3A_36 = tpu.matmul %convert_element_type3A_32, %add3A_23, %dot_general3A {dimension_numbers = #tpu.dot_dimension_numbers<[1], [0], [0], [1], [0, 0, 1, 1], [], []>, transpose_lhs_hint = false} : vector<128x1000xf32>, vector<1000x128xf32>, vector<128x128xf32> -> vector<128x128xf32>
    %add3A_37 = arith.addf %get3A_35, %dot_general3A_36 : vector<128x128xf32>
    %swap3A = arith.constant 0 : index
    %swap3A_38 = arith.constant 0 : index
    %swap3A_39 = vector.load %arg9[%swap3A, %swap3A_38] : memref<128x128xf32, #tpu.memory_space<vmem>>, vector<128x128xf32>
    tpu.vector_store %arg9[%swap3A, %swap3A_38], %add3A_37 {strides = array<i32>} : memref<128x128xf32, #tpu.memory_space<vmem>>, vector<128x128xf32>,
    %get3A_40 = arith.constant 0 : index
    %get3A_41 = arith.constant 0 : index
    %get3A_42 = vector.load %arg10[%get3A_40, %get3A_41] : memref<128x1xf32, #tpu.memory_space<vmem>>, vector<128x1xf32>
    %reduce_sum3A = arith.constant dense<0.000000e+00> : vector<128xf32>
    %reduce_sum3A_43 = vector.multi_reduction <add>, %convert_element_type3A_32, %reduce_sum3A [1] : vector<128x1000xf32> to vector<128xf32>
    %broadcast_in_dim3A = vector.shape_cast %reduce_sum3A_43 : vector<128xf32> to vector<128x1xf32>
    %add3A_44 = arith.addf %get3A_42, %broadcast_in_dim3A : vector<128x1xf32>
    %swap3A_45 = arith.constant 0 : index
    %swap3A_46 = arith.constant 0 : index
    %swap3A_47 = vector.load %arg10[%swap3A_45, %swap3A_46] : memref<128x1xf32, #tpu.memory_space<vmem>>, vector<128x1xf32>
    tpu.vector_store %arg10[%swap3A_45, %swap3A_46], %add3A_44 {strides = array<i32>} : memref<128x1xf32, #tpu.memory_space<vmem>>, vector<128x1xf32>,
    %eq3A_48 = arith.constant 9 : i32
    %eq3A_49 = arith.cmpi eq, %arg0, %eq3A_48 : i32
    %convert_element_type3A_50 = arith.extui %eq3A_49 : i1 to i32
    %cond3A_51 = arith.constant 0 : i32
    %cond3A_52 = arith.cmpi ne, %convert_element_type3A_50, %cond3A_51 : i32
    scf.if %cond3A_52 {
      %get3A_53 = arith.constant 0 : index
      %get3A_54 = arith.constant 0 : index
      %get3A_55 = vector.load %arg9[%get3A_53, %get3A_54] : memref<128x128xf32, #tpu.memory_space<vmem>>, vector<128x128xf32>
      %get3A_56 = arith.constant 0 : index
      %get3A_57 = arith.constant 0 : index
      %get3A_58 = vector.load %arg10[%get3A_56, %get3A_57] : memref<128x1xf32, #tpu.memory_space<vmem>>, vector<128x1xf32>
      %max3A = arith.constant 1.000000e+00 : f32
      %max3A_59 = vector.broadcast %max3A : f32 to vector<128x1xf32>
      %max3A_60 = arith.maximumf %get3A_58, %max3A_59 : vector<128x1xf32>
      %div3A = vector.broadcast %max3A_60 : vector<128x1xf32> to vector<128x128xf32>
      %div3A_61 = arith.divf %get3A_55, %div3A : vector<128x128xf32>
      %get3A_62 = arith.constant 0 : index
      %get3A_63 = arith.constant 0 : index
      %get3A_64 = vector.load %arg6[%get3A_62, %get3A_63] : memref<128x128xf32, #tpu.memory_space<vmem>>, vector<128x128xf32>
      %dot_general3A_65 = arith.constant dense<0.000000e+00> : vector<128x128xf32>
      %dot_general3A_66 = tpu.matmul %div3A_61, %get3A_64, %dot_general3A_65 {dimension_numbers = #tpu.dot_dimension_numbers<[1], [0], [0], [1], [0, 0, 1, 1], [], []>, transpose_lhs_hint = false} : vector<128x128xf32>, vector<128x128xf32>, vector<128x128xf32> -> vector<128x128xf32>
      %get3A_67 = arith.constant 0 : index
      %get3A_68 = arith.constant 0 : index
      %get3A_69 = vector.load %arg7[%get3A_67, %get3A_68] : memref<1x128xf32, #tpu.memory_space<vmem>>, vector<1x128xf32>
      %add3A_70 = vector.broadcast %get3A_69 : vector<1x128xf32> to vector<128x128xf32>
      %add3A_71 = arith.addf %dot_general3A_66, %add3A_70 : vector<128x128xf32>
      %swap3A_72 = arith.constant 0 : index
      %swap3A_73 = arith.constant 0 : index
      %swap3A_74 = vector.load %arg8[%swap3A_72, %swap3A_73] : memref<128x128xf32, #tpu.memory_space<vmem>>, vector<128x128xf32>
      tpu.vector_store %arg8[%swap3A_72, %swap3A_73], %add3A_71 {strides = array<i32>} : memref<128x128xf32, #tpu.memory_space<vmem>>, vector<128x128xf32>,
    } else {
    }
    return
  }
  func.func @transform_0(%arg0: i32) -> (i32, i32, i32) {
    %c0_i32 = arith.constant 0 : i32
    %c0_i32_0 = arith.constant 0 : i32
    %c0_i32_1 = arith.constant 0 : i32
    return %c0_i32, %arg0, %c0_i32_0 : i32, i32, i32
  }
  func.func @transform_1(%arg0: i32) -> (i32, i32) {
    %c0_i32 = arith.constant 0 : i32
    %c0_i32_0 = arith.constant 0 : i32
    return %arg0, %c0_i32 : i32, i32
  }
  func.func @transform_2(%arg0: i32) -> (i32, i32) {
    %c0_i32 = arith.constant 0 : i32
    %c0_i32_0 = arith.constant 0 : i32
    return %arg0, %c0_i32 : i32, i32
  }
  func.func @transform_3(%arg0: i32) -> (i32, i32) {
    %c0_i32 = arith.constant 0 : i32
    %c0_i32_0 = arith.constant 0 : i32
    %c0_i32_1 = arith.constant 0 : i32
    return %c0_i32, %c0_i32_0 : i32, i32
  }
  func.func @transform_4(%arg0: i32) -> (i32, i32, i32) {
    %c0_i32 = arith.constant 0 : i32
    %c0_i32_0 = arith.constant 0 : i32
    %c0_i32_1 = arith.constant 0 : i32
    return %arg0, %c0_i32, %c0_i32_0 : i32, i32, i32
  }
  func.func @transform_5(%arg0: i32) -> (i32, i32) {
    %c0_i32 = arith.constant 0 : i32
    %c0_i32_0 = arith.constant 0 : i32
    %c0_i32_1 = arith.constant 0 : i32
    return %c0_i32, %c0_i32_0 : i32, i32
  }
  func.func @transform_6(%arg0: i32) -> (i32, i32) {
    %c0_i32 = arith.constant 0 : i32
    %c0_i32_0 = arith.constant 0 : i32
    %c0_i32_1 = arith.constant 0 : i32
    return %c0_i32, %c0_i32_0 : i32, i32
  }
  func.func @transform_7(%arg0: i32) -> (i32, i32) {
    %c0_i32 = arith.constant 0 : i32
    %c0_i32_0 = arith.constant 0 : i32
    %c0_i32_1 = arith.constant 0 : i32
    return %c0_i32, %c0_i32_0 : i32, i32
  }
}

</mosaic_0001>

<sc_bundles>
// kernel: kernel.12.cloned.1.call-start
scs
__scs_entry_jumppad:
0x0: {  	(pc) =	sbr.rel $0x88, $3  }
0x1: {  	(tag) =	ssettag $0x0;
	lr =	simm.s32 $0x1  }
0x2: {  	[smem:$0x3F98] =	sst lr;
	_ =	strace $0xD0000000  }
0x3: {  	_ = 	snop  }
0x4: {  	_ = 	snop  }
0x5: {  	_ = 	snop  }
0x6: {  	_ = 	snop  }
0x7: {  	_ = 	snop  }
__scs_overlays_trampoline_lowered:
0x8: {  	[smem:$0x3FA7] =	sst s0  }
0x9: {  	[smem:$0x3FA8] =	sst s1  }
0xa: {  	[smem:$0x3FA9] =	sst s2  }
0xb: {  	[smem:$0x3FAA] =	sst s3  }
0xc: {  	[smem:$0x3FAB] =	sst s4  }
0xd: {  	[smem:$0x3FAC] =	sst s5  }
0xe: {  	[smem:$0x3FAD] =	sst s6  }
0xf: {  	[smem:$0x3FAE] =	sst s7  }
0x10: {  	[smem:$0x3FAF] =	sst s8  }
0x11: {  	[smem:$0x3FB0] =	sst s9;
	s0 =	simm.s32 @!p0 $0x0  }
0x12: {  	s1 =	sld [smem:$0x3F96];
	s0 =	simm.s32 @p0 $0x1  }
0x13: {  	[smem:$0x3FB1] =	sst s0;
	s0 =	simm.s32 @!p1 $0x0  }
0x14: {  	s2 =	sld [smem:$0x3F95];
	s0 =	simm.s32 @p1 $0x1  }
0x15: {  	[smem:$0x3FB2] =	sst s0;
	s0 =	simm.s32 @!p2 $0x0  }
0x16: {  	s3 =	sld [smem:$0x3FDB];
	s0 =	simm.s32 @p2 $0x1  }
0x17: {  	s4 =	simm.s32 $0x1BF5;
	[smem:$0x3FB4] =	sst s0  }
0x18: {  	s0 =	sld [smem:$0x3F97];
	_ =	swait.ge [sflag:s4], $0x0  }
0x19: {  	s7 =	sld [smem:$0x3F98]  }
0x1a: {  	s8 =	sadd.s32 $0xFFFFE003, lr  }
0x1b: {  	s9 =	sadd.s32 $0xFFFFFEF7, lr;
	s5 =	simm.s32 $0xFFFFFFFF;
	p2 =	slt.u32 s8, $0xFFFFF086  }
0x1c: {  	p1 =	slt.u32 s9, $0xF7A;
	s5 =	simm.s32 @!p2 $0x0  }
0x1d: {  	s5 =	simm.s32 @p1 $0x1;
	p0 =	seq.s32 s7, s2  }
0x1e: {  	s7 =	smul.u32 @!p0 $0xF7A, s2;
	p2 =	seq.s32 @!p0 s5, $0x0  }
0x1f: {  	s9 =	smul.u32 $0xF7A, s1;
	s8 =	simm.s32 @!p0 $0x1BF5;
	p2 =	por !p2, p0  }
0x20: {  	[sflag:s8] =	ssyncset.s32 @!p0 $0xFFFFF086;
	s6 =	sadd.s32 @!p0 s3, s7;
	s7 =	simm.s32 @!p0 $0x108  }
0x21: {  	s3 =	sadd.s32 s3, s9;
	s6 =	sadd.s32 @!p0 $0x88, s6;
	s7 =	simm.s32 @p2 $0x1082  }
0x22: {  	[simem:s7], [sflag:s8] =	dma.local @!p0 [hbm:s6], $0xF7A  }
0x23: {  	s9 =	sor.u32 $0xD0000000, s2;
	s6 =	simm.s32 $0x108;
	_ =	swait.ge @!p0 [sflag:s8], $0x0  }
0x24: {  	s3 =	sadd.s32 $0x88, s3;
	s6 =	simm.s32 @!p1 $0x1082;
	[sflag:s4] =	ssyncset.s32 $0xFFFFF086  }
0x25: {  	[simem:s6], [sflag:s4] =	dma.local [hbm:s3], $0xF7A  }
0x26: {  	[smem:$0x3F98] =	sst s1;
	(tag) =	ssettag s2;
	_ =	strace s9  }
0x27: {  	s1 =	sld [smem:$0x3FA8]  }
0x28: {  	s2 =	sld [smem:$0x3FA9]  }
0x29: {  	s4 =	sld [smem:$0x3FAB]  }
0x2a: {  	p0 =	seq.s32 s5, $0x0;
	s5 =	sld [smem:$0x3FAC]  }
0x2b: {  	s6 =	sld [smem:$0x3FAD]  }
0x2c: {  	s7 =	sld [smem:$0x3FAE]  }
0x2d: {  	s3 =	simm.s32 $0x108;
	s8 =	sld [smem:$0x3FAF]  }
0x2e: {  	s3 =	simm.s32 @!p0 $0x1082;
	s9 =	sld [smem:$0x3FB0]  }
0x2f: {  	lr =	sadd.s32 s0, s3;
	s0 =	sld [smem:$0x3FA7]  }
0x30: {  	s3 =	sld [smem:$0x3FAA]  }
0x31: {  	[smem:$0x3FB3] =	sst s10  }
0x32: {  	s10 =	sld [smem:$0x3FB1];
	_ =	sdelay $0x3  }
0x33: {  	p0 =	seq.s32 s10, $0x1;
	s10 =	sld [smem:$0x3FB3];
	_ =	sdelay $0x3  }
0x34: {  	[smem:$0x3FB3] =	sst s10  }
0x35: {  	s10 =	sld [smem:$0x3FB2];
	_ =	sdelay $0x3  }
0x36: {  	p1 =	seq.s32 s10, $0x1;
	s10 =	sld [smem:$0x3FB3];
	_ =	sdelay $0x3  }
0x37: {  	[smem:$0x3FB3] =	sst s10  }
0x38: {  	s10 =	sld [smem:$0x3FB4]  }
0x39: {  	_ = 	snop;
	(pc) =	sbr.ind lr, $3  }
0x3a: {  	_ = 	snop  }
0x3b: {  	_ = 	snop  }
0x3c: {  	p2 =	seq.s32 s10, $0x1;
	s10 =	sld [smem:$0x3FB3]  }
0x3d: {  	_ =	shalt  }
0x3e: {  	_ =	shalt  }
0x3f: {  	_ =	shalt  }
0x40: {  	_ =	shalt  }
0x41: {  	_ =	shalt  }
0x42: {  	_ =	shalt  }
0x43: {  	_ =	shalt  }
0x44: {  	_ =	shalt  }
0x45: {  	_ =	shalt  }
0x46: {  	_ =	shalt  }
0x47: {  	_ =	shalt  }
0x48: {  	_ =	shalt  }
0x49: {  	_ =	shalt  }
0x4a: {  	_ =	shalt  }
0x4b: {  	_ =	shalt  }
0x4c: {  	_ =	shalt  }
0x4d: {  	_ =	shalt  }
0x4e: {  	_ =	shalt  }
0x4f: {  	_ =	shalt  }
0x50: {  	_ =	shalt  }
0x51: {  	_ =	shalt  }
0x52: {  	_ =	shalt  }
0x53: {  	_ =	shalt  }
0x54: {  	_ =	shalt  }
0x55: {  	_ =	shalt  }
0x56: {  	_ =	shalt  }
0x57: {  	_ =	shalt  }
0x58: {  	_ =	shalt  }
0x59: {  	_ =	shalt  }
0x5a: {  	_ =	shalt  }
0x5b: {  	_ =	shalt  }
0x5c: {  	_ =	shalt  }
0x5d: {  	_ =	shalt  }
0x5e: {  	_ =	shalt  }
0x5f: {  	_ =	shalt  }
0x60: {  	_ =	shalt  }
0x61: {  	_ =	shalt  }
0x62: {  	_ =	shalt  }
0x63: {  	_ =	shalt  }
0x64: {  	_ =	shalt  }
0x65: {  	_ =	shalt  }
0x66: {  	_ =	shalt  }
0x67: {  	_ =	shalt  }
0x68: {  	_ =	shalt  }
0x69: {  	_ =	shalt  }
0x6a: {  	_ =	shalt  }
0x6b: {  	_ =	shalt  }
0x6c: {  	_ =	shalt  }
0x6d: {  	_ =	shalt  }
0x6e: {  	_ =	shalt  }
0x6f: {  	_ =	shalt  }
0x70: {  	_ =	shalt  }
0x71: {  	_ =	shalt  }
0x72: {  	_ =	shalt  }
0x73: {  	_ =	shalt  }
0x74: {  	_ =	shalt  }
0x75: {  	_ =	shalt  }
0x76: {  	_ =	shalt  }
0x77: {  	_ =	shalt  }
0x78: {  	_ =	shalt  }
0x79: {  	_ =	shalt  }
0x7a: {  	_ =	shalt  }
0x7b: {  	_ =	shalt  }
0x7c: {  	_ =	shalt  }
0x7d: {  	_ =	shalt  }
0x7e: {  	_ =	shalt  }
0x7f: {  	_ =	shalt  }
0x80: {  	_ =	shalt  }
0x81: {  	_ =	shalt  }
0x82: {  	_ =	shalt  }
0x83: {  	_ =	shalt  }
0x84: {  	_ =	shalt  }
0x85: {  	_ =	shalt  }
0x86: {  	_ =	shalt  }
0x87: {  	_ =	shalt  }
.Lfunc_end0:
.L_simem_size_0:
called_computation.1_lowered:
.L_overlay_start_0:
0x88: {  	s2 =	sld [smem:$0x3FD9]  }
0x89: {  	s3 =	sld [smem:$0x3FFE];
	_ =	sdelay $0x1  }
0x8a: {  	s1 =	srdreg.scid  }
0x8b: {  	s0 =	sand.u32 $0x1, s1  }
0x8c: {  	s16 =	sshll.u32 s0, $0xA;
	s2 =	sadd.s32 s3, s2  }
0x8d: {  	s2 =	sadd.s32 s2, s16  }
0x8e: {  	[smem:$0x3FBF] =	sst s2  }
0x8f: {  	_ = 	snop  }
0x90: {  	(tm) =	ssettm $0x1  }
0x91: {  	s17 =	sld [smem:$0x3FFB];
	_ =	sdelay $0x3  }
0x92: {  	_ =	strace s17  }
0x93: {  	s2 =	sld [smem:$0x3FFC];
	_ =	sdelay $0x3  }
0x94: {  	_ =	strace s2  }
0x95: {  	s2 =	sld [smem:$0x3FFD];
	_ =	sdelay $0x3  }
0x96: {  	_ =	strace s2  }
0x97: {  	_ =	strace $0x8FFFFFFF  }
0x98: {  	s18 =	sld [smem:$0x3FDB];
	_ =	sdelay $0x1  }
0x99: {  	s19 =	simm.s32 $_scs_section_size  }
0x9a: {  	s4 =	simm.s32 $_size__tile_overlayer_lowered;
	s5 =	simm.s32 $_tile_overlayer_lowered  }
0x9b: {  	s22 =	simm.s32 $0x1BFF;
	s21 =	sshll.u32 s5, $0x1;
	s2 =	sadd.s32 s19, s18  }
0x9c: {  	s6 =	simm.s32 $0x0;
	s20 =	sshll.u32 s4, $0x1;
	s4 =	sadd.s32 s21, s2  }
0x9d: {  	[timem:s6], [sflag:s22] =	dma.local [hbm:s4], s20  }
0x9e: {  	_ =	swait.ge [sflag:s22], s20  }
0x9f: {  	s3 =	ssub.s32 $0x0, s20;
	[sflag:s22] =	ssyncset.done $0x0  }
0xa0: {  	[sflag:s22] =	ssyncadd.s32 s3;
	_ =	sdelay $0x1  }
0xa1: {  	s23 =	simm.s32 $0x1B8B  }
0xa2: {  	_ =	swait.ge [sflag:s23], $0x1  }
0xa3: {  	[sflag:s23] =	ssyncset.done $0x0  }
0xa4: {  	s25 =	simm.s32 $0x1B8E;
	s24 =	sld [smem:$0x3FFE];
	[sflag:s23] =	ssyncadd.s32 $0xFFFFFFFF  }
0xa5: {  	s26 =	simm.s32 $execute0_lowered;
	[smem:$0x3FD2] =	sst s25  }
0xa6: {  	s4 =	sshll.u32 s26, $0x1;
	_ =	strace $0x80000049;
	[dreg:$0x1] =	wrdreg $0xFFFFFFFF  }
0xa7: {  	s28 =	simm.s32 $_size_execute0_lowered;
	s2 =	sadd.s32 s2, s4;
	[dreg:$0x0] =	wrdreg $0x0  }
0xa8: {  	s4 =	sshll.u32 s28, $0x1;
	[dreg:$0x2] =	wrdreg s2  }
0xa9: {  	[dreg:$0x3] =	wrdreg s4  }
0xaa: {  	[dreg:$0x4] =	wrdreg $0xC0  }
0xab: {  	_ =	task [dreg:s6], $0x5FFFF  }
0xac: {  	[dreg:$0x1] =	wrdreg $0xFFFFFFFF  }
0xad: {  	[dreg:$0x0] =	wrdreg $0x60  }
0xae: {  	[dreg:$0x2] =	wrdreg s24  }
0xaf: {  	[dreg:$0x3] =	wrdreg $0xA8000  }
0xb0: {  	[dreg:$0x4] =	wrdreg $0x9  }
0xb1: {  	_ =	task.clear_ibuf [dreg:s6], $0x5FFFF;
	_ =	strace $0x90000049  }
0xb2: {  	s29 =	simm.s32 $0x9;
	_ =	strace $0x8000004B  }
0xb3: {  	_ =	swait.ge [sflag:s29], $0x1  }
0xb4: {  	[sflag:s29] =	ssyncadd.s32 $0xFFFFFFFF  }
0xb5: {  	_ =	strace $0x9000004B  }
0xb6: {  	_ =	sfence  }
0xb7: {  	s30 =	sld [smem:$0x0];
	_ =	sdelay $0x2  }
0xb8: {  	s31 =	sshll.u32 s1, $0xD;
	s1 =	sshrl.u32 s1, $0x2  }
0xb9: {  	s3 =	sand.u32 $0x4000, s31;
	s1 =	sadd.s32 s1, s30  }
0xba: {  	s0 =	sor.u32 s3, s0;
	s1 =	sshll.u32 s1, $0x11  }
0xbb: {  	s0 =	sor.u32 s1, s0  }
0xbc: {  	s0 =	sadd.s32 $0x8F2B, s0  }
0xbd: {  	[sflag:s0] =	ssyncadd.remote.s32 $0x1  }
0xbe: {  	_ =	sfence.sel $0xFFFF  }
0xbf: {  	[dreg:$0x0] =	wrdreg $0xFFFFFFFF;
	(pc) =	sbr.abs _section_cstart, $3  }
0xc0: {  	[dreg:$0x1] =	wrdreg $0xFFFFFFFF  }
0xc1: {  	_ =	task.clear_ibuf [dreg:s6], $0x2FFFF;
	_ =	strace $0x9FFFFFFF  }
0xc2: {  	(tm) =	ssettm $0x7FFFFFFF  }
0xc3: {  	_ =	shalt  }
tec
execute0_lowered:
.L_overlay_start_1:
0x0: {  	(tag) =	ssettag $0x1  }
0x1: {  	s1 =	srdreg.scid  }
0x2: {  	s0 =	stileid.u32;
	s5 =	rddreg [dreg:$0x0]  }
0x3: {  	s2 =	rddreg [dreg:$0x1];
	s3 =	simm.s32 $0x0;
	s14 =	simm.s32 $0x2800  }
0x4: {  	s15 =	simm.s32 $0x6800;
	s16 =	simm.s32 $0x1;
	s17 =	simm.s32 $0x2  }
0x5: {  	s18 =	simm.s32 $0x2700;
	s19 =	simm.s32 $0x2780;
	s6 =	sand.u32 $0x1, s1  }
0x6: {  	s26 =	sshll.u32 s0, $0x1;
	s1 =	rddreg [dreg:$0x2];
	s22 =	smul.u32 $0x2800, s0  }
0x7: {  	[smem:$0x7FF] =	sst s3;
	s28 =	smul.u32 $0x50000, s0;
	s31 =	sshll.u32 s0, $0x6  }
0x8: {  	s4 =	sor.u32 s6, s26;
	_ =	strace $0x8000004A;
	s8 =	smul.u32 $0x28000, s6  }
0x9: {  	s6 =	ssub.s32 $0x2, s6;
	s7 =	smul.u32 $0x500, s4;
	s4 =	sadd.s32 $0x16800, s5  }
0xa: {  	s10 =	sadd.s32 s22, s5;
	s29 =	sshrl.u32 s6, $0x1;
	s30 =	sshrl.u32 s28, $0x2  }
0xb: {  	s11 =	sadd.s32 s8, s5;
	s12 =	ssub.s32 s6, s29;
	s13 =	sadd.s32 s30, s2  }
0xc: {  	s6 =	sor.u32 $0x1C03, s31;
	s9 =	sadd.s32 s7, s5;
	s5 =	sadd.s32 $0x3DA00, s10  }
0xd: {  	s23 =	sadd.s32 $0x65A00, s11;
	s10 =	sshrl.u32 s13, $0x3;
	s11 =	simm.s32 $0x3  }
0xe: {  	s13 =	simm.s32 $0x80;
	s7 =	sadd.s32 $0xC800, s9;
	s8 =	sadd.s32 $0x2800, s9  }
0xf: {  	s9 =	smax.u32 s12, $0x1;
	s12 =	simm.s32 $0x1400;
	s22 =	sadd.s32 s22, s23  }
0x10: {  	s23 =	simm.s32 $0x0;
	s20 =	sadd.s32 $0x280, s7;
	s21 =	sadd.s32 $0x280, s8  }
.LBB2_1:
0x11: {  	[spmem:s10], [sflag:s6] =	dma.local [hbm:s5], $0x2800  }
0x12: {  	_ =	swait.ge [sflag:s11], $0x2800  }
0x13: {  	[sflag:s11] =	ssyncset.done $0x0  }
0x14: {  	[sflag:s11] =	ssyncadd.s32 $0xFFFFD800  }
0x15: {  	[bflag:$0x0] =	sbarrier.arrive $0xFFFF  }
0x16: {  	[tilespmem:s3], [sflag:$0x3] =	stream.linear.gather [hbm4b:s7+s3], $0x1400, $0x38;
	[tilespmem:$0x1E800] =	vst v63  }
0x17: {  	_ =	swait.ge [sflag:s11], $0x1400  }
0x18: {  	[sflag:s11] =	ssyncset.done $0x0  }
0x19: {  	[sflag:s11] =	ssyncadd.s32 $0xFFFFEC00  }
0x1a: {  	[tilespmem:s12], [sflag:$0x3] =	stream.linear.gather [hbm4b:s8+s3], $0x1400, $0x38;
	[tilespmem:$0x1E800] =	vst v63  }
0x1b: {  	_ =	swait.ge [sflag:s11], $0x1400  }
0x1c: {  	[sflag:s11] =	ssyncset.done $0x0  }
0x1d: {  	[sflag:s11] =	ssyncadd.s32 $0xFFFFEC00  }
0x1e: {  	[tilespmem:s14], [sflag:$0x1] =	stream.indirect.gather [hbm4b:s4+s13], $0x80, s3, s13, $0xb8;
	[tilespmem:$0x1E800] =	vst v63  }
0x1f: {  	_ = 	snop  }
0x20: {  	[tilespmem:s15], [sflag:$0x2] =	stream.indirect.gather [hbm4b:s4+s13], $0x80, s13, s13, $0xb8;
	[tilespmem:$0x1E800] =	vst v63  }
0x21: {  	_ =	swait.ge [sflag:s16], $0x4000  }
0x22: {  	[sflag:s16] =	ssyncset.done $0x0  }
0x23: {  	s24 =	simm.s32 $0x1400;
	[sflag:s16] =	ssyncadd.s32 $0xFFFFC000  }
0x24: {  	[spmem:s2] =	stream.indirect.scatter.add.f32 [tilespmem:s14], [sflag:$0x3], $0x80, s24, s13, $0xb8;
	[tilespmem:$0x1E800] =	vst v63  }
0x25: {  	_ =	swait.ge [sflag:s11], $0x4000  }
0x26: {  	[sflag:s11] =	ssyncset.done $0x0  }
0x27: {  	s30 =	simm.s32 $0x100;
	[sflag:s11] =	ssyncadd.s32 $0xFFFFC000  }
0x28: {  	[tilespmem:s14], [sflag:$0x1] =	stream.indirect.gather [hbm4b:s4+s13], $0x80, s30, s13, $0xb8;
	[tilespmem:$0x1E800] =	vst v63  }
0x29: {  	_ =	swait.ge [sflag:s17], $0x4000  }
0x2a: {  	[sflag:s17] =	ssyncset.done $0x0  }
0x2b: {  	s31 =	simm.s32 $0x1480;
	[sflag:s17] =	ssyncadd.s32 $0xFFFFC000  }
0x2c: {  	[spmem:s2] =	stream.indirect.scatter.add.f32 [tilespmem:s15], [sflag:$0x3], $0x80, s31, s13, $0xb8;
	[tilespmem:$0x1E800] =	vst v63  }
0x2d: {  	_ =	swait.ge [sflag:s11], $0x4000  }
0x2e: {  	[sflag:s11] =	ssyncset.done $0x0  }
0x2f: {  	s25 =	simm.s32 $0x180;
	s24 =	simm.s32 $0x400;
	[sflag:s11] =	ssyncadd.s32 $0xFFFFC000  }
.LBB2_2:
0x30: {  	[tilespmem:s15], [sflag:$0x2] =	stream.indirect.gather [hbm4b:s4+s13], $0x80, s25, s13, $0xb8;
	[tilespmem:$0x1E800] =	vst v63  }
0x31: {  	s25 =	smov.u32 s24  }
0x32: {  	p0 =	sne.s32 s24, $0x4800;
	s24 =	sadd.s32 $0x400, s24;
	_ =	swait.ge [sflag:s16], $0x4000  }
0x33: {  	s25 =	sshra.s32 s25, $0x2;
	[sflag:s16] =	ssyncset.done $0x0  }
0x34: {  	s26 =	sadd.s32 $0x1400, s25;
	[sflag:s16] =	ssyncadd.s32 $0xFFFFC000  }
0x35: {  	[spmem:s2] =	stream.indirect.scatter.add.f32 [tilespmem:s14], [sflag:$0x3], $0x80, s26, s13, $0xb8;
	[tilespmem:$0x1E800] =	vst v63  }
0x36: {  	_ =	swait.ge [sflag:s11], $0x4000  }
0x37: {  	[sflag:s11] =	ssyncset.done $0x0  }
0x38: {  	s26 =	sadd.s32 $0x100, s25;
	[sflag:s11] =	ssyncadd.s32 $0xFFFFC000  }
0x39: {  	[tilespmem:s14], [sflag:$0x1] =	stream.indirect.gather [hbm4b:s4+s13], $0x80, s26, s13, $0xb8;
	[tilespmem:$0x1E800] =	vst v63  }
0x3a: {  	_ =	swait.ge [sflag:s17], $0x4000  }
0x3b: {  	[sflag:s17] =	ssyncset.done $0x0  }
.Ltmp0:
0x3c: {  	s26 =	sadd.s32 $0x1480, s25;
	[sflag:s17] =	ssyncadd.s32 $0xFFFFC000;
	(pc) =	sbr.rel @p0 .LBB2_2-.Ltmp0, $4  }
0x3d: {  	[spmem:s2] =	stream.indirect.scatter.add.f32 [tilespmem:s15], [sflag:$0x3], $0x80, s26, s13, $0xb8;
	[tilespmem:$0x1E800] =	vst v63  }
0x3e: {  	_ =	swait.ge [sflag:s11], $0x4000  }
0x3f: {  	[sflag:s11] =	ssyncset.done $0x0  }
0x40: {  	s25 =	sadd.s32 $0x180, s25;
	[sflag:s11] =	ssyncadd.s32 $0xFFFFC000  }
0x41: {  	[tilespmem:s15], [sflag:$0x2] =	stream.indirect.gather [hbm4b:s4+s13], $0x80, s25, s13, $0xb8;
	[tilespmem:$0x1E800] =	vst v63  }
0x42: {  	_ =	swait.ge [sflag:s16], $0x4000  }
0x43: {  	[sflag:s16] =	ssyncset.done $0x0  }
0x44: {  	[sflag:s16] =	ssyncadd.s32 $0xFFFFC000  }
0x45: {  	[spmem:s2] =	stream.indirect.scatter.add.f32 [tilespmem:s14], [sflag:$0x3], $0x80, s18, s13, $0xb8;
	[tilespmem:$0x1E800] =	vst v63  }
0x46: {  	_ =	swait.ge [sflag:s11], $0x4000  }
0x47: {  	[sflag:s11] =	ssyncset.done $0x0  }
0x48: {  	[sflag:s11] =	ssyncadd.s32 $0xFFFFC000  }
0x49: {  	_ =	swait.ge [sflag:s17], $0x4000  }
0x4a: {  	[sflag:s17] =	ssyncset.done $0x0  }
0x4b: {  	[sflag:s17] =	ssyncadd.s32 $0xFFFFC000  }
0x4c: {  	[spmem:s2] =	stream.indirect.scatter.add.f32 [tilespmem:s15], [sflag:$0x3], $0x80, s19, s13, $0xb8;
	[tilespmem:$0x1E800] =	vst v63  }
0x4d: {  	_ =	swait.ge [sflag:s11], $0x4000  }
0x4e: {  	[sflag:s11] =	ssyncset.done $0x0  }
0x4f: {  	s24 =	simm.s32 $0x0;
	[sflag:s11] =	ssyncadd.s32 $0xFFFFC000  }
0x50: {  	[tilespmem:s24], [sflag:$0x3] =	stream.linear.gather [hbm4b:s20+s24], $0x1400, $0x38;
	[tilespmem:$0x1E800] =	vst v63  }
0x51: {  	_ =	swait.ge [sflag:s11], $0x1400  }
0x52: {  	[sflag:s11] =	ssyncset.done $0x0  }
0x53: {  	[sflag:s11] =	ssyncadd.s32 $0xFFFFEC00  }
0x54: {  	[tilespmem:s12], [sflag:$0x3] =	stream.linear.gather [hbm4b:s21+s24], $0x1400, $0x38;
	[tilespmem:$0x1E800] =	vst v63  }
0x55: {  	_ =	swait.ge [sflag:s11], $0x1400  }
0x56: {  	[sflag:s11] =	ssyncset.done $0x0  }
0x57: {  	[sflag:s11] =	ssyncadd.s32 $0xFFFFEC00  }
0x58: {  	[tilespmem:s14], [sflag:$0x1] =	stream.indirect.gather [hbm4b:s4+s13], $0x80, s24, s13, $0xb8;
	[tilespmem:$0x1E800] =	vst v63  }
0x59: {  	_ = 	snop  }
0x5a: {  	[tilespmem:s15], [sflag:$0x2] =	stream.indirect.gather [hbm4b:s4+s13], $0x80, s13, s13, $0xb8;
	[tilespmem:$0x1E800] =	vst v63  }
0x5b: {  	_ =	swait.ge [sflag:s16], $0x4000  }
0x5c: {  	[sflag:s16] =	ssyncset.done $0x0  }
0x5d: {  	s29 =	simm.s32 $0x1400;
	[sflag:s16] =	ssyncadd.s32 $0xFFFFC000  }
0x5e: {  	[spmem:s2] =	stream.indirect.scatter.add.f32 [tilespmem:s14], [sflag:$0x3], $0x80, s29, s13, $0xb8;
	[tilespmem:$0x1E800] =	vst v63  }
0x5f: {  	_ =	swait.ge [sflag:s11], $0x4000  }
0x60: {  	[sflag:s11] =	ssyncset.done $0x0  }
0x61: {  	s30 =	simm.s32 $0x100;
	[sflag:s11] =	ssyncadd.s32 $0xFFFFC000  }
0x62: {  	[tilespmem:s14], [sflag:$0x1] =	stream.indirect.gather [hbm4b:s4+s13], $0x80, s30, s13, $0xb8;
	[tilespmem:$0x1E800] =	vst v63  }
0x63: {  	_ =	swait.ge [sflag:s17], $0x4000  }
0x64: {  	[sflag:s17] =	ssyncset.done $0x0  }
0x65: {  	s31 =	simm.s32 $0x1480;
	[sflag:s17] =	ssyncadd.s32 $0xFFFFC000  }
0x66: {  	[spmem:s2] =	stream.indirect.scatter.add.f32 [tilespmem:s15], [sflag:$0x3], $0x80, s31, s13, $0xb8;
	[tilespmem:$0x1E800] =	vst v63  }
0x67: {  	_ =	swait.ge [sflag:s11], $0x4000  }
0x68: {  	[sflag:s11] =	ssyncset.done $0x0  }
0x69: {  	s25 =	simm.s32 $0x180;
	s24 =	simm.s32 $0x400;
	[sflag:s11] =	ssyncadd.s32 $0xFFFFC000  }
.LBB2_4:
0x6a: {  	[tilespmem:s15], [sflag:$0x2] =	stream.indirect.gather [hbm4b:s4+s13], $0x80, s25, s13, $0xb8;
	[tilespmem:$0x1E800] =	vst v63  }
0x6b: {  	s25 =	smov.u32 s24  }
0x6c: {  	p0 =	sne.s32 s24, $0x4800;
	s24 =	sadd.s32 $0x400, s24;
	_ =	swait.ge [sflag:s16], $0x4000  }
0x6d: {  	s25 =	sshra.s32 s25, $0x2;
	[sflag:s16] =	ssyncset.done $0x0  }
0x6e: {  	s26 =	sadd.s32 $0x1400, s25;
	[sflag:s16] =	ssyncadd.s32 $0xFFFFC000  }
0x6f: {  	[spmem:s2] =	stream.indirect.scatter.add.f32 [tilespmem:s14], [sflag:$0x3], $0x80, s26, s13, $0xb8;
	[tilespmem:$0x1E800] =	vst v63  }
0x70: {  	_ =	swait.ge [sflag:s11], $0x4000  }
0x71: {  	[sflag:s11] =	ssyncset.done $0x0  }
0x72: {  	s26 =	sadd.s32 $0x100, s25;
	[sflag:s11] =	ssyncadd.s32 $0xFFFFC000  }
0x73: {  	[tilespmem:s14], [sflag:$0x1] =	stream.indirect.gather [hbm4b:s4+s13], $0x80, s26, s13, $0xb8;
	[tilespmem:$0x1E800] =	vst v63  }
0x74: {  	_ =	swait.ge [sflag:s17], $0x4000  }
0x75: {  	[sflag:s17] =	ssyncset.done $0x0  }
.Ltmp1:
0x76: {  	s26 =	sadd.s32 $0x1480, s25;
	[sflag:s17] =	ssyncadd.s32 $0xFFFFC000;
	(pc) =	sbr.rel @p0 .LBB2_4-.Ltmp1, $4  }
0x77: {  	[spmem:s2] =	stream.indirect.scatter.add.f32 [tilespmem:s15], [sflag:$0x3], $0x80, s26, s13, $0xb8;
	[tilespmem:$0x1E800] =	vst v63  }
0x78: {  	_ =	swait.ge [sflag:s11], $0x4000  }
0x79: {  	[sflag:s11] =	ssyncset.done $0x0  }
0x7a: {  	s25 =	sadd.s32 $0x180, s25;
	[sflag:s11] =	ssyncadd.s32 $0xFFFFC000  }
0x7b: {  	[tilespmem:s15], [sflag:$0x2] =	stream.indirect.gather [hbm4b:s4+s13], $0x80, s25, s13, $0xb8;
	[tilespmem:$0x1E800] =	vst v63  }
0x7c: {  	_ =	swait.ge [sflag:s16], $0x4000  }
0x7d: {  	[sflag:s16] =	ssyncset.done $0x0  }
0x7e: {  	[sflag:s16] =	ssyncadd.s32 $0xFFFFC000  }
0x7f: {  	[spmem:s2] =	stream.indirect.scatter.add.f32 [tilespmem:s14], [sflag:$0x3], $0x80, s18, s13, $0xb8;
	[tilespmem:$0x1E800] =	vst v63  }
0x80: {  	_ =	swait.ge [sflag:s11], $0x4000  }
0x81: {  	[sflag:s11] =	ssyncset.done $0x0  }
0x82: {  	[sflag:s11] =	ssyncadd.s32 $0xFFFFC000  }
0x83: {  	_ =	swait.ge [sflag:s17], $0x4000  }
0x84: {  	[sflag:s17] =	ssyncset.done $0x0  }
0x85: {  	[sflag:s17] =	ssyncadd.s32 $0xFFFFC000  }
0x86: {  	[spmem:s2] =	stream.indirect.scatter.add.f32 [tilespmem:s15], [sflag:$0x3], $0x80, s19, s13, $0xb8;
	[tilespmem:$0x1E800] =	vst v63  }
0x87: {  	_ =	swait.ge [sflag:s11], $0x4000  }
0x88: {  	s23 =	sadd.s32 $0x1, s23;
	[sflag:s11] =	ssyncset.done $0x0  }
0x89: {  	p0 =	sne.s32 s23, s9;
	[sflag:s11] =	ssyncadd.s32 $0xFFFFC000  }
.Ltmp2:
0x8a: {  	[bflag:$0x0] =	sbarrier.arrive $0xFFFF;
	(pc) =	sbr.rel @p0 .LBB2_1-.Ltmp2, $4  }
0x8b: {  	[hbm:s22], [sflag:s6] =	dma.local [spmem:s10], $0x2800  }
0x8c: {  	_ =	swait.ge [sflag:s11], $0x2800  }
0x8d: {  	[sflag:s11] =	ssyncset.done $0x0  }
0x8e: {  	[sflag:s11] =	ssyncadd.s32 $0xFFFFD800  }
0x8f: {  	_ =	sfence.sel $0x180000  }
0x90: {  	[bflag:$0x0] =	sbarrier.arrive $0xFFFF  }
0x91: {  	p0 =	sne.s32 s0, $0x0;
	_ =	strace $0x9000004A  }
0x92: {  	s0 =	sadd.s32 @!p0 $0x100000, s1;
	[bflag:$0x2] =	sbarrier.arrive $0xFFFF  }
0x93: {  	[sflag:s0] =	ssyncadd.tile.s32 @!p0 $0x1;
	_ =	shalt  }
.Lfunc_end2:
_tile_overlayer_lowered:
.L_overlay_start_2:
0x94: {  	(tag) =	ssettag $0x2  }
0x95: {  	s0 =	rddreg [dreg:$0x0];
	s2 =	stileid.u32  }
0x96: {  	s1 =	rddreg [dreg:$0x1];
	p0 =	sne.s32 s2, $0x0  }
0x97: {  	s3 =	rddreg [dreg:$0x2];
	[bflag:$0x3] =	sbarrier.arrive $0xFFFF;
	s2 =	simm.s32 @!p0 $0x1C03  }
0x98: {  	[timem:s3], [sflag:s2] =	dma.local @!p0 [hbm:s0], s1  }
0x99: {  	s0 =	simm.s32 @!p0 $0x3  }
0x9a: {  	_ =	swait.ge @!p0 [sflag:s0], s1  }
0x9b: {  	s1 =	ssub.s32 @!p0 $0x0, s1;
	[sflag:s0] =	ssyncset.done @!p0 $0x0  }
0x9c: {  	[sflag:s0] =	ssyncadd.s32 @!p0 s1  }
0x9d: {  	[bflag:$0x3] =	sbarrier.arrive $0xFFFF  }
0x9e: {  	_ =	shalt  }

// kernel: kernel.15.cloned.1.call-start
scs
__scs_entry_jumppad:
0x0: {  	(pc) =	sbr.rel $0x88, $3  }
0x1: {  	(tag) =	ssettag $0x0;
	lr =	simm.s32 $0x1  }
0x2: {  	[smem:$0x3F98] =	sst lr;
	_ =	strace $0xD0000000  }
0x3: {  	_ = 	snop  }
0x4: {  	_ = 	snop  }
0x5: {  	_ = 	snop  }
0x6: {  	_ = 	snop  }
0x7: {  	_ = 	snop  }
__scs_overlays_trampoline_lowered:
0x8: {  	[smem:$0x3FA7] =	sst s0  }
0x9: {  	[smem:$0x3FA8] =	sst s1  }
0xa: {  	[smem:$0x3FA9] =	sst s2  }
0xb: {  	[smem:$0x3FAA] =	sst s3  }
0xc: {  	[smem:$0x3FAB] =	sst s4  }
0xd: {  	[smem:$0x3FAC] =	sst s5  }
0xe: {  	[smem:$0x3FAD] =	sst s6  }
0xf: {  	[smem:$0x3FAE] =	sst s7  }
0x10: {  	[smem:$0x3FAF] =	sst s8  }
0x11: {  	[smem:$0x3FB0] =	sst s9;
	s0 =	simm.s32 @!p0 $0x0  }
0x12: {  	s1 =	sld [smem:$0x3F96];
	s0 =	simm.s32 @p0 $0x1  }
0x13: {  	[smem:$0x3FB1] =	sst s0;
	s0 =	simm.s32 @!p1 $0x0  }
0x14: {  	s2 =	sld [smem:$0x3F95];
	s0 =	simm.s32 @p1 $0x1  }
0x15: {  	[smem:$0x3FB2] =	sst s0;
	s0 =	simm.s32 @!p2 $0x0  }
0x16: {  	s3 =	sld [smem:$0x3FDB];
	s0 =	simm.s32 @p2 $0x1  }
0x17: {  	s4 =	simm.s32 $0x1BF5;
	[smem:$0x3FB4] =	sst s0  }
0x18: {  	s0 =	sld [smem:$0x3F97];
	_ =	swait.ge [sflag:s4], $0x0  }
0x19: {  	s7 =	sld [smem:$0x3F98]  }
0x1a: {  	s8 =	sadd.s32 $0xFFFFE003, lr  }
0x1b: {  	s9 =	sadd.s32 $0xFFFFFEF7, lr;
	s5 =	simm.s32 $0xFFFFFFFF;
	p2 =	slt.u32 s8, $0xFFFFF086  }
0x1c: {  	p1 =	slt.u32 s9, $0xF7A;
	s5 =	simm.s32 @!p2 $0x0  }
0x1d: {  	s5 =	simm.s32 @p1 $0x1;
	p0 =	seq.s32 s7, s2  }
0x1e: {  	s7 =	smul.u32 @!p0 $0xF7A, s2;
	p2 =	seq.s32 @!p0 s5, $0x0  }
0x1f: {  	s9 =	smul.u32 $0xF7A, s1;
	s8 =	simm.s32 @!p0 $0x1BF5;
	p2 =	por !p2, p0  }
0x20: {  	[sflag:s8] =	ssyncset.s32 @!p0 $0xFFFFF086;
	s6 =	sadd.s32 @!p0 s3, s7;
	s7 =	simm.s32 @!p0 $0x108  }
0x21: {  	s3 =	sadd.s32 s3, s9;
	s6 =	sadd.s32 @!p0 $0x88, s6;
	s7 =	simm.s32 @p2 $0x1082  }
0x22: {  	[simem:s7], [sflag:s8] =	dma.local @!p0 [hbm:s6], $0xF7A  }
0x23: {  	s9 =	sor.u32 $0xD0000000, s2;
	s6 =	simm.s32 $0x108;
	_ =	swait.ge @!p0 [sflag:s8], $0x0  }
0x24: {  	s3 =	sadd.s32 $0x88, s3;
	s6 =	simm.s32 @!p1 $0x1082;
	[sflag:s4] =	ssyncset.s32 $0xFFFFF086  }
0x25: {  	[simem:s6], [sflag:s4] =	dma.local [hbm:s3], $0xF7A  }
0x26: {  	[smem:$0x3F98] =	sst s1;
	(tag) =	ssettag s2;
	_ =	strace s9  }
0x27: {  	s1 =	sld [smem:$0x3FA8]  }
0x28: {  	s2 =	sld [smem:$0x3FA9]  }
0x29: {  	s4 =	sld [smem:$0x3FAB]  }
0x2a: {  	p0 =	seq.s32 s5, $0x0;
	s5 =	sld [smem:$0x3FAC]  }
0x2b: {  	s6 =	sld [smem:$0x3FAD]  }
0x2c: {  	s7 =	sld [smem:$0x3FAE]  }
0x2d: {  	s3 =	simm.s32 $0x108;
	s8 =	sld [smem:$0x3FAF]  }
0x2e: {  	s3 =	simm.s32 @!p0 $0x1082;
	s9 =	sld [smem:$0x3FB0]  }
0x2f: {  	lr =	sadd.s32 s0, s3;
	s0 =	sld [smem:$0x3FA7]  }
0x30: {  	s3 =	sld [smem:$0x3FAA]  }
0x31: {  	[smem:$0x3FB3] =	sst s10  }
0x32: {  	s10 =	sld [smem:$0x3FB1];
	_ =	sdelay $0x3  }
0x33: {  	p0 =	seq.s32 s10, $0x1;
	s10 =	sld [smem:$0x3FB3];
	_ =	sdelay $0x3  }
0x34: {  	[smem:$0x3FB3] =	sst s10  }
0x35: {  	s10 =	sld [smem:$0x3FB2];
	_ =	sdelay $0x3  }
0x36: {  	p1 =	seq.s32 s10, $0x1;
	s10 =	sld [smem:$0x3FB3];
	_ =	sdelay $0x3  }
0x37: {  	[smem:$0x3FB3] =	sst s10  }
0x38: {  	s10 =	sld [smem:$0x3FB4]  }
0x39: {  	_ = 	snop;
	(pc) =	sbr.ind lr, $3  }
0x3a: {  	_ = 	snop  }
0x3b: {  	_ = 	snop  }
0x3c: {  	p2 =	seq.s32 s10, $0x1;
	s10 =	sld [smem:$0x3FB3]  }
0x3d: {  	_ =	shalt  }
0x3e: {  	_ =	shalt  }
0x3f: {  	_ =	shalt  }
0x40: {  	_ =	shalt  }
0x41: {  	_ =	shalt  }
0x42: {  	_ =	shalt  }
0x43: {  	_ =	shalt  }
0x44: {  	_ =	shalt  }
0x45: {  	_ =	shalt  }
0x46: {  	_ =	shalt  }
0x47: {  	_ =	shalt  }
0x48: {  	_ =	shalt  }
0x49: {  	_ =	shalt  }
0x4a: {  	_ =	shalt  }
0x4b: {  	_ =	shalt  }
0x4c: {  	_ =	shalt  }
0x4d: {  	_ =	shalt  }
0x4e: {  	_ =	shalt  }
0x4f: {  	_ =	shalt  }
0x50: {  	_ =	shalt  }
0x51: {  	_ =	shalt  }
0x52: {  	_ =	shalt  }
0x53: {  	_ =	shalt  }
0x54: {  	_ =	shalt  }
0x55: {  	_ =	shalt  }
0x56: {  	_ =	shalt  }
0x57: {  	_ =	shalt  }
0x58: {  	_ =	shalt  }
0x59: {  	_ =	shalt  }
0x5a: {  	_ =	shalt  }
0x5b: {  	_ =	shalt  }
0x5c: {  	_ =	shalt  }
0x5d: {  	_ =	shalt  }
0x5e: {  	_ =	shalt  }
0x5f: {  	_ =	shalt  }
0x60: {  	_ =	shalt  }
0x61: {  	_ =	shalt  }
0x62: {  	_ =	shalt  }
0x63: {  	_ =	shalt  }
0x64: {  	_ =	shalt  }
0x65: {  	_ =	shalt  }
0x66: {  	_ =	shalt  }
0x67: {  	_ =	shalt  }
0x68: {  	_ =	shalt  }
0x69: {  	_ =	shalt  }
0x6a: {  	_ =	shalt  }
0x6b: {  	_ =	shalt  }
0x6c: {  	_ =	shalt  }
0x6d: {  	_ =	shalt  }
0x6e: {  	_ =	shalt  }
0x6f: {  	_ =	shalt  }
0x70: {  	_ =	shalt  }
0x71: {  	_ =	shalt  }
0x72: {  	_ =	shalt  }
0x73: {  	_ =	shalt  }
0x74: {  	_ =	shalt  }
0x75: {  	_ =	shalt  }
0x76: {  	_ =	shalt  }
0x77: {  	_ =	shalt  }
0x78: {  	_ =	shalt  }
0x79: {  	_ =	shalt  }
0x7a: {  	_ =	shalt  }
0x7b: {  	_ =	shalt  }
0x7c: {  	_ =	shalt  }
0x7d: {  	_ =	shalt  }
0x7e: {  	_ =	shalt  }
0x7f: {  	_ =	shalt  }
0x80: {  	_ =	shalt  }
0x81: {  	_ =	shalt  }
0x82: {  	_ =	shalt  }
0x83: {  	_ =	shalt  }
0x84: {  	_ =	shalt  }
0x85: {  	_ =	shalt  }
0x86: {  	_ =	shalt  }
0x87: {  	_ =	shalt  }
.Lfunc_end0:
.L_simem_size_0:
called_computation.2_lowered:
.L_overlay_start_0:
0x88: {  	s2 =	sld [smem:$0x3FD9]  }
0x89: {  	s3 =	sld [smem:$0x3FFE];
	_ =	sdelay $0x1  }
0x8a: {  	s1 =	srdreg.scid  }
0x8b: {  	s0 =	sand.u32 $0x1, s1  }
0x8c: {  	s16 =	sshll.u32 s0, $0xA;
	s2 =	sadd.s32 s3, s2  }
0x8d: {  	s2 =	sadd.s32 s2, s16  }
0x8e: {  	[smem:$0x3FBF] =	sst s2  }
0x8f: {  	_ = 	snop  }
0x90: {  	(tm) =	ssettm $0x1  }
0x91: {  	s17 =	sld [smem:$0x3FFB];
	_ =	sdelay $0x3  }
0x92: {  	_ =	strace s17  }
0x93: {  	s2 =	sld [smem:$0x3FFC];
	_ =	sdelay $0x3  }
0x94: {  	_ =	strace s2  }
0x95: {  	s2 =	sld [smem:$0x3FFD];
	_ =	sdelay $0x3  }
0x96: {  	_ =	strace s2  }
0x97: {  	_ =	strace $0x8FFFFFFF  }
0x98: {  	s18 =	sld [smem:$0x3FDB];
	_ =	sdelay $0x1  }
0x99: {  	s19 =	simm.s32 $_scs_section_size  }
0x9a: {  	s4 =	simm.s32 $_size__tile_overlayer_lowered;
	s5 =	simm.s32 $_tile_overlayer_lowered  }
0x9b: {  	s22 =	simm.s32 $0x1BFF;
	s21 =	sshll.u32 s5, $0x1;
	s2 =	sadd.s32 s19, s18  }
0x9c: {  	s6 =	simm.s32 $0x0;
	s20 =	sshll.u32 s4, $0x1;
	s4 =	sadd.s32 s21, s2  }
0x9d: {  	[timem:s6], [sflag:s22] =	dma.local [hbm:s4], s20  }
0x9e: {  	_ =	swait.ge [sflag:s22], s20  }
0x9f: {  	s3 =	ssub.s32 $0x0, s20;
	[sflag:s22] =	ssyncset.done $0x0  }
0xa0: {  	[sflag:s22] =	ssyncadd.s32 s3;
	_ =	sdelay $0x1  }
0xa1: {  	s23 =	simm.s32 $0x1B8B  }
0xa2: {  	_ =	swait.ge [sflag:s23], $0x1  }
0xa3: {  	[sflag:s23] =	ssyncset.done $0x0  }
0xa4: {  	s25 =	simm.s32 $0x1B8E;
	s24 =	sld [smem:$0x3FFE];
	[sflag:s23] =	ssyncadd.s32 $0xFFFFFFFF  }
0xa5: {  	s26 =	simm.s32 $execute0_lowered;
	[smem:$0x3FD2] =	sst s25  }
0xa6: {  	s4 =	sshll.u32 s26, $0x1;
	_ =	strace $0x8000004C;
	[dreg:$0x1] =	wrdreg $0xFFFFFFFF  }
0xa7: {  	s28 =	simm.s32 $_size_execute0_lowered;
	s2 =	sadd.s32 s2, s4;
	[dreg:$0x0] =	wrdreg $0x0  }
0xa8: {  	s4 =	sshll.u32 s28, $0x1;
	[dreg:$0x2] =	wrdreg s2  }
0xa9: {  	[dreg:$0x3] =	wrdreg s4  }
0xaa: {  	[dreg:$0x4] =	wrdreg $0xC0  }
0xab: {  	_ =	task [dreg:s6], $0x5FFFF  }
0xac: {  	[dreg:$0x1] =	wrdreg $0xFFFFFFFF  }
0xad: {  	[dreg:$0x0] =	wrdreg $0x60  }
0xae: {  	[dreg:$0x2] =	wrdreg s24  }
0xaf: {  	[dreg:$0x3] =	wrdreg $0xA8000  }
0xb0: {  	[dreg:$0x4] =	wrdreg $0x9  }
0xb1: {  	_ =	task.clear_ibuf [dreg:s6], $0x5FFFF;
	_ =	strace $0x9000004C  }
0xb2: {  	s29 =	simm.s32 $0x9;
	_ =	strace $0x8000004E  }
0xb3: {  	_ =	swait.ge [sflag:s29], $0x1  }
0xb4: {  	[sflag:s29] =	ssyncadd.s32 $0xFFFFFFFF  }
0xb5: {  	_ =	strace $0x9000004E  }
0xb6: {  	_ =	sfence  }
0xb7: {  	s30 =	sld [smem:$0x0];
	_ =	sdelay $0x2  }
0xb8: {  	s31 =	sshll.u32 s1, $0xD;
	s1 =	sshrl.u32 s1, $0x2  }
0xb9: {  	s3 =	sand.u32 $0x4000, s31;
	s1 =	sadd.s32 s1, s30  }
0xba: {  	s0 =	sor.u32 s3, s0;
	s1 =	sshll.u32 s1, $0x11  }
0xbb: {  	s0 =	sor.u32 s1, s0  }
0xbc: {  	s0 =	sadd.s32 $0x8F2B, s0  }
0xbd: {  	[sflag:s0] =	ssyncadd.remote.s32 $0x1  }
0xbe: {  	_ =	sfence.sel $0xFFFF  }
0xbf: {  	[dreg:$0x0] =	wrdreg $0xFFFFFFFF;
	(pc) =	sbr.abs _section_cstart, $3  }
0xc0: {  	[dreg:$0x1] =	wrdreg $0xFFFFFFFF  }
0xc1: {  	_ =	task.clear_ibuf [dreg:s6], $0x2FFFF;
	_ =	strace $0x9FFFFFFF  }
0xc2: {  	(tm) =	ssettm $0x7FFFFFFF  }
0xc3: {  	_ =	shalt  }
tec
execute0_lowered:
.L_overlay_start_1:
0x0: {  	(tag) =	ssettag $0x1  }
0x1: {  	s1 =	srdreg.scid  }
0x2: {  	s0 =	stileid.u32;
	s5 =	rddreg [dreg:$0x0]  }
0x3: {  	s2 =	rddreg [dreg:$0x1];
	s3 =	simm.s32 $0x0;
	s14 =	simm.s32 $0x2800  }
0x4: {  	s15 =	simm.s32 $0x6800;
	s16 =	simm.s32 $0x1;
	s17 =	simm.s32 $0x2  }
0x5: {  	s18 =	simm.s32 $0x2700;
	s19 =	simm.s32 $0x2780;
	s6 =	sand.u32 $0x1, s1  }
0x6: {  	s26 =	sshll.u32 s0, $0x1;
	s1 =	rddreg [dreg:$0x2];
	s22 =	smul.u32 $0x2800, s0  }
0x7: {  	[smem:$0x7FF] =	sst s3;
	s28 =	smul.u32 $0x50000, s0;
	s31 =	sshll.u32 s0, $0x6  }
0x8: {  	s4 =	sor.u32 s6, s26;
	_ =	strace $0x8000004D;
	s8 =	smul.u32 $0x28000, s6  }
0x9: {  	s6 =	ssub.s32 $0x2, s6;
	s7 =	smul.u32 $0x500, s4;
	s4 =	sadd.s32 $0x16800, s5  }
0xa: {  	s10 =	sadd.s32 s22, s5;
	s29 =	sshrl.u32 s6, $0x1;
	s30 =	sshrl.u32 s28, $0x2  }
0xb: {  	s11 =	sadd.s32 s8, s5;
	s12 =	ssub.s32 s6, s29;
	s13 =	sadd.s32 s30, s2  }
0xc: {  	s6 =	sor.u32 $0x1C03, s31;
	s9 =	sadd.s32 s7, s5;
	s5 =	sadd.s32 $0x3DA00, s10  }
0xd: {  	s23 =	sadd.s32 $0x65A00, s11;
	s10 =	sshrl.u32 s13, $0x3;
	s11 =	simm.s32 $0x3  }
0xe: {  	s13 =	simm.s32 $0x80;
	s7 =	sadd.s32 $0xC800, s9;
	s8 =	sadd.s32 $0x2800, s9  }
0xf: {  	s9 =	smax.u32 s12, $0x1;
	s12 =	simm.s32 $0x1400;
	s22 =	sadd.s32 s22, s23  }
0x10: {  	s23 =	simm.s32 $0x0;
	s20 =	sadd.s32 $0x280, s7;
	s21 =	sadd.s32 $0x280, s8  }
.LBB2_1:
0x11: {  	[spmem:s10], [sflag:s6] =	dma.local [hbm:s5], $0x2800  }
0x12: {  	_ =	swait.ge [sflag:s11], $0x2800  }
0x13: {  	[sflag:s11] =	ssyncset.done $0x0  }
0x14: {  	[sflag:s11] =	ssyncadd.s32 $0xFFFFD800  }
0x15: {  	[bflag:$0x0] =	sbarrier.arrive $0xFFFF  }
0x16: {  	[tilespmem:s3], [sflag:$0x3] =	stream.linear.gather [hbm4b:s7+s3], $0x1400, $0x38;
	[tilespmem:$0x1E800] =	vst v63  }
0x17: {  	_ =	swait.ge [sflag:s11], $0x1400  }
0x18: {  	[sflag:s11] =	ssyncset.done $0x0  }
0x19: {  	[sflag:s11] =	ssyncadd.s32 $0xFFFFEC00  }
0x1a: {  	[tilespmem:s12], [sflag:$0x3] =	stream.linear.gather [hbm4b:s8+s3], $0x1400, $0x38;
	[tilespmem:$0x1E800] =	vst v63  }
0x1b: {  	_ =	swait.ge [sflag:s11], $0x1400  }
0x1c: {  	[sflag:s11] =	ssyncset.done $0x0  }
0x1d: {  	[sflag:s11] =	ssyncadd.s32 $0xFFFFEC00  }
0x1e: {  	[tilespmem:s14], [sflag:$0x1] =	stream.indirect.gather [hbm4b:s4+s13], $0x80, s3, s13, $0xb8;
	[tilespmem:$0x1E800] =	vst v63  }
0x1f: {  	_ = 	snop  }
0x20: {  	[tilespmem:s15], [sflag:$0x2] =	stream.indirect.gather [hbm4b:s4+s13], $0x80, s13, s13, $0xb8;
	[tilespmem:$0x1E800] =	vst v63  }
0x21: {  	_ =	swait.ge [sflag:s16], $0x4000  }
0x22: {  	[sflag:s16] =	ssyncset.done $0x0  }
0x23: {  	s24 =	simm.s32 $0x1400;
	[sflag:s16] =	ssyncadd.s32 $0xFFFFC000  }
0x24: {  	[spmem:s2] =	stream.indirect.scatter.add.f32 [tilespmem:s14], [sflag:$0x3], $0x80, s24, s13, $0xb8;
	[tilespmem:$0x1E800] =	vst v63  }
0x25: {  	_ =	swait.ge [sflag:s11], $0x4000  }
0x26: {  	[sflag:s11] =	ssyncset.done $0x0  }
0x27: {  	s30 =	simm.s32 $0x100;
	[sflag:s11] =	ssyncadd.s32 $0xFFFFC000  }
0x28: {  	[tilespmem:s14], [sflag:$0x1] =	stream.indirect.gather [hbm4b:s4+s13], $0x80, s30, s13, $0xb8;
	[tilespmem:$0x1E800] =	vst v63  }
0x29: {  	_ =	swait.ge [sflag:s17], $0x4000  }
0x2a: {  	[sflag:s17] =	ssyncset.done $0x0  }
0x2b: {  	s31 =	simm.s32 $0x1480;
	[sflag:s17] =	ssyncadd.s32 $0xFFFFC000  }
0x2c: {  	[spmem:s2] =	stream.indirect.scatter.add.f32 [tilespmem:s15], [sflag:$0x3], $0x80, s31, s13, $0xb8;
	[tilespmem:$0x1E800] =	vst v63  }
0x2d: {  	_ =	swait.ge [sflag:s11], $0x4000  }
0x2e: {  	[sflag:s11] =	ssyncset.done $0x0  }
0x2f: {  	s25 =	simm.s32 $0x180;
	s24 =	simm.s32 $0x400;
	[sflag:s11] =	ssyncadd.s32 $0xFFFFC000  }
.LBB2_2:
0x30: {  	[tilespmem:s15], [sflag:$0x2] =	stream.indirect.gather [hbm4b:s4+s13], $0x80, s25, s13, $0xb8;
	[tilespmem:$0x1E800] =	vst v63  }
0x31: {  	s25 =	smov.u32 s24  }
0x32: {  	p0 =	sne.s32 s24, $0x4800;
	s24 =	sadd.s32 $0x400, s24;
	_ =	swait.ge [sflag:s16], $0x4000  }
0x33: {  	s25 =	sshra.s32 s25, $0x2;
	[sflag:s16] =	ssyncset.done $0x0  }
0x34: {  	s26 =	sadd.s32 $0x1400, s25;
	[sflag:s16] =	ssyncadd.s32 $0xFFFFC000  }
0x35: {  	[spmem:s2] =	stream.indirect.scatter.add.f32 [tilespmem:s14], [sflag:$0x3], $0x80, s26, s13, $0xb8;
	[tilespmem:$0x1E800] =	vst v63  }
0x36: {  	_ =	swait.ge [sflag:s11], $0x4000  }
0x37: {  	[sflag:s11] =	ssyncset.done $0x0  }
0x38: {  	s26 =	sadd.s32 $0x100, s25;
	[sflag:s11] =	ssyncadd.s32 $0xFFFFC000  }
0x39: {  	[tilespmem:s14], [sflag:$0x1] =	stream.indirect.gather [hbm4b:s4+s13], $0x80, s26, s13, $0xb8;
	[tilespmem:$0x1E800] =	vst v63  }
0x3a: {  	_ =	swait.ge [sflag:s17], $0x4000  }
0x3b: {  	[sflag:s17] =	ssyncset.done $0x0  }
.Ltmp0:
0x3c: {  	s26 =	sadd.s32 $0x1480, s25;
	[sflag:s17] =	ssyncadd.s32 $0xFFFFC000;
	(pc) =	sbr.rel @p0 .LBB2_2-.Ltmp0, $4  }
0x3d: {  	[spmem:s2] =	stream.indirect.scatter.add.f32 [tilespmem:s15], [sflag:$0x3], $0x80, s26, s13, $0xb8;
	[tilespmem:$0x1E800] =	vst v63  }
0x3e: {  	_ =	swait.ge [sflag:s11], $0x4000  }
0x3f: {  	[sflag:s11] =	ssyncset.done $0x0  }
0x40: {  	s25 =	sadd.s32 $0x180, s25;
	[sflag:s11] =	ssyncadd.s32 $0xFFFFC000  }
0x41: {  	[tilespmem:s15], [sflag:$0x2] =	stream.indirect.gather [hbm4b:s4+s13], $0x80, s25, s13, $0xb8;
	[tilespmem:$0x1E800] =	vst v63  }
0x42: {  	_ =	swait.ge [sflag:s16], $0x4000  }
0x43: {  	[sflag:s16] =	ssyncset.done $0x0  }
0x44: {  	[sflag:s16] =	ssyncadd.s32 $0xFFFFC000  }
0x45: {  	[spmem:s2] =	stream.indirect.scatter.add.f32 [tilespmem:s14], [sflag:$0x3], $0x80, s18, s13, $0xb8;
	[tilespmem:$0x1E800] =	vst v63  }
0x46: {  	_ =	swait.ge [sflag:s11], $0x4000  }
0x47: {  	[sflag:s11] =	ssyncset.done $0x0  }
0x48: {  	[sflag:s11] =	ssyncadd.s32 $0xFFFFC000  }
0x49: {  	_ =	swait.ge [sflag:s17], $0x4000  }
0x4a: {  	[sflag:s17] =	ssyncset.done $0x0  }
0x4b: {  	[sflag:s17] =	ssyncadd.s32 $0xFFFFC000  }
0x4c: {  	[spmem:s2] =	stream.indirect.scatter.add.f32 [tilespmem:s15], [sflag:$0x3], $0x80, s19, s13, $0xb8;
	[tilespmem:$0x1E800] =	vst v63  }
0x4d: {  	_ =	swait.ge [sflag:s11], $0x4000  }
0x4e: {  	[sflag:s11] =	ssyncset.done $0x0  }
0x4f: {  	s24 =	simm.s32 $0x0;
	[sflag:s11] =	ssyncadd.s32 $0xFFFFC000  }
0x50: {  	[tilespmem:s24], [sflag:$0x3] =	stream.linear.gather [hbm4b:s20+s24], $0x1400, $0x38;
	[tilespmem:$0x1E800] =	vst v63  }
0x51: {  	_ =	swait.ge [sflag:s11], $0x1400  }
0x52: {  	[sflag:s11] =	ssyncset.done $0x0  }
0x53: {  	[sflag:s11] =	ssyncadd.s32 $0xFFFFEC00  }
0x54: {  	[tilespmem:s12], [sflag:$0x3] =	stream.linear.gather [hbm4b:s21+s24], $0x1400, $0x38;
	[tilespmem:$0x1E800] =	vst v63  }
0x55: {  	_ =	swait.ge [sflag:s11], $0x1400  }
0x56: {  	[sflag:s11] =	ssyncset.done $0x0  }
0x57: {  	[sflag:s11] =	ssyncadd.s32 $0xFFFFEC00  }
0x58: {  	[tilespmem:s14], [sflag:$0x1] =	stream.indirect.gather [hbm4b:s4+s13], $0x80, s24, s13, $0xb8;
	[tilespmem:$0x1E800] =	vst v63  }
0x59: {  	_ = 	snop  }
0x5a: {  	[tilespmem:s15], [sflag:$0x2] =	stream.indirect.gather [hbm4b:s4+s13], $0x80, s13, s13, $0xb8;
	[tilespmem:$0x1E800] =	vst v63  }
0x5b: {  	_ =	swait.ge [sflag:s16], $0x4000  }
0x5c: {  	[sflag:s16] =	ssyncset.done $0x0  }
0x5d: {  	s29 =	simm.s32 $0x1400;
	[sflag:s16] =	ssyncadd.s32 $0xFFFFC000  }
0x5e: {  	[spmem:s2] =	stream.indirect.scatter.add.f32 [tilespmem:s14], [sflag:$0x3], $0x80, s29, s13, $0xb8;
	[tilespmem:$0x1E800] =	vst v63  }
0x5f: {  	_ =	swait.ge [sflag:s11], $0x4000  }
0x60: {  	[sflag:s11] =	ssyncset.done $0x0  }
0x61: {  	s30 =	simm.s32 $0x100;
	[sflag:s11] =	ssyncadd.s32 $0xFFFFC000  }
0x62: {  	[tilespmem:s14], [sflag:$0x1] =	stream.indirect.gather [hbm4b:s4+s13], $0x80, s30, s13, $0xb8;
	[tilespmem:$0x1E800] =	vst v63  }
0x63: {  	_ =	swait.ge [sflag:s17], $0x4000  }
0x64: {  	[sflag:s17] =	ssyncset.done $0x0  }
0x65: {  	s31 =	simm.s32 $0x1480;
	[sflag:s17] =	ssyncadd.s32 $0xFFFFC000  }
0x66: {  	[spmem:s2] =	stream.indirect.scatter.add.f32 [tilespmem:s15], [sflag:$0x3], $0x80, s31, s13, $0xb8;
	[tilespmem:$0x1E800] =	vst v63  }
0x67: {  	_ =	swait.ge [sflag:s11], $0x4000  }
0x68: {  	[sflag:s11] =	ssyncset.done $0x0  }
0x69: {  	s25 =	simm.s32 $0x180;
	s24 =	simm.s32 $0x400;
	[sflag:s11] =	ssyncadd.s32 $0xFFFFC000  }
.LBB2_4:
0x6a: {  	[tilespmem:s15], [sflag:$0x2] =	stream.indirect.gather [hbm4b:s4+s13], $0x80, s25, s13, $0xb8;
	[tilespmem:$0x1E800] =	vst v63  }
0x6b: {  	s25 =	smov.u32 s24  }
0x6c: {  	p0 =	sne.s32 s24, $0x4800;
	s24 =	sadd.s32 $0x400, s24;
	_ =	swait.ge [sflag:s16], $0x4000  }
0x6d: {  	s25 =	sshra.s32 s25, $0x2;
	[sflag:s16] =	ssyncset.done $0x0  }
0x6e: {  	s26 =	sadd.s32 $0x1400, s25;
	[sflag:s16] =	ssyncadd.s32 $0xFFFFC000  }
0x6f: {  	[spmem:s2] =	stream.indirect.scatter.add.f32 [tilespmem:s14], [sflag:$0x3], $0x80, s26, s13, $0xb8;
	[tilespmem:$0x1E800] =	vst v63  }
0x70: {  	_ =	swait.ge [sflag:s11], $0x4000  }
0x71: {  	[sflag:s11] =	ssyncset.done $0x0  }
0x72: {  	s26 =	sadd.s32 $0x100, s25;
	[sflag:s11] =	ssyncadd.s32 $0xFFFFC000  }
0x73: {  	[tilespmem:s14], [sflag:$0x1] =	stream.indirect.gather [hbm4b:s4+s13], $0x80, s26, s13, $0xb8;
	[tilespmem:$0x1E800] =	vst v63  }
0x74: {  	_ =	swait.ge [sflag:s17], $0x4000  }
0x75: {  	[sflag:s17] =	ssyncset.done $0x0  }
.Ltmp1:
0x76: {  	s26 =	sadd.s32 $0x1480, s25;
	[sflag:s17] =	ssyncadd.s32 $0xFFFFC000;
	(pc) =	sbr.rel @p0 .LBB2_4-.Ltmp1, $4  }
0x77: {  	[spmem:s2] =	stream.indirect.scatter.add.f32 [tilespmem:s15], [sflag:$0x3], $0x80, s26, s13, $0xb8;
	[tilespmem:$0x1E800] =	vst v63  }
0x78: {  	_ =	swait.ge [sflag:s11], $0x4000  }
0x79: {  	[sflag:s11] =	ssyncset.done $0x0  }
0x7a: {  	s25 =	sadd.s32 $0x180, s25;
	[sflag:s11] =	ssyncadd.s32 $0xFFFFC000  }
0x7b: {  	[tilespmem:s15], [sflag:$0x2] =	stream.indirect.gather [hbm4b:s4+s13], $0x80, s25, s13, $0xb8;
	[tilespmem:$0x1E800] =	vst v63  }
0x7c: {  	_ =	swait.ge [sflag:s16], $0x4000  }
0x7d: {  	[sflag:s16] =	ssyncset.done $0x0  }
0x7e: {  	[sflag:s16] =	ssyncadd.s32 $0xFFFFC000  }
0x7f: {  	[spmem:s2] =	stream.indirect.scatter.add.f32 [tilespmem:s14], [sflag:$0x3], $0x80, s18, s13, $0xb8;
	[tilespmem:$0x1E800] =	vst v63  }
0x80: {  	_ =	swait.ge [sflag:s11], $0x4000  }
0x81: {  	[sflag:s11] =	ssyncset.done $0x0  }
0x82: {  	[sflag:s11] =	ssyncadd.s32 $0xFFFFC000  }
0x83: {  	_ =	swait.ge [sflag:s17], $0x4000  }
0x84: {  	[sflag:s17] =	ssyncset.done $0x0  }
0x85: {  	[sflag:s17] =	ssyncadd.s32 $0xFFFFC000  }
0x86: {  	[spmem:s2] =	stream.indirect.scatter.add.f32 [tilespmem:s15], [sflag:$0x3], $0x80, s19, s13, $0xb8;
	[tilespmem:$0x1E800] =	vst v63  }
0x87: {  	_ =	swait.ge [sflag:s11], $0x4000  }
0x88: {  	s23 =	sadd.s32 $0x1, s23;
	[sflag:s11] =	ssyncset.done $0x0  }
0x89: {  	p0 =	sne.s32 s23, s9;
	[sflag:s11] =	ssyncadd.s32 $0xFFFFC000  }
.Ltmp2:
0x8a: {  	[bflag:$0x0] =	sbarrier.arrive $0xFFFF;
	(pc) =	sbr.rel @p0 .LBB2_1-.Ltmp2, $4  }
0x8b: {  	[hbm:s22], [sflag:s6] =	dma.local [spmem:s10], $0x2800  }
0x8c: {  	_ =	swait.ge [sflag:s11], $0x2800  }
0x8d: {  	[sflag:s11] =	ssyncset.done $0x0  }
0x8e: {  	[sflag:s11] =	ssyncadd.s32 $0xFFFFD800  }
0x8f: {  	_ =	sfence.sel $0x180000  }
0x90: {  	[bflag:$0x0] =	sbarrier.arrive $0xFFFF  }
0x91: {  	p0 =	sne.s32 s0, $0x0;
	_ =	strace $0x9000004D  }
0x92: {  	s0 =	sadd.s32 @!p0 $0x100000, s1;
	[bflag:$0x2] =	sbarrier.arrive $0xFFFF  }
0x93: {  	[sflag:s0] =	ssyncadd.tile.s32 @!p0 $0x1;
	_ =	shalt  }
.Lfunc_end2:
_tile_overlayer_lowered:
.L_overlay_start_2:
0x94: {  	(tag) =	ssettag $0x2  }
0x95: {  	s0 =	rddreg [dreg:$0x0];
	s2 =	stileid.u32  }
0x96: {  	s1 =	rddreg [dreg:$0x1];
	p0 =	sne.s32 s2, $0x0  }
0x97: {  	s3 =	rddreg [dreg:$0x2];
	[bflag:$0x3] =	sbarrier.arrive $0xFFFF;
	s2 =	simm.s32 @!p0 $0x1C03  }
0x98: {  	[timem:s3], [sflag:s2] =	dma.local @!p0 [hbm:s0], s1  }
0x99: {  	s0 =	simm.s32 @!p0 $0x3  }
0x9a: {  	_ =	swait.ge @!p0 [sflag:s0], s1  }
0x9b: {  	s1 =	ssub.s32 @!p0 $0x0, s1;
	[sflag:s0] =	ssyncset.done @!p0 $0x0  }
0x9c: {  	[sflag:s0] =	ssyncadd.s32 @!p0 s1  }
0x9d: {  	[bflag:$0x3] =	sbarrier.arrive $0xFFFF  }
0x9e: {  	_ =	shalt  }

// kernel: kernel.9.cloned.1.call-start
scs
__scs_entry_jumppad:
0x0: {  	(pc) =	sbr.rel $0x88, $3  }
0x1: {  	(tag) =	ssettag $0x0;
	lr =	simm.s32 $0x1  }
0x2: {  	[smem:$0x3F98] =	sst lr;
	_ =	strace $0xD0000000  }
0x3: {  	_ = 	snop  }
0x4: {  	_ = 	snop  }
0x5: {  	_ = 	snop  }
0x6: {  	_ = 	snop  }
0x7: {  	_ = 	snop  }
__scs_overlays_trampoline_lowered:
0x8: {  	[smem:$0x3FA7] =	sst s0  }
0x9: {  	[smem:$0x3FA8] =	sst s1  }
0xa: {  	[smem:$0x3FA9] =	sst s2  }
0xb: {  	[smem:$0x3FAA] =	sst s3  }
0xc: {  	[smem:$0x3FAB] =	sst s4  }
0xd: {  	[smem:$0x3FAC] =	sst s5  }
0xe: {  	[smem:$0x3FAD] =	sst s6  }
0xf: {  	[smem:$0x3FAE] =	sst s7  }
0x10: {  	[smem:$0x3FAF] =	sst s8  }
0x11: {  	[smem:$0x3FB0] =	sst s9;
	s0 =	simm.s32 @!p0 $0x0  }
0x12: {  	s1 =	sld [smem:$0x3F96];
	s0 =	simm.s32 @p0 $0x1  }
0x13: {  	[smem:$0x3FB1] =	sst s0;
	s0 =	simm.s32 @!p1 $0x0  }
0x14: {  	s2 =	sld [smem:$0x3F95];
	s0 =	simm.s32 @p1 $0x1  }
0x15: {  	[smem:$0x3FB2] =	sst s0;
	s0 =	simm.s32 @!p2 $0x0  }
0x16: {  	s3 =	sld [smem:$0x3FDB];
	s0 =	simm.s32 @p2 $0x1  }
0x17: {  	s4 =	simm.s32 $0x1BF5;
	[smem:$0x3FB4] =	sst s0  }
0x18: {  	s0 =	sld [smem:$0x3F97];
	_ =	swait.ge [sflag:s4], $0x0  }
0x19: {  	s7 =	sld [smem:$0x3F98]  }
0x1a: {  	s8 =	sadd.s32 $0xFFFFE003, lr  }
0x1b: {  	s9 =	sadd.s32 $0xFFFFFEF7, lr;
	s5 =	simm.s32 $0xFFFFFFFF;
	p2 =	slt.u32 s8, $0xFFFFF086  }
0x1c: {  	p1 =	slt.u32 s9, $0xF7A;
	s5 =	simm.s32 @!p2 $0x0  }
0x1d: {  	s5 =	simm.s32 @p1 $0x1;
	p0 =	seq.s32 s7, s2  }
0x1e: {  	s7 =	smul.u32 @!p0 $0xF7A, s2;
	p2 =	seq.s32 @!p0 s5, $0x0  }
0x1f: {  	s9 =	smul.u32 $0xF7A, s1;
	s8 =	simm.s32 @!p0 $0x1BF5;
	p2 =	por !p2, p0  }
0x20: {  	[sflag:s8] =	ssyncset.s32 @!p0 $0xFFFFF086;
	s6 =	sadd.s32 @!p0 s3, s7;
	s7 =	simm.s32 @!p0 $0x108  }
0x21: {  	s3 =	sadd.s32 s3, s9;
	s6 =	sadd.s32 @!p0 $0x88, s6;
	s7 =	simm.s32 @p2 $0x1082  }
0x22: {  	[simem:s7], [sflag:s8] =	dma.local @!p0 [hbm:s6], $0xF7A  }
0x23: {  	s9 =	sor.u32 $0xD0000000, s2;
	s6 =	simm.s32 $0x108;
	_ =	swait.ge @!p0 [sflag:s8], $0x0  }
0x24: {  	s3 =	sadd.s32 $0x88, s3;
	s6 =	simm.s32 @!p1 $0x1082;
	[sflag:s4] =	ssyncset.s32 $0xFFFFF086  }
0x25: {  	[simem:s6], [sflag:s4] =	dma.local [hbm:s3], $0xF7A  }
0x26: {  	[smem:$0x3F98] =	sst s1;
	(tag) =	ssettag s2;
	_ =	strace s9  }
0x27: {  	s1 =	sld [smem:$0x3FA8]  }
0x28: {  	s2 =	sld [smem:$0x3FA9]  }
0x29: {  	s4 =	sld [smem:$0x3FAB]  }
0x2a: {  	p0 =	seq.s32 s5, $0x0;
	s5 =	sld [smem:$0x3FAC]  }
0x2b: {  	s6 =	sld [smem:$0x3FAD]  }
0x2c: {  	s7 =	sld [smem:$0x3FAE]  }
0x2d: {  	s3 =	simm.s32 $0x108;
	s8 =	sld [smem:$0x3FAF]  }
0x2e: {  	s3 =	simm.s32 @!p0 $0x1082;
	s9 =	sld [smem:$0x3FB0]  }
0x2f: {  	lr =	sadd.s32 s0, s3;
	s0 =	sld [smem:$0x3FA7]  }
0x30: {  	s3 =	sld [smem:$0x3FAA]  }
0x31: {  	[smem:$0x3FB3] =	sst s10  }
0x32: {  	s10 =	sld [smem:$0x3FB1];
	_ =	sdelay $0x3  }
0x33: {  	p0 =	seq.s32 s10, $0x1;
	s10 =	sld [smem:$0x3FB3];
	_ =	sdelay $0x3  }
0x34: {  	[smem:$0x3FB3] =	sst s10  }
0x35: {  	s10 =	sld [smem:$0x3FB2];
	_ =	sdelay $0x3  }
0x36: {  	p1 =	seq.s32 s10, $0x1;
	s10 =	sld [smem:$0x3FB3];
	_ =	sdelay $0x3  }
0x37: {  	[smem:$0x3FB3] =	sst s10  }
0x38: {  	s10 =	sld [smem:$0x3FB4]  }
0x39: {  	_ = 	snop;
	(pc) =	sbr.ind lr, $3  }
0x3a: {  	_ = 	snop  }
0x3b: {  	_ = 	snop  }
0x3c: {  	p2 =	seq.s32 s10, $0x1;
	s10 =	sld [smem:$0x3FB3]  }
0x3d: {  	_ =	shalt  }
0x3e: {  	_ =	shalt  }
0x3f: {  	_ =	shalt  }
0x40: {  	_ =	shalt  }
0x41: {  	_ =	shalt  }
0x42: {  	_ =	shalt  }
0x43: {  	_ =	shalt  }
0x44: {  	_ =	shalt  }
0x45: {  	_ =	shalt  }
0x46: {  	_ =	shalt  }
0x47: {  	_ =	shalt  }
0x48: {  	_ =	shalt  }
0x49: {  	_ =	shalt  }
0x4a: {  	_ =	shalt  }
0x4b: {  	_ =	shalt  }
0x4c: {  	_ =	shalt  }
0x4d: {  	_ =	shalt  }
0x4e: {  	_ =	shalt  }
0x4f: {  	_ =	shalt  }
0x50: {  	_ =	shalt  }
0x51: {  	_ =	shalt  }
0x52: {  	_ =	shalt  }
0x53: {  	_ =	shalt  }
0x54: {  	_ =	shalt  }
0x55: {  	_ =	shalt  }
0x56: {  	_ =	shalt  }
0x57: {  	_ =	shalt  }
0x58: {  	_ =	shalt  }
0x59: {  	_ =	shalt  }
0x5a: {  	_ =	shalt  }
0x5b: {  	_ =	shalt  }
0x5c: {  	_ =	shalt  }
0x5d: {  	_ =	shalt  }
0x5e: {  	_ =	shalt  }
0x5f: {  	_ =	shalt  }
0x60: {  	_ =	shalt  }
0x61: {  	_ =	shalt  }
0x62: {  	_ =	shalt  }
0x63: {  	_ =	shalt  }
0x64: {  	_ =	shalt  }
0x65: {  	_ =	shalt  }
0x66: {  	_ =	shalt  }
0x67: {  	_ =	shalt  }
0x68: {  	_ =	shalt  }
0x69: {  	_ =	shalt  }
0x6a: {  	_ =	shalt  }
0x6b: {  	_ =	shalt  }
0x6c: {  	_ =	shalt  }
0x6d: {  	_ =	shalt  }
0x6e: {  	_ =	shalt  }
0x6f: {  	_ =	shalt  }
0x70: {  	_ =	shalt  }
0x71: {  	_ =	shalt  }
0x72: {  	_ =	shalt  }
0x73: {  	_ =	shalt  }
0x74: {  	_ =	shalt  }
0x75: {  	_ =	shalt  }
0x76: {  	_ =	shalt  }
0x77: {  	_ =	shalt  }
0x78: {  	_ =	shalt  }
0x79: {  	_ =	shalt  }
0x7a: {  	_ =	shalt  }
0x7b: {  	_ =	shalt  }
0x7c: {  	_ =	shalt  }
0x7d: {  	_ =	shalt  }
0x7e: {  	_ =	shalt  }
0x7f: {  	_ =	shalt  }
0x80: {  	_ =	shalt  }
0x81: {  	_ =	shalt  }
0x82: {  	_ =	shalt  }
0x83: {  	_ =	shalt  }
0x84: {  	_ =	shalt  }
0x85: {  	_ =	shalt  }
0x86: {  	_ =	shalt  }
0x87: {  	_ =	shalt  }
.Lfunc_end0:
.L_simem_size_0:
called_computation_lowered:
.L_overlay_start_0:
0x88: {  	s2 =	sld [smem:$0x3FD9]  }
0x89: {  	s3 =	sld [smem:$0x3FFE];
	_ =	sdelay $0x1  }
0x8a: {  	s1 =	srdreg.scid  }
0x8b: {  	s0 =	sand.u32 $0x1, s1  }
0x8c: {  	s16 =	sshll.u32 s0, $0xA;
	s2 =	sadd.s32 s3, s2  }
0x8d: {  	s2 =	sadd.s32 s2, s16  }
0x8e: {  	[smem:$0x3FBF] =	sst s2  }
0x8f: {  	_ = 	snop  }
0x90: {  	(tm) =	ssettm $0x1  }
0x91: {  	s17 =	sld [smem:$0x3FFB];
	_ =	sdelay $0x3  }
0x92: {  	_ =	strace s17  }
0x93: {  	s2 =	sld [smem:$0x3FFC];
	_ =	sdelay $0x3  }
0x94: {  	_ =	strace s2  }
0x95: {  	s2 =	sld [smem:$0x3FFD];
	_ =	sdelay $0x3  }
0x96: {  	_ =	strace s2  }
0x97: {  	_ =	strace $0x8FFFFFFF  }
0x98: {  	s18 =	sld [smem:$0x3FDB];
	_ =	sdelay $0x1  }
0x99: {  	s19 =	simm.s32 $_scs_section_size  }
0x9a: {  	s4 =	simm.s32 $_size__tile_overlayer_lowered;
	s5 =	simm.s32 $_tile_overlayer_lowered  }
0x9b: {  	s22 =	simm.s32 $0x1BFF;
	s21 =	sshll.u32 s5, $0x1;
	s2 =	sadd.s32 s19, s18  }
0x9c: {  	s6 =	simm.s32 $0x0;
	s20 =	sshll.u32 s4, $0x1;
	s4 =	sadd.s32 s21, s2  }
0x9d: {  	[timem:s6], [sflag:s22] =	dma.local [hbm:s4], s20  }
0x9e: {  	_ =	swait.ge [sflag:s22], s20  }
0x9f: {  	s3 =	ssub.s32 $0x0, s20;
	[sflag:s22] =	ssyncset.done $0x0  }
0xa0: {  	[sflag:s22] =	ssyncadd.s32 s3;
	_ =	sdelay $0x1  }
0xa1: {  	s23 =	simm.s32 $0x1B8B  }
0xa2: {  	_ =	swait.ge [sflag:s23], $0x1  }
0xa3: {  	[sflag:s23] =	ssyncset.done $0x0  }
0xa4: {  	s25 =	simm.s32 $0x1B8E;
	s24 =	sld [smem:$0x3FFE];
	[sflag:s23] =	ssyncadd.s32 $0xFFFFFFFF  }
0xa5: {  	s26 =	simm.s32 $execute0_lowered;
	[smem:$0x3FD2] =	sst s25  }
0xa6: {  	s4 =	sshll.u32 s26, $0x1;
	_ =	strace $0x80000046;
	[dreg:$0x1] =	wrdreg $0xFFFFFFFF  }
0xa7: {  	s28 =	simm.s32 $_size_execute0_lowered;
	s2 =	sadd.s32 s2, s4;
	[dreg:$0x0] =	wrdreg $0x0  }
0xa8: {  	s4 =	sshll.u32 s28, $0x1;
	[dreg:$0x2] =	wrdreg s2  }
0xa9: {  	[dreg:$0x3] =	wrdreg s4  }
0xaa: {  	[dreg:$0x4] =	wrdreg $0xC0  }
0xab: {  	_ =	task [dreg:s6], $0x5FFFF  }
0xac: {  	[dreg:$0x1] =	wrdreg $0xFFFFFFFF  }
0xad: {  	[dreg:$0x0] =	wrdreg $0x60  }
0xae: {  	[dreg:$0x2] =	wrdreg s24  }
0xaf: {  	[dreg:$0x3] =	wrdreg $0x68000  }
0xb0: {  	[dreg:$0x4] =	wrdreg $0x9  }
0xb1: {  	_ =	task.clear_ibuf [dreg:s6], $0x5FFFF;
	_ =	strace $0x90000046  }
0xb2: {  	s29 =	simm.s32 $0x9;
	_ =	strace $0x80000048  }
0xb3: {  	_ =	swait.ge [sflag:s29], $0x1  }
0xb4: {  	[sflag:s29] =	ssyncadd.s32 $0xFFFFFFFF  }
0xb5: {  	_ =	strace $0x90000048  }
0xb6: {  	_ =	sfence  }
0xb7: {  	s30 =	sld [smem:$0x0];
	_ =	sdelay $0x2  }
0xb8: {  	s31 =	sshll.u32 s1, $0xD;
	s1 =	sshrl.u32 s1, $0x2  }
0xb9: {  	s3 =	sand.u32 $0x4000, s31;
	s1 =	sadd.s32 s1, s30  }
0xba: {  	s0 =	sor.u32 s3, s0;
	s1 =	sshll.u32 s1, $0x11  }
0xbb: {  	s0 =	sor.u32 s1, s0  }
0xbc: {  	s0 =	sadd.s32 $0x8F2B, s0  }
0xbd: {  	[sflag:s0] =	ssyncadd.remote.s32 $0x1  }
0xbe: {  	_ =	sfence.sel $0xFFFF  }
0xbf: {  	[dreg:$0x0] =	wrdreg $0xFFFFFFFF;
	(pc) =	sbr.abs _section_cstart, $3  }
0xc0: {  	[dreg:$0x1] =	wrdreg $0xFFFFFFFF  }
0xc1: {  	_ =	task.clear_ibuf [dreg:s6], $0x2FFFF;
	_ =	strace $0x9FFFFFFF  }
0xc2: {  	(tm) =	ssettm $0x7FFFFFFF  }
0xc3: {  	_ =	shalt  }
tec
execute0_lowered:
.L_overlay_start_1:
0x0: {  	(tag) =	ssettag $0x1  }
0x1: {  	s1 =	srdreg.scid;
	s5 =	rddreg [dreg:$0x0]  }
0x2: {  	s0 =	stileid.u32;
	s2 =	rddreg [dreg:$0x1]  }
0x3: {  	s3 =	simm.s32 $0x0;
	s11 =	simm.s32 $0x1;
	s12 =	simm.s32 $0x2800  }
0x4: {  	s13 =	simm.s32 $0x80;
	s17 =	simm.s32 $0x0;
	s8 =	smul.u32 $0x50000, s0  }
0x5: {  	s4 =	sand.u32 $0x1, s1;
	s29 =	sshll.u32 s0, $0x1;
	s15 =	smul.u32 $0x2800, s0  }
0x6: {  	[smem:$0x7FF] =	sst s3;
	s1 =	sor.u32 s4, s29;
	s7 =	smul.u32 $0x28000, s4  }
0x7: {  	s31 =	sshll.u32 s0, $0x6;
	s4 =	ssub.s32 $0x2, s4;
	s6 =	smul.u32 $0x500, s1  }
0x8: {  	s1 =	rddreg [dreg:$0x2];
	_ =	strace $0x80000047;
	s30 =	sshrl.u32 s4, $0x1  }
0x9: {  	s8 =	sshrl.u32 s8, $0x2;
	s7 =	sadd.s32 s7, s5;
	s9 =	ssub.s32 s4, s30  }
0xa: {  	s6 =	sadd.s32 s6, s5;
	s5 =	sadd.s32 s8, s2;
	s14 =	sadd.s32 $0x16800, s7  }
0xb: {  	s4 =	sadd.s32 $0x2800, s6;
	s6 =	smax.u32 s9, $0x1;
	s7 =	sadd.s32 $0x4000, s5  }
0xc: {  	s8 =	sadd.s32 $0x8000, s5;
	s9 =	sadd.s32 $0xC000, s5;
	s10 =	sadd.s32 $0x10000, s5  }
0xd: {  	v0 =	vimm.f32 $0.0e+00;
	v1 =	vimm.f32 $1.000000000e+00;
	s14 =	sadd.s32 s15, s14;
	s15 =	sor.u32 $0x1C01, s31;
	s16 =	sshrl.u32 s5, $0x3  }
.LBB2_1:
0xe: {  	[tilespmem:s3], [sflag:$0x1] =	stream.linear.gather [hbm4b:s4+s3], $0x2800, $0x38;
	[tilespmem:$0x1A800] =	vst v63  }
0xf: {  	_ =	swait.ge [sflag:s11], $0x2800  }
0x10: {  	[sflag:s11] =	ssyncset.done $0x0  }
0x11: {  	s18 =	simm.s32 $0x0;
	s19 =	simm.s32 $0x200;
	[sflag:s11] =	ssyncadd.s32 $0xFFFFD800  }
.LBB2_2:
0x12: {  	p0 =	sne.s32 s19, $0xFE00;
	[tilespmem:s18+$0x2870] =	vst v0  }
0x13: {  	[tilespmem:s18+$0x2800] =	vst v0  }
0x14: {  	[tilespmem:s18+$0x2810] =	vst v0  }
.Ltmp0:
0x15: {  	[tilespmem:s18+$0x2820] =	vst v0;
	(pc) =	sbr.rel @p0 .LBB2_2-.Ltmp0, $4  }
0x16: {  	[tilespmem:s18+$0x2830] =	vst v0  }
0x17: {  	[tilespmem:s18+$0x2840] =	vst v0  }
0x18: {  	[tilespmem:s18+$0x2850] =	vst v0  }
0x19: {  	[tilespmem:s18+$0x2860] =	vst v0;
	s18 =	sshra.s32 s19, $0x2;
	s19 =	sadd.s32 $0x200, s19  }
0x1a: {  	[tilespmem:s18+$0x2870] =	vst v0  }
0x1b: {  	[tilespmem:s18+$0x2800] =	vst v0  }
0x1c: {  	[tilespmem:s18+$0x2810] =	vst v0  }
0x1d: {  	[tilespmem:s18+$0x2820] =	vst v0  }
0x1e: {  	[tilespmem:s18+$0x2830] =	vst v0  }
0x1f: {  	[tilespmem:s18+$0x2840] =	vst v0  }
0x20: {  	[tilespmem:s18+$0x2850] =	vst v0  }
0x21: {  	[tilespmem:s18+$0x2860] =	vst v0  }
0x22: {  	[spmem:s5] =	stream.linear.scatter [tilespmem:s12], [sflag:$0x1], $0x4000, $0x38;
	[tilespmem:$0x1A800] =	vst v63  }
0x23: {  	_ =	swait.ge [sflag:s11], $0x4000  }
0x24: {  	[sflag:s11] =	ssyncset.done $0x0  }
0x25: {  	[sflag:s11] =	ssyncadd.s32 $0xFFFFC000  }
0x26: {  	[spmem:s7] =	stream.linear.scatter [tilespmem:s12], [sflag:$0x1], $0x4000, $0x38;
	[tilespmem:$0x1A800] =	vst v63  }
0x27: {  	_ =	swait.ge [sflag:s11], $0x4000  }
0x28: {  	[sflag:s11] =	ssyncset.done $0x0  }
0x29: {  	[sflag:s11] =	ssyncadd.s32 $0xFFFFC000  }
0x2a: {  	[spmem:s8] =	stream.linear.scatter [tilespmem:s12], [sflag:$0x1], $0x4000, $0x38;
	[tilespmem:$0x1A800] =	vst v63  }
0x2b: {  	_ =	swait.ge [sflag:s11], $0x4000  }
0x2c: {  	[sflag:s11] =	ssyncset.done $0x0  }
0x2d: {  	[sflag:s11] =	ssyncadd.s32 $0xFFFFC000  }
0x2e: {  	[spmem:s9] =	stream.linear.scatter [tilespmem:s12], [sflag:$0x1], $0x4000, $0x38;
	[tilespmem:$0x1A800] =	vst v63  }
0x2f: {  	_ =	swait.ge [sflag:s11], $0x4000  }
0x30: {  	[sflag:s11] =	ssyncset.done $0x0  }
0x31: {  	[sflag:s11] =	ssyncadd.s32 $0xFFFFC000  }
0x32: {  	[spmem:s10] =	stream.linear.scatter [tilespmem:s12], [sflag:$0x1], $0x4000, $0x38;
	[tilespmem:$0x1A800] =	vst v63  }
0x33: {  	_ =	swait.ge [sflag:s11], $0x4000  }
0x34: {  	[sflag:s11] =	ssyncset.done $0x0  }
0x35: {  	s18 =	simm.s32 $0x0;
	s19 =	simm.s32 $0x200;
	[sflag:s11] =	ssyncadd.s32 $0xFFFFC000  }
.LBB2_4:
0x36: {  	p0 =	sne.s32 s19, $0xFE00;
	[tilespmem:s18+$0x2870] =	vst v1  }
0x37: {  	[tilespmem:s18+$0x2800] =	vst v1  }
0x38: {  	[tilespmem:s18+$0x2810] =	vst v1  }
.Ltmp1:
0x39: {  	[tilespmem:s18+$0x2820] =	vst v1;
	(pc) =	sbr.rel @p0 .LBB2_4-.Ltmp1, $4  }
0x3a: {  	[tilespmem:s18+$0x2830] =	vst v1  }
0x3b: {  	[tilespmem:s18+$0x2840] =	vst v1  }
0x3c: {  	[tilespmem:s18+$0x2850] =	vst v1  }
0x3d: {  	[tilespmem:s18+$0x2860] =	vst v1;
	s18 =	sshra.s32 s19, $0x2;
	s19 =	sadd.s32 $0x200, s19  }
0x3e: {  	[tilespmem:s18+$0x2870] =	vst v1  }
0x3f: {  	[tilespmem:s18+$0x2800] =	vst v1  }
0x40: {  	[tilespmem:s18+$0x2810] =	vst v1  }
0x41: {  	[tilespmem:s18+$0x2820] =	vst v1  }
0x42: {  	[tilespmem:s18+$0x2830] =	vst v1  }
0x43: {  	[tilespmem:s18+$0x2840] =	vst v1  }
0x44: {  	[tilespmem:s18+$0x2850] =	vst v1  }
0x45: {  	[tilespmem:s18+$0x2860] =	vst v1  }
0x46: {  	s31 =	simm.s32 $0x0;
	[bflag:$0x0] =	sbarrier.arrive $0xFFFF  }
0x47: {  	[spmem:s2] =	stream.indirect.scatter.add.f32 [tilespmem:s12], [sflag:$0x1], $0x80, s31, s13, $0xb8;
	[tilespmem:$0x1A800] =	vst v63  }
0x48: {  	_ =	swait.ge [sflag:s11], $0x4000  }
0x49: {  	s18 =	simm.s32 $0x200;
	[sflag:s11] =	ssyncset.done $0x0  }
.LBB2_6:
0x4a: {  	s19 =	sshra.s32 s18, $0x2;
	[sflag:s11] =	ssyncadd.s32 $0xFFFFC000;
	p0 =	sne.s32 s18, $0x9E00  }
0x4b: {  	[spmem:s2] =	stream.indirect.scatter.add.f32 [tilespmem:s12], [sflag:$0x1], $0x80, s19, s13, $0xb8;
	[tilespmem:$0x1A800] =	vst v63  }
.Ltmp2:
0x4c: {  	_ = 	snop;
	(pc) =	sbr.rel @p0 .LBB2_6-.Ltmp2, $4  }
0x4d: {  	_ = 	snop  }
0x4e: {  	s18 =	sadd.s32 $0x200, s18  }
0x4f: {  	_ =	swait.ge [sflag:s11], $0x4000  }
0x50: {  	[sflag:s11] =	ssyncset.done $0x0  }
0x51: {  	s17 =	sadd.s32 $0x1, s17  }
0x52: {  	[sflag:s11] =	ssyncadd.s32 $0xFFFFC000;
	p0 =	sne.s32 s17, s6  }
.Ltmp3:
0x53: {  	[bflag:$0x0] =	sbarrier.arrive $0xFFFF;
	(pc) =	sbr.rel @p0 .LBB2_1-.Ltmp3, $4  }
0x54: {  	[hbm:s14], [sflag:s15] =	dma.local [spmem:s16], $0x2800  }
0x55: {  	_ =	swait.ge [sflag:s11], $0x2800  }
0x56: {  	[sflag:s11] =	ssyncset.done $0x0  }
0x57: {  	[sflag:s11] =	ssyncadd.s32 $0xFFFFD800  }
0x58: {  	_ =	sfence.sel $0x180000  }
0x59: {  	[bflag:$0x0] =	sbarrier.arrive $0xFFFF  }
0x5a: {  	p0 =	sne.s32 s0, $0x0;
	_ =	strace $0x90000047  }
0x5b: {  	s0 =	sadd.s32 @!p0 $0x100000, s1;
	[bflag:$0x2] =	sbarrier.arrive $0xFFFF  }
0x5c: {  	[sflag:s0] =	ssyncadd.tile.s32 @!p0 $0x1;
	_ =	shalt  }
.Lfunc_end2:
_tile_overlayer_lowered:
.L_overlay_start_2:
0x5d: {  	(tag) =	ssettag $0x2  }
0x5e: {  	s0 =	rddreg [dreg:$0x0];
	s2 =	stileid.u32  }
0x5f: {  	s1 =	rddreg [dreg:$0x1];
	p0 =	sne.s32 s2, $0x0  }
0x60: {  	s3 =	rddreg [dreg:$0x2];
	[bflag:$0x3] =	sbarrier.arrive $0xFFFF;
	s2 =	simm.s32 @!p0 $0x1C01  }
0x61: {  	[timem:s3], [sflag:s2] =	dma.local @!p0 [hbm:s0], s1  }
0x62: {  	s0 =	simm.s32 @!p0 $0x1  }
0x63: {  	_ =	swait.ge @!p0 [sflag:s0], s1  }
0x64: {  	s1 =	ssub.s32 @!p0 $0x0, s1;
	[sflag:s0] =	ssyncset.done @!p0 $0x0  }
0x65: {  	[sflag:s0] =	ssyncadd.s32 @!p0 s1  }
0x66: {  	[bflag:$0x3] =	sbarrier.arrive $0xFFFF  }
0x67: {  	_ =	shalt  }

</sc_bundles>
